<compile_context>
chip_gen: v7x
topology: tpu7x:2x2x1
jax: 0.10.2.dev20260603
libtpu: 0.0.44.dev20260713+nightly
codegen_flags: <defaults>
</compile_context>

<pallas_src>
import functools

import jax
import jax.numpy as jnp
from jax import lax
from jax.experimental import pallas as pl
from jax.experimental.pallas import tpu as pltpu
from jax.experimental.pallas import tpu_sc as plsc

_TOP_K = 8
_BLK = 2048
_E = 64
_TOKENS = 16384
_NCHUNKS = 1
_CHUNK = _TOKENS // _NCHUNKS
_NWORKERS = 32
_TPW = _CHUNK // _NWORKERS


def _logits_body(x_ref, w_ref, out_ref):
    x = x_ref[...]
    w = w_ref[...]
    logits_t = jax.lax.dot_general(
        w, x, (((1,), (1,)), ((), ())),
        preferred_element_type=jnp.float32)
    out_ref[...] = logits_t.T


def _logits_chunk(x, weight, chunk):
    blocks = _CHUNK // _BLK
    return pl.pallas_call(
        _logits_body,
        grid=(blocks,),
        in_specs=[
            pl.BlockSpec((_BLK, x.shape[1]),
                         lambda i, c=chunk: (c * blocks + i, 0)),
            pl.BlockSpec(weight.shape, lambda i: (0, 0)),
        ],
        out_specs=pl.BlockSpec((_BLK, _E), lambda i: (i, 0)),
        out_shape=jax.ShapeDtypeStruct((_CHUNK, _E), jnp.float32),
    )(x, weight)


def _topk_sc_body(logits_hbm, idx_hbm, wgt_hbm, sc_v, oi_v, ow_v,
                  sem0, sem1, osem):
    wid = lax.axis_index("s") * 2 + lax.axis_index("c")
    base = wid * (_TPW * _E)
    half_in = _TPW * _E // 2
    half_out = _TPW * _TOP_K // 2
    cp0 = pltpu.make_async_copy(
        logits_hbm.at[pl.ds(base, half_in)],
        sc_v.at[pl.ds(0, half_in)], sem0)
    cp1 = pltpu.make_async_copy(
        logits_hbm.at[pl.ds(base + half_in, half_in)],
        sc_v.at[pl.ds(half_in, half_in)], sem1)
    cp0.start()
    cp1.start()

    lane = lax.iota(jnp.int32, 16)
    lo8 = lane < 8
    shift8 = jnp.maximum(lane - 8, 0)

    def topk_one(off):
        ks = [sc_v[pl.ds(off + j * 16, 16)] for j in range(4)]
        vs = [lane + j * 16 for j in range(4)]
        srt = [plsc.sort_key_val(ks[j], vs[j], descending=True)
               for j in range(4)]

        def merge(a, b):
            ck = jnp.where(lo8, a[0], jnp.flip(b[0], 0))
            cv = jnp.where(lo8, a[1], jnp.flip(b[1], 0))
            return plsc.sort_key_val(ck, cv, descending=True)

        fk, fv = merge(merge(srt[0], srt[1]), merge(srt[2], srt[3]))
        m = jnp.max(fk)
        e = jnp.where(lo8, jnp.exp(fk - m), 0.0)
        w = e / jnp.sum(e)
        return fv, w

    def token_pair(t):
        ia, wa = topk_one(t * _E)
        ib, wb = topk_one((t + 1) * _E)
        ipair = jnp.where(lo8, ia, ib.at[shift8].get(mode="promise_in_bounds"))
        wpair = jnp.where(lo8, wa, wb.at[shift8].get(mode="promise_in_bounds"))
        oi_v[pl.ds(t * _TOP_K, 16)] = ipair
        ow_v[pl.ds(t * _TOP_K, 16)] = wpair

    obase = wid * (_TPW * _TOP_K)
    cp0.wait()
    plsc.parallel_loop(0, _TPW // 2, step=2, unroll=4)(token_pair)
    oc0 = pltpu.make_async_copy(
        oi_v.at[pl.ds(0, half_out)],
        idx_hbm.at[pl.ds(obase, half_out)], osem)
    oc1 = pltpu.make_async_copy(
        ow_v.at[pl.ds(0, half_out)],
        wgt_hbm.at[pl.ds(obase, half_out)], osem)
    oc0.start()
    oc1.start()
    cp1.wait()
    plsc.parallel_loop(_TPW // 2, _TPW, step=2, unroll=4)(token_pair)
    oc0.wait()
    oc1.wait()
    pltpu.sync_copy(oi_v.at[pl.ds(half_out, half_out)],
                    idx_hbm.at[pl.ds(obase + half_out, half_out)])
    pltpu.sync_copy(ow_v.at[pl.ds(half_out, half_out)],
                    wgt_hbm.at[pl.ds(obase + half_out, half_out)])


def _topk_sc(logits_flat):
    n_out = _CHUNK * _TOP_K
    pad = _TPW * _TOP_K + 8
    fn = functools.partial(
        pl.kernel, _topk_sc_body,
        mesh=plsc.VectorSubcoreMesh(core_axis_name="c", subcore_axis_name="s"),
        out_type=[
            jax.ShapeDtypeStruct((n_out,), jnp.int32),
            jax.ShapeDtypeStruct((n_out,), jnp.float32),
        ],
        scratch_types=[
            pltpu.VMEM((_TPW * _E,), jnp.float32),
            pltpu.VMEM((pad,), jnp.int32),
            pltpu.VMEM((pad,), jnp.float32),
            pltpu.SemaphoreType.DMA,
            pltpu.SemaphoreType.DMA,
            pltpu.SemaphoreType.DMA,
        ],
        compiler_params=pltpu.CompilerParams(needs_layout_passes=False),
    )()
    return fn(logits_flat)


@jax.jit
def _gate(x, weight):
    idxs = []
    wgts = []
    for c in range(_NCHUNKS):
        logits_c = _logits_chunk(x, weight, c)
        idx_c, wgt_c = _topk_sc(logits_c.reshape(-1))
        idxs.append(idx_c.reshape(_CHUNK, _TOP_K))
        wgts.append(wgt_c.reshape(_CHUNK, _TOP_K))
    return jnp.concatenate(idxs, axis=0), jnp.concatenate(wgts, axis=0)


def kernel(hidden_states, weight):
    bsz, seq_len, h = hidden_states.shape
    x = hidden_states.reshape(-1, h)
    topk_idx, topk_weight = _gate(x, weight)
    return (topk_idx, topk_weight, jnp.float32(0.0))

# --- scband reference (transcript-rebuilt; emitter-appended) ---
"""Pipeline reference for scband-moe-gate-34411277975713 (READ-ONLY COPY).

The authoritative reference and input builder live on the scoring server;
editing this copy changes nothing except your own understanding.
"""

import jax, jax.numpy as jnp
import numpy as np

BSZ, SEQ, HID = 4, 4096, 2048
N_EXPERTS = 64
TOP_K = 8

def setup_inputs(seed: int = 0) -> dict:
    key = jax.random.key(seed)
    k1, k2 = jax.random.split(key)
    hidden_states = jax.random.normal(k1, (BSZ, SEQ, HID), dtype=jnp.float32)
    # kaiming_uniform_ with a=sqrt(5): gain = sqrt(2/(1+5)) = sqrt(1/3); bound = gain*sqrt(3/fan_in) = 1/sqrt(fan_in)
    fan_in = HID
    bound = 1.0 / np.sqrt(fan_in)
    weight = jax.random.uniform(k2, (N_EXPERTS, HID), minval=-bound, maxval=bound, dtype=jnp.float32)
    return {"hidden_states": hidden_states, "weight": weight}

def reference(hidden_states, weight):
    # eval-mode forward (self.training == False -> aux_loss = 0)
    bsz, seq_len, h = hidden_states.shape
    x = hidden_states.reshape(-1, h)
    logits = x @ weight.T  # F.linear(x, weight)
    scores = jax.nn.softmax(logits, axis=-1)
    topk_weight, topk_idx = jax.lax.top_k(scores, TOP_K)
    # top_k > 1 and norm_topk_prob
    denominator = jnp.sum(topk_weight, axis=-1, keepdims=True) + 1e-20
    topk_weight = topk_weight / denominator
    aux_loss = jnp.float32(0.0)
    return (topk_idx, topk_weight, aux_loss)

if __name__ == "__main__":
    import jax
    _d = setup_inputs()
    print(jax.jit(kernel)(*tuple(_d.values())))

</pallas_src>

<mosaic_0001>
#map = affine_map<(d0, d1) -> (0)>
module attributes {stable_mosaic.version = 14 : i64} {
  func.func @_topk_sc_body(%arg0: i32, %arg1: i32, %arg2: memref<1048576xf32, #tpu.memory_space<hbm>>, %arg3: memref<131072xi32, #tpu.memory_space<hbm>>, %arg4: memref<131072xf32, #tpu.memory_space<hbm>>, %arg5: memref<32768xf32, #tpu.memory_space<vmem>>, %arg6: memref<4104xi32, #tpu.memory_space<vmem>>, %arg7: memref<4104xf32, #tpu.memory_space<vmem>>, %arg8: memref<!tpu.dma_semaphore, #tpu.memory_space<semaphore_mem>>, %arg9: memref<!tpu.dma_semaphore, #tpu.memory_space<semaphore_mem>>, %arg10: memref<!tpu.dma_semaphore, #tpu.memory_space<semaphore_mem>>) attributes {dimension_semantics = [#tpu.dimension_semantics<core_parallel>, #tpu.dimension_semantics<subcore_parallel>], iteration_bounds = array<i64: 2, 16>, scalar_prefetch = 0 : i64, scratch_operands = 6 : i64, tpu.core_type = #tpu.core_type<sc_vector_subcore>, window_params = [{transform_indices = #map}, {transform_indices = #map}, {transform_indices = #map}]} {
    %mul3A = arith.constant 2 : i32
    %mul3A_0 = arith.muli %arg1, %mul3A : i32
    %add3A = arith.addi %mul3A_0, %arg0 : i32
    %mul3A_1 = arith.constant 32768 : i32
    %mul3A_2 = arith.muli %add3A, %mul3A_1 : i32
    %add3A_3 = arith.constant 16384 : i32
    %add3A_4 = arith.addi %mul3A_2, %add3A_3 : i32
    %dma_start3A = arith.constant 0 : i32
    %dma_start3A_5 = tpu.memref_slice %arg5[%dma_start3A] : memref<32768xf32, #tpu.memory_space<vmem>> -> memref<16384xf32, #tpu.memory_space<vmem>>
    %dma_start3A_6 = tpu.memref_slice %arg2[%mul3A_2] : memref<1048576xf32, #tpu.memory_space<hbm>> -> memref<16384xf32, #tpu.memory_space<hbm>>
    %dma_start3A_7 = arith.constant 0 : i32
    %dma_start3A_8 = tpu.memref_slice %arg5[%dma_start3A_7] : memref<32768xf32, #tpu.memory_space<vmem>> -> memref<16384xf32, #tpu.memory_space<vmem>>
    %dma_start3A_9 = tpu.memref_slice %arg2[%mul3A_2] : memref<1048576xf32, #tpu.memory_space<hbm>> -> memref<16384xf32, #tpu.memory_space<hbm>>
    tpu.enqueue_dma source(%dma_start3A_9 : memref<16384xf32, #tpu.memory_space<hbm>>) target(%dma_start3A_8 : memref<16384xf32, #tpu.memory_space<vmem>>) target_semaphore(%arg8 : memref<!tpu.dma_semaphore, #tpu.memory_space<semaphore_mem>>)
    %dma_start3A_10 = arith.constant 16384 : i32
    %dma_start3A_11 = tpu.memref_slice %arg5[%dma_start3A_10] : memref<32768xf32, #tpu.memory_space<vmem>> -> memref<16384xf32, #tpu.memory_space<vmem>>
    %dma_start3A_12 = tpu.memref_slice %arg2[%add3A_4] : memref<1048576xf32, #tpu.memory_space<hbm>> -> memref<16384xf32, #tpu.memory_space<hbm>>
    %dma_start3A_13 = arith.constant 16384 : i32
    %dma_start3A_14 = tpu.memref_slice %arg5[%dma_start3A_13] : memref<32768xf32, #tpu.memory_space<vmem>> -> memref<16384xf32, #tpu.memory_space<vmem>>
    %dma_start3A_15 = tpu.memref_slice %arg2[%add3A_4] : memref<1048576xf32, #tpu.memory_space<hbm>> -> memref<16384xf32, #tpu.memory_space<hbm>>
    tpu.enqueue_dma source(%dma_start3A_15 : memref<16384xf32, #tpu.memory_space<hbm>>) target(%dma_start3A_14 : memref<16384xf32, #tpu.memory_space<vmem>>) target_semaphore(%arg9 : memref<!tpu.dma_semaphore, #tpu.memory_space<semaphore_mem>>)
    %iota3A = tpu.iota {dimensions = array<i32: 0>} : vector<16xi32>
    %lt3A = arith.constant 8 : i32
    %lt3A_16 = vector.broadcast %lt3A : i32 to vector<16xi32>
    %lt3A_17 = arith.cmpi slt, %iota3A, %lt3A_16 : vector<16xi32>
    %sub3A = arith.constant 8 : i32
    %sub3A_18 = vector.broadcast %sub3A : i32 to vector<16xi32>
    %sub3A_19 = arith.subi %iota3A, %sub3A_18 : vector<16xi32>
    %max3A = arith.constant 0 : i32
    %max3A_20 = vector.broadcast %max3A : i32 to vector<16xi32>
    %max3A_21 = arith.maxsi %sub3A_19, %max3A_20 : vector<16xi32>
    %mul3A_22 = arith.constant 4096 : i32
    %mul3A_23 = arith.muli %add3A, %mul3A_22 : i32
    %dma_wait3A = arith.constant 0 : i32
    %dma_wait3A_24 = tpu.memref_slice %arg5[%dma_wait3A] : memref<32768xf32, #tpu.memory_space<vmem>> -> memref<16384xf32, #tpu.memory_space<vmem>>
    %dma_wait3A_25 = tpu.memref_slice %arg2[%mul3A_2] : memref<1048576xf32, #tpu.memory_space<hbm>> -> memref<16384xf32, #tpu.memory_space<hbm>>
    %dma_wait3A_26 = arith.constant 0 : i32
    %dma_wait3A_27 = tpu.memref_slice %arg5[%dma_wait3A_26] : memref<32768xf32, #tpu.memory_space<vmem>> -> memref<16384xf32, #tpu.memory_space<vmem>>
    %dma_wait3A_28 = tpu.memref_slice %arg2[%mul3A_2] : memref<1048576xf32, #tpu.memory_space<hbm>> -> memref<16384xf32, #tpu.memory_space<hbm>>
    tpu.wait_dma2 semaphore(%arg8 : memref<!tpu.dma_semaphore, #tpu.memory_space<semaphore_mem>>) src(%dma_wait3A_28 : memref<16384xf32, #tpu.memory_space<hbm>>) dst(%dma_wait3A_27 : memref<16384xf32, #tpu.memory_space<vmem>>)
    %parallel_loop3A = arith.constant 0 : i32
    %parallel_loop3A_29 = arith.constant 256 : i32
    %parallel_loop3A_30 = arith.constant 2 : i32
    scf.for %parallel_loop3A_68 = %parallel_loop3A to %parallel_loop3A_29 step %parallel_loop3A_30  : i32 {
      %parallel_loop3A_69 = arith.constant 64 : i32
      %parallel_loop3A_70 = arith.muli %parallel_loop3A_68, %parallel_loop3A_69 : i32
      %parallel_loop3A_71 = arith.constant 0 : i32
      %parallel_loop3A_72 = arith.addi %parallel_loop3A_70, %parallel_loop3A_71 : i32
      %parallel_loop3A_73 = arith.index_cast %parallel_loop3A_72 : i32 to index
      %parallel_loop3A_74 = tpu.vector_load %arg5[%parallel_loop3A_73] {strides = array<i32>} : memref<32768xf32, #tpu.memory_space<vmem>>, vector<16xf32>,
      %parallel_loop3A_75 = arith.constant 16 : i32
      %parallel_loop3A_76 = arith.addi %parallel_loop3A_70, %parallel_loop3A_75 : i32
      %parallel_loop3A_77 = arith.index_cast %parallel_loop3A_76 : i32 to index
      %parallel_loop3A_78 = tpu.vector_load %arg5[%parallel_loop3A_77] {strides = array<i32>} : memref<32768xf32, #tpu.memory_space<vmem>>, vector<16xf32>,
      %parallel_loop3A_79 = arith.constant 32 : i32
      %parallel_loop3A_80 = arith.addi %parallel_loop3A_70, %parallel_loop3A_79 : i32
      %parallel_loop3A_81 = arith.index_cast %parallel_loop3A_80 : i32 to index
      %parallel_loop3A_82 = tpu.vector_load %arg5[%parallel_loop3A_81] {strides = array<i32>} : memref<32768xf32, #tpu.memory_space<vmem>>, vector<16xf32>,
      %parallel_loop3A_83 = arith.constant 48 : i32
      %parallel_loop3A_84 = arith.addi %parallel_loop3A_70, %parallel_loop3A_83 : i32
      %parallel_loop3A_85 = arith.index_cast %parallel_loop3A_84 : i32 to index
      %parallel_loop3A_86 = tpu.vector_load %arg5[%parallel_loop3A_85] {strides = array<i32>} : memref<32768xf32, #tpu.memory_space<vmem>>, vector<16xf32>,
      %parallel_loop3A_87 = arith.constant 0 : i32
      %parallel_loop3A_88 = vector.broadcast %parallel_loop3A_87 : i32 to vector<16xi32>
      %parallel_loop3A_89 = arith.addi %iota3A, %parallel_loop3A_88 : vector<16xi32>
      %parallel_loop3A_90 = arith.constant 16 : i32
      %parallel_loop3A_91 = vector.broadcast %parallel_loop3A_90 : i32 to vector<16xi32>
      %parallel_loop3A_92 = arith.addi %iota3A, %parallel_loop3A_91 : vector<16xi32>
      %parallel_loop3A_93 = arith.constant 32 : i32
      %parallel_loop3A_94 = vector.broadcast %parallel_loop3A_93 : i32 to vector<16xi32>
      %parallel_loop3A_95 = arith.addi %iota3A, %parallel_loop3A_94 : vector<16xi32>
      %parallel_loop3A_96 = arith.constant 48 : i32
      %parallel_loop3A_97 = vector.broadcast %parallel_loop3A_96 : i32 to vector<16xi32>
      %parallel_loop3A_98 = arith.addi %iota3A, %parallel_loop3A_97 : vector<16xi32>
      %parallel_loop3A_99 = arith.constant dense<true> : vector<16xi1>
      %parallel_loop3A_100, %parallel_loop3A_101, %parallel_loop3A_102 = tpu.sort %parallel_loop3A_74, %parallel_loop3A_89 masked %parallel_loop3A_99 {descending = true} : (vector<16xf32>, vector<16xi32>, vector<16xi1>) -> (vector<16xi1>, vector<16xf32>, vector<16xi32>)
      %parallel_loop3A_103 = arith.constant dense<true> : vector<16xi1>
      %parallel_loop3A_104, %parallel_loop3A_105, %parallel_loop3A_106 = tpu.sort %parallel_loop3A_78, %parallel_loop3A_92 masked %parallel_loop3A_103 {descending = true} : (vector<16xf32>, vector<16xi32>, vector<16xi1>) -> (vector<16xi1>, vector<16xf32>, vector<16xi32>)
      %parallel_loop3A_107 = arith.constant dense<true> : vector<16xi1>
      %parallel_loop3A_108, %parallel_loop3A_109, %parallel_loop3A_110 = tpu.sort %parallel_loop3A_82, %parallel_loop3A_95 masked %parallel_loop3A_107 {descending = true} : (vector<16xf32>, vector<16xi32>, vector<16xi1>) -> (vector<16xi1>, vector<16xf32>, vector<16xi32>)
      %parallel_loop3A_111 = arith.constant dense<true> : vector<16xi1>
      %parallel_loop3A_112, %parallel_loop3A_113, %parallel_loop3A_114 = tpu.sort %parallel_loop3A_86, %parallel_loop3A_98 masked %parallel_loop3A_111 {descending = true} : (vector<16xf32>, vector<16xi32>, vector<16xi1>) -> (vector<16xi1>, vector<16xf32>, vector<16xi32>)
      %parallel_loop3A_115 = arith.constant 15 : i32
      %parallel_loop3A_116 = vector.broadcast %parallel_loop3A_115 : i32 to vector<16xi32>
      %parallel_loop3A_117 = tpu.iota {dimensions = array<i32: 0>} : vector<16xi32>
      %parallel_loop3A_118 = arith.subi %parallel_loop3A_116, %parallel_loop3A_117 : vector<16xi32>
      %parallel_loop3A_119 = tpu.dynamic_gather %parallel_loop3A_105[%parallel_loop3A_118] in [0] : vector<16xf32>, vector<16xi32> -> vector<16xf32>
      %parallel_loop3A_120 = arith.select %lt3A_17, %parallel_loop3A_101, %parallel_loop3A_119 : vector<16xi1>, vector<16xf32>
      %parallel_loop3A_121 = arith.constant 15 : i32
      %parallel_loop3A_122 = vector.broadcast %parallel_loop3A_121 : i32 to vector<16xi32>
      %parallel_loop3A_123 = tpu.iota {dimensions = array<i32: 0>} : vector<16xi32>
      %parallel_loop3A_124 = arith.subi %parallel_loop3A_122, %parallel_loop3A_123 : vector<16xi32>
      %parallel_loop3A_125 = tpu.dynamic_gather %parallel_loop3A_106[%parallel_loop3A_124] in [0] : vector<16xi32>, vector<16xi32> -> vector<16xi32>
      %parallel_loop3A_126 = arith.select %lt3A_17, %parallel_loop3A_102, %parallel_loop3A_125 : vector<16xi1>, vector<16xi32>
      %parallel_loop3A_127 = arith.constant dense<true> : vector<16xi1>
      %parallel_loop3A_128, %parallel_loop3A_129, %parallel_loop3A_130 = tpu.sort %parallel_loop3A_120, %parallel_loop3A_126 masked %parallel_loop3A_127 {descending = true} : (vector<16xf32>, vector<16xi32>, vector<16xi1>) -> (vector<16xi1>, vector<16xf32>, vector<16xi32>)
      %parallel_loop3A_131 = arith.constant 15 : i32
      %parallel_loop3A_132 = vector.broadcast %parallel_loop3A_131 : i32 to vector<16xi32>
      %parallel_loop3A_133 = tpu.iota {dimensions = array<i32: 0>} : vector<16xi32>
      %parallel_loop3A_134 = arith.subi %parallel_loop3A_132, %parallel_loop3A_133 : vector<16xi32>
      %parallel_loop3A_135 = tpu.dynamic_gather %parallel_loop3A_113[%parallel_loop3A_134] in [0] : vector<16xf32>, vector<16xi32> -> vector<16xf32>
      %parallel_loop3A_136 = arith.select %lt3A_17, %parallel_loop3A_109, %parallel_loop3A_135 : vector<16xi1>, vector<16xf32>
      %parallel_loop3A_137 = arith.constant 15 : i32
      %parallel_loop3A_138 = vector.broadcast %parallel_loop3A_137 : i32 to vector<16xi32>
      %parallel_loop3A_139 = tpu.iota {dimensions = array<i32: 0>} : vector<16xi32>
      %parallel_loop3A_140 = arith.subi %parallel_loop3A_138, %parallel_loop3A_139 : vector<16xi32>
      %parallel_loop3A_141 = tpu.dynamic_gather %parallel_loop3A_114[%parallel_loop3A_140] in [0] : vector<16xi32>, vector<16xi32> -> vector<16xi32>
      %parallel_loop3A_142 = arith.select %lt3A_17, %parallel_loop3A_110, %parallel_loop3A_141 : vector<16xi1>, vector<16xi32>
      %parallel_loop3A_143 = arith.constant dense<true> : vector<16xi1>
      %parallel_loop3A_144, %parallel_loop3A_145, %parallel_loop3A_146 = tpu.sort %parallel_loop3A_136, %parallel_loop3A_142 masked %parallel_loop3A_143 {descending = true} : (vector<16xf32>, vector<16xi32>, vector<16xi1>) -> (vector<16xi1>, vector<16xf32>, vector<16xi32>)
      %parallel_loop3A_147 = arith.constant 15 : i32
      %parallel_loop3A_148 = vector.broadcast %parallel_loop3A_147 : i32 to vector<16xi32>
      %parallel_loop3A_149 = tpu.iota {dimensions = array<i32: 0>} : vector<16xi32>
      %parallel_loop3A_150 = arith.subi %parallel_loop3A_148, %parallel_loop3A_149 : vector<16xi32>
      %parallel_loop3A_151 = tpu.dynamic_gather %parallel_loop3A_145[%parallel_loop3A_150] in [0] : vector<16xf32>, vector<16xi32> -> vector<16xf32>
      %parallel_loop3A_152 = arith.select %lt3A_17, %parallel_loop3A_129, %parallel_loop3A_151 : vector<16xi1>, vector<16xf32>
      %parallel_loop3A_153 = arith.constant 15 : i32
      %parallel_loop3A_154 = vector.broadcast %parallel_loop3A_153 : i32 to vector<16xi32>
      %parallel_loop3A_155 = tpu.iota {dimensions = array<i32: 0>} : vector<16xi32>
      %parallel_loop3A_156 = arith.subi %parallel_loop3A_154, %parallel_loop3A_155 : vector<16xi32>
      %parallel_loop3A_157 = tpu.dynamic_gather %parallel_loop3A_146[%parallel_loop3A_156] in [0] : vector<16xi32>, vector<16xi32> -> vector<16xi32>
      %parallel_loop3A_158 = arith.select %lt3A_17, %parallel_loop3A_130, %parallel_loop3A_157 : vector<16xi1>, vector<16xi32>
      %parallel_loop3A_159 = arith.constant dense<true> : vector<16xi1>
      %parallel_loop3A_160, %parallel_loop3A_161, %parallel_loop3A_162 = tpu.sort %parallel_loop3A_152, %parallel_loop3A_158 masked %parallel_loop3A_159 {descending = true} : (vector<16xf32>, vector<16xi32>, vector<16xi1>) -> (vector<16xi1>, vector<16xf32>, vector<16xi32>)
      %parallel_loop3A_163 = arith.constant true
      %parallel_loop3A_164 = vector.broadcast %parallel_loop3A_163 : i1 to vector<16xi1>
      %parallel_loop3A_165 = tpu.scan <max>, %parallel_loop3A_161 masked %parallel_loop3A_164 : vector<16xf32>, vector<16xi1> -> vector<16xf32>
      %parallel_loop3A_166 = vector.extract %parallel_loop3A_165[15] : f32 from vector<16xf32>
      %parallel_loop3A_167 = vector.broadcast %parallel_loop3A_166 : f32 to vector<16xf32>
      %parallel_loop3A_168 = arith.subf %parallel_loop3A_161, %parallel_loop3A_167 : vector<16xf32>
      %parallel_loop3A_169 = math.exp %parallel_loop3A_168 : vector<16xf32>
      %parallel_loop3A_170 = arith.constant 0.000000e+00 : f32
      %parallel_loop3A_171 = vector.broadcast %parallel_loop3A_170 : f32 to vector<16xf32>
      %parallel_loop3A_172 = arith.select %lt3A_17, %parallel_loop3A_169, %parallel_loop3A_171 : vector<16xi1>, vector<16xf32>
      %parallel_loop3A_173 = arith.constant true
      %parallel_loop3A_174 = vector.broadcast %parallel_loop3A_173 : i1 to vector<16xi1>
      %parallel_loop3A_175 = tpu.scan <sum>, %parallel_loop3A_172 masked %parallel_loop3A_174 : vector<16xf32>, vector<16xi1> -> vector<16xf32>
      %parallel_loop3A_176 = vector.extract %parallel_loop3A_175[15] : f32 from vector<16xf32>
      %parallel_loop3A_177 = vector.broadcast %parallel_loop3A_176 : f32 to vector<16xf32>
      %parallel_loop3A_178 = arith.divf %parallel_loop3A_172, %parallel_loop3A_177 : vector<16xf32>
      %parallel_loop3A_179 = arith.constant 1 : i32
      %parallel_loop3A_180 = arith.addi %parallel_loop3A_68, %parallel_loop3A_179 : i32
      %parallel_loop3A_181 = arith.constant 64 : i32
      %parallel_loop3A_182 = arith.muli %parallel_loop3A_180, %parallel_loop3A_181 : i32
      %parallel_loop3A_183 = arith.constant 0 : i32
      %parallel_loop3A_184 = arith.addi %parallel_loop3A_182, %parallel_loop3A_183 : i32
      %parallel_loop3A_185 = arith.index_cast %parallel_loop3A_184 : i32 to index
      %parallel_loop3A_186 = tpu.vector_load %arg5[%parallel_loop3A_185] {strides = array<i32>} : memref<32768xf32, #tpu.memory_space<vmem>>, vector<16xf32>,
      %parallel_loop3A_187 = arith.constant 16 : i32
      %parallel_loop3A_188 = arith.addi %parallel_loop3A_182, %parallel_loop3A_187 : i32
      %parallel_loop3A_189 = arith.index_cast %parallel_loop3A_188 : i32 to index
      %parallel_loop3A_190 = tpu.vector_load %arg5[%parallel_loop3A_189] {strides = array<i32>} : memref<32768xf32, #tpu.memory_space<vmem>>, vector<16xf32>,
      %parallel_loop3A_191 = arith.constant 32 : i32
      %parallel_loop3A_192 = arith.addi %parallel_loop3A_182, %parallel_loop3A_191 : i32
      %parallel_loop3A_193 = arith.index_cast %parallel_loop3A_192 : i32 to index
      %parallel_loop3A_194 = tpu.vector_load %arg5[%parallel_loop3A_193] {strides = array<i32>} : memref<32768xf32, #tpu.memory_space<vmem>>, vector<16xf32>,
      %parallel_loop3A_195 = arith.constant 48 : i32
      %parallel_loop3A_196 = arith.addi %parallel_loop3A_182, %parallel_loop3A_195 : i32
      %parallel_loop3A_197 = arith.index_cast %parallel_loop3A_196 : i32 to index
      %parallel_loop3A_198 = tpu.vector_load %arg5[%parallel_loop3A_197] {strides = array<i32>} : memref<32768xf32, #tpu.memory_space<vmem>>, vector<16xf32>,
      %parallel_loop3A_199 = arith.constant 0 : i32
      %parallel_loop3A_200 = vector.broadcast %parallel_loop3A_199 : i32 to vector<16xi32>
      %parallel_loop3A_201 = arith.addi %iota3A, %parallel_loop3A_200 : vector<16xi32>
      %parallel_loop3A_202 = arith.constant 16 : i32
      %parallel_loop3A_203 = vector.broadcast %parallel_loop3A_202 : i32 to vector<16xi32>
      %parallel_loop3A_204 = arith.addi %iota3A, %parallel_loop3A_203 : vector<16xi32>
      %parallel_loop3A_205 = arith.constant 32 : i32
      %parallel_loop3A_206 = vector.broadcast %parallel_loop3A_205 : i32 to vector<16xi32>
      %parallel_loop3A_207 = arith.addi %iota3A, %parallel_loop3A_206 : vector<16xi32>
      %parallel_loop3A_208 = arith.constant 48 : i32
      %parallel_loop3A_209 = vector.broadcast %parallel_loop3A_208 : i32 to vector<16xi32>
      %parallel_loop3A_210 = arith.addi %iota3A, %parallel_loop3A_209 : vector<16xi32>
      %parallel_loop3A_211 = arith.constant dense<true> : vector<16xi1>
      %parallel_loop3A_212, %parallel_loop3A_213, %parallel_loop3A_214 = tpu.sort %parallel_loop3A_186, %parallel_loop3A_201 masked %parallel_loop3A_211 {descending = true} : (vector<16xf32>, vector<16xi32>, vector<16xi1>) -> (vector<16xi1>, vector<16xf32>, vector<16xi32>)
      %parallel_loop3A_215 = arith.constant dense<true> : vector<16xi1>
      %parallel_loop3A_216, %parallel_loop3A_217, %parallel_loop3A_218 = tpu.sort %parallel_loop3A_190, %parallel_loop3A_204 masked %parallel_loop3A_215 {descending = true} : (vector<16xf32>, vector<16xi32>, vector<16xi1>) -> (vector<16xi1>, vector<16xf32>, vector<16xi32>)
      %parallel_loop3A_219 = arith.constant dense<true> : vector<16xi1>
      %parallel_loop3A_220, %parallel_loop3A_221, %parallel_loop3A_222 = tpu.sort %parallel_loop3A_194, %parallel_loop3A_207 masked %parallel_loop3A_219 {descending = true} : (vector<16xf32>, vector<16xi32>, vector<16xi1>) -> (vector<16xi1>, vector<16xf32>, vector<16xi32>)
      %parallel_loop3A_223 = arith.constant dense<true> : vector<16xi1>
      %parallel_loop3A_224, %parallel_loop3A_225, %parallel_loop3A_226 = tpu.sort %parallel_loop3A_198, %parallel_loop3A_210 masked %parallel_loop3A_223 {descending = true} : (vector<16xf32>, vector<16xi32>, vector<16xi1>) -> (vector<16xi1>, vector<16xf32>, vector<16xi32>)
      %parallel_loop3A_227 = arith.constant 15 : i32
      %parallel_loop3A_228 = vector.broadcast %parallel_loop3A_227 : i32 to vector<16xi32>
      %parallel_loop3A_229 = tpu.iota {dimensions = array<i32: 0>} : vector<16xi32>
      %parallel_loop3A_230 = arith.subi %parallel_loop3A_228, %parallel_loop3A_229 : vector<16xi32>
      %parallel_loop3A_231 = tpu.dynamic_gather %parallel_loop3A_217[%parallel_loop3A_230] in [0] : vector<16xf32>, vector<16xi32> -> vector<16xf32>
      %parallel_loop3A_232 = arith.select %lt3A_17, %parallel_loop3A_213, %parallel_loop3A_231 : vector<16xi1>, vector<16xf32>
      %parallel_loop3A_233 = arith.constant 15 : i32
      %parallel_loop3A_234 = vector.broadcast %parallel_loop3A_233 : i32 to vector<16xi32>
      %parallel_loop3A_235 = tpu.iota {dimensions = array<i32: 0>} : vector<16xi32>
      %parallel_loop3A_236 = arith.subi %parallel_loop3A_234, %parallel_loop3A_235 : vector<16xi32>
      %parallel_loop3A_237 = tpu.dynamic_gather %parallel_loop3A_218[%parallel_loop3A_236] in [0] : vector<16xi32>, vector<16xi32> -> vector<16xi32>
      %parallel_loop3A_238 = arith.select %lt3A_17, %parallel_loop3A_214, %parallel_loop3A_237 : vector<16xi1>, vector<16xi32>
      %parallel_loop3A_239 = arith.constant dense<true> : vector<16xi1>
      %parallel_loop3A_240, %parallel_loop3A_241, %parallel_loop3A_242 = tpu.sort %parallel_loop3A_232, %parallel_loop3A_238 masked %parallel_loop3A_239 {descending = true} : (vector<16xf32>, vector<16xi32>, vector<16xi1>) -> (vector<16xi1>, vector<16xf32>, vector<16xi32>)
      %parallel_loop3A_243 = arith.constant 15 : i32
      %parallel_loop3A_244 = vector.broadcast %parallel_loop3A_243 : i32 to vector<16xi32>
      %parallel_loop3A_245 = tpu.iota {dimensions = array<i32: 0>} : vector<16xi32>
      %parallel_loop3A_246 = arith.subi %parallel_loop3A_244, %parallel_loop3A_245 : vector<16xi32>
      %parallel_loop3A_247 = tpu.dynamic_gather %parallel_loop3A_225[%parallel_loop3A_246] in [0] : vector<16xf32>, vector<16xi32> -> vector<16xf32>
      %parallel_loop3A_248 = arith.select %lt3A_17, %parallel_loop3A_221, %parallel_loop3A_247 : vector<16xi1>, vector<16xf32>
      %parallel_loop3A_249 = arith.constant 15 : i32
      %parallel_loop3A_250 = vector.broadcast %parallel_loop3A_249 : i32 to vector<16xi32>
      %parallel_loop3A_251 = tpu.iota {dimensions = array<i32: 0>} : vector<16xi32>
      %parallel_loop3A_252 = arith.subi %parallel_loop3A_250, %parallel_loop3A_251 : vector<16xi32>
      %parallel_loop3A_253 = tpu.dynamic_gather %parallel_loop3A_226[%parallel_loop3A_252] in [0] : vector<16xi32>, vector<16xi32> -> vector<16xi32>
      %parallel_loop3A_254 = arith.select %lt3A_17, %parallel_loop3A_222, %parallel_loop3A_253 : vector<16xi1>, vector<16xi32>
      %parallel_loop3A_255 = arith.constant dense<true> : vector<16xi1>
      %parallel_loop3A_256, %parallel_loop3A_257, %parallel_loop3A_258 = tpu.sort %parallel_loop3A_248, %parallel_loop3A_254 masked %parallel_loop3A_255 {descending = true} : (vector<16xf32>, vector<16xi32>, vector<16xi1>) -> (vector<16xi1>, vector<16xf32>, vector<16xi32>)
      %parallel_loop3A_259 = arith.constant 15 : i32
      %parallel_loop3A_260 = vector.broadcast %parallel_loop3A_259 : i32 to vector<16xi32>
      %parallel_loop3A_261 = tpu.iota {dimensions = array<i32: 0>} : vector<16xi32>
      %parallel_loop3A_262 = arith.subi %parallel_loop3A_260, %parallel_loop3A_261 : vector<16xi32>
      %parallel_loop3A_263 = tpu.dynamic_gather %parallel_loop3A_257[%parallel_loop3A_262] in [0] : vector<16xf32>, vector<16xi32> -> vector<16xf32>
      %parallel_loop3A_264 = arith.select %lt3A_17, %parallel_loop3A_241, %parallel_loop3A_263 : vector<16xi1>, vector<16xf32>
      %parallel_loop3A_265 = arith.constant 15 : i32
      %parallel_loop3A_266 = vector.broadcast %parallel_loop3A_265 : i32 to vector<16xi32>
      %parallel_loop3A_267 = tpu.iota {dimensions = array<i32: 0>} : vector<16xi32>
      %parallel_loop3A_268 = arith.subi %parallel_loop3A_266, %parallel_loop3A_267 : vector<16xi32>
      %parallel_loop3A_269 = tpu.dynamic_gather %parallel_loop3A_258[%parallel_loop3A_268] in [0] : vector<16xi32>, vector<16xi32> -> vector<16xi32>
      %parallel_loop3A_270 = arith.select %lt3A_17, %parallel_loop3A_242, %parallel_loop3A_269 : vector<16xi1>, vector<16xi32>
      %parallel_loop3A_271 = arith.constant dense<true> : vector<16xi1>
      %parallel_loop3A_272, %parallel_loop3A_273, %parallel_loop3A_274 = tpu.sort %parallel_loop3A_264, %parallel_loop3A_270 masked %parallel_loop3A_271 {descending = true} : (vector<16xf32>, vector<16xi32>, vector<16xi1>) -> (vector<16xi1>, vector<16xf32>, vector<16xi32>)
      %parallel_loop3A_275 = arith.constant true
      %parallel_loop3A_276 = vector.broadcast %parallel_loop3A_275 : i1 to vector<16xi1>
      %parallel_loop3A_277 = tpu.scan <max>, %parallel_loop3A_273 masked %parallel_loop3A_276 : vector<16xf32>, vector<16xi1> -> vector<16xf32>
      %parallel_loop3A_278 = vector.extract %parallel_loop3A_277[15] : f32 from vector<16xf32>
      %parallel_loop3A_279 = vector.broadcast %parallel_loop3A_278 : f32 to vector<16xf32>
      %parallel_loop3A_280 = arith.subf %parallel_loop3A_273, %parallel_loop3A_279 : vector<16xf32>
      %parallel_loop3A_281 = math.exp %parallel_loop3A_280 : vector<16xf32>
      %parallel_loop3A_282 = arith.constant 0.000000e+00 : f32
      %parallel_loop3A_283 = vector.broadcast %parallel_loop3A_282 : f32 to vector<16xf32>
      %parallel_loop3A_284 = arith.select %lt3A_17, %parallel_loop3A_281, %parallel_loop3A_283 : vector<16xi1>, vector<16xf32>
      %parallel_loop3A_285 = arith.constant true
      %parallel_loop3A_286 = vector.broadcast %parallel_loop3A_285 : i1 to vector<16xi1>
      %parallel_loop3A_287 = tpu.scan <sum>, %parallel_loop3A_284 masked %parallel_loop3A_286 : vector<16xf32>, vector<16xi1> -> vector<16xf32>
      %parallel_loop3A_288 = vector.extract %parallel_loop3A_287[15] : f32 from vector<16xf32>
      %parallel_loop3A_289 = vector.broadcast %parallel_loop3A_288 : f32 to vector<16xf32>
      %parallel_loop3A_290 = arith.divf %parallel_loop3A_284, %parallel_loop3A_289 : vector<16xf32>
      %parallel_loop3A_291 = arith.constant 0 : i32
      %parallel_loop3A_292 = vector.broadcast %parallel_loop3A_291 : i32 to vector<16xi32>
      %parallel_loop3A_293 = arith.cmpi slt, %max3A_21, %parallel_loop3A_292 : vector<16xi32>
      %parallel_loop3A_294 = arith.constant 16 : i32
      %parallel_loop3A_295 = vector.broadcast %parallel_loop3A_294 : i32 to vector<16xi32>
      %parallel_loop3A_296 = arith.addi %max3A_21, %parallel_loop3A_295 : vector<16xi32>
      %parallel_loop3A_297 = arith.select %parallel_loop3A_293, %parallel_loop3A_296, %max3A_21 : vector<16xi1>, vector<16xi32>
      %parallel_loop3A_298 = vector.shape_cast %parallel_loop3A_297 : vector<16xi32> to vector<16x1xi32>
      %parallel_loop3A_299 = vector.shape_cast %parallel_loop3A_298 : vector<16x1xi32> to vector<16xi32>
      %parallel_loop3A_300 = tpu.dynamic_gather %parallel_loop3A_274[%parallel_loop3A_299] in [0] : vector<16xi32>, vector<16xi32> -> vector<16xi32>
      %parallel_loop3A_301 = arith.select %lt3A_17, %parallel_loop3A_162, %parallel_loop3A_300 : vector<16xi1>, vector<16xi32>
      %parallel_loop3A_302 = arith.constant 0 : i32
      %parallel_loop3A_303 = vector.broadcast %parallel_loop3A_302 : i32 to vector<16xi32>
      %parallel_loop3A_304 = arith.cmpi slt, %max3A_21, %parallel_loop3A_303 : vector<16xi32>
      %parallel_loop3A_305 = arith.constant 16 : i32
      %parallel_loop3A_306 = vector.broadcast %parallel_loop3A_305 : i32 to vector<16xi32>
      %parallel_loop3A_307 = arith.addi %max3A_21, %parallel_loop3A_306 : vector<16xi32>
      %parallel_loop3A_308 = arith.select %parallel_loop3A_304, %parallel_loop3A_307, %max3A_21 : vector<16xi1>, vector<16xi32>
      %parallel_loop3A_309 = vector.shape_cast %parallel_loop3A_308 : vector<16xi32> to vector<16x1xi32>
      %parallel_loop3A_310 = vector.shape_cast %parallel_loop3A_309 : vector<16x1xi32> to vector<16xi32>
      %parallel_loop3A_311 = tpu.dynamic_gather %parallel_loop3A_290[%parallel_loop3A_310] in [0] : vector<16xf32>, vector<16xi32> -> vector<16xf32>
      %parallel_loop3A_312 = arith.select %lt3A_17, %parallel_loop3A_178, %parallel_loop3A_311 : vector<16xi1>, vector<16xf32>
      %parallel_loop3A_313 = arith.constant 8 : i32
      %parallel_loop3A_314 = arith.muli %parallel_loop3A_68, %parallel_loop3A_313 : i32
      %parallel_loop3A_315 = arith.index_cast %parallel_loop3A_314 : i32 to index
      %parallel_loop3A_316 = tpu.vector_load %arg6[%parallel_loop3A_315] {strides = array<i32>} : memref<4104xi32, #tpu.memory_space<vmem>>, vector<16xi32>,
      tpu.vector_store %arg6[%parallel_loop3A_315], %parallel_loop3A_301 {strides = array<i32>} : memref<4104xi32, #tpu.memory_space<vmem>>, vector<16xi32>,
      %parallel_loop3A_317 = arith.constant 8 : i32
      %parallel_loop3A_318 = arith.muli %parallel_loop3A_68, %parallel_loop3A_317 : i32
      %parallel_loop3A_319 = arith.index_cast %parallel_loop3A_318 : i32 to index
      %parallel_loop3A_320 = tpu.vector_load %arg7[%parallel_loop3A_319] {strides = array<i32>} : memref<4104xf32, #tpu.memory_space<vmem>>, vector<16xf32>,
      tpu.vector_store %arg7[%parallel_loop3A_319], %parallel_loop3A_312 {strides = array<i32>} : memref<4104xf32, #tpu.memory_space<vmem>>, vector<16xf32>,
    } {sc.loop_unroll_factor = 4 : i64, sc.parallel_access}
    %dma_start3A_31 = arith.constant 0 : i32
    %dma_start3A_32 = tpu.memref_slice %arg6[%dma_start3A_31] : memref<4104xi32, #tpu.memory_space<vmem>> -> memref<2048xi32, #tpu.memory_space<vmem>>
    %dma_start3A_33 = tpu.memref_slice %arg3[%mul3A_23] : memref<131072xi32, #tpu.memory_space<hbm>> -> memref<2048xi32, #tpu.memory_space<hbm>>
    %dma_start3A_34 = tpu.memref_slice %arg3[%mul3A_23] : memref<131072xi32, #tpu.memory_space<hbm>> -> memref<2048xi32, #tpu.memory_space<hbm>>
    %dma_start3A_35 = arith.constant 0 : i32
    %dma_start3A_36 = tpu.memref_slice %arg6[%dma_start3A_35] : memref<4104xi32, #tpu.memory_space<vmem>> -> memref<2048xi32, #tpu.memory_space<vmem>>
    tpu.enqueue_dma source(%dma_start3A_36 : memref<2048xi32, #tpu.memory_space<vmem>>) target(%dma_start3A_34 : memref<2048xi32, #tpu.memory_space<hbm>>) target_semaphore(%arg10 : memref<!tpu.dma_semaphore, #tpu.memory_space<semaphore_mem>>)
    %dma_start3A_37 = arith.constant 0 : i32
    %dma_start3A_38 = tpu.memref_slice %arg7[%dma_start3A_37] : memref<4104xf32, #tpu.memory_space<vmem>> -> memref<2048xf32, #tpu.memory_space<vmem>>
    %dma_start3A_39 = tpu.memref_slice %arg4[%mul3A_23] : memref<131072xf32, #tpu.memory_space<hbm>> -> memref<2048xf32, #tpu.memory_space<hbm>>
    %dma_start3A_40 = tpu.memref_slice %arg4[%mul3A_23] : memref<131072xf32, #tpu.memory_space<hbm>> -> memref<2048xf32, #tpu.memory_space<hbm>>
    %dma_start3A_41 = arith.constant 0 : i32
    %dma_start3A_42 = tpu.memref_slice %arg7[%dma_start3A_41] : memref<4104xf32, #tpu.memory_space<vmem>> -> memref<2048xf32, #tpu.memory_space<vmem>>
    tpu.enqueue_dma source(%dma_start3A_42 : memref<2048xf32, #tpu.memory_space<vmem>>) target(%dma_start3A_40 : memref<2048xf32, #tpu.memory_space<hbm>>) target_semaphore(%arg10 : memref<!tpu.dma_semaphore, #tpu.memory_space<semaphore_mem>>)
    %dma_wait3A_43 = arith.constant 16384 : i32
    %dma_wait3A_44 = tpu.memref_slice %arg5[%dma_wait3A_43] : memref<32768xf32, #tpu.memory_space<vmem>> -> memref<16384xf32, #tpu.memory_space<vmem>>
    %dma_wait3A_45 = tpu.memref_slice %arg2[%add3A_4] : memref<1048576xf32, #tpu.memory_space<hbm>> -> memref<16384xf32, #tpu.memory_space<hbm>>
    %dma_wait3A_46 = arith.constant 16384 : i32
    %dma_wait3A_47 = tpu.memref_slice %arg5[%dma_wait3A_46] : memref<32768xf32, #tpu.memory_space<vmem>> -> memref<16384xf32, #tpu.memory_space<vmem>>
    %dma_wait3A_48 = tpu.memref_slice %arg2[%add3A_4] : memref<1048576xf32, #tpu.memory_space<hbm>> -> memref<16384xf32, #tpu.memory_space<hbm>>
    tpu.wait_dma2 semaphore(%arg9 : memref<!tpu.dma_semaphore, #tpu.memory_space<semaphore_mem>>) src(%dma_wait3A_48 : memref<16384xf32, #tpu.memory_space<hbm>>) dst(%dma_wait3A_47 : memref<16384xf32, #tpu.memory_space<vmem>>)
    %parallel_loop3A_49 = arith.constant 256 : i32
    %parallel_loop3A_50 = arith.constant 512 : i32
    %parallel_loop3A_51 = arith.constant 2 : i32
    scf.for %parallel_loop3A_68 = %parallel_loop3A_49 to %parallel_loop3A_50 step %parallel_loop3A_51  : i32 {
      %parallel_loop3A_69 = arith.constant 64 : i32
      %parallel_loop3A_70 = arith.muli %parallel_loop3A_68, %parallel_loop3A_69 : i32
      %parallel_loop3A_71 = arith.constant 0 : i32
      %parallel_loop3A_72 = arith.addi %parallel_loop3A_70, %parallel_loop3A_71 : i32
      %parallel_loop3A_73 = arith.index_cast %parallel_loop3A_72 : i32 to index
      %parallel_loop3A_74 = tpu.vector_load %arg5[%parallel_loop3A_73] {strides = array<i32>} : memref<32768xf32, #tpu.memory_space<vmem>>, vector<16xf32>,
      %parallel_loop3A_75 = arith.constant 16 : i32
      %parallel_loop3A_76 = arith.addi %parallel_loop3A_70, %parallel_loop3A_75 : i32
      %parallel_loop3A_77 = arith.index_cast %parallel_loop3A_76 : i32 to index
      %parallel_loop3A_78 = tpu.vector_load %arg5[%parallel_loop3A_77] {strides = array<i32>} : memref<32768xf32, #tpu.memory_space<vmem>>, vector<16xf32>,
      %parallel_loop3A_79 = arith.constant 32 : i32
      %parallel_loop3A_80 = arith.addi %parallel_loop3A_70, %parallel_loop3A_79 : i32
      %parallel_loop3A_81 = arith.index_cast %parallel_loop3A_80 : i32 to index
      %parallel_loop3A_82 = tpu.vector_load %arg5[%parallel_loop3A_81] {strides = array<i32>} : memref<32768xf32, #tpu.memory_space<vmem>>, vector<16xf32>,
      %parallel_loop3A_83 = arith.constant 48 : i32
      %parallel_loop3A_84 = arith.addi %parallel_loop3A_70, %parallel_loop3A_83 : i32
      %parallel_loop3A_85 = arith.index_cast %parallel_loop3A_84 : i32 to index
      %parallel_loop3A_86 = tpu.vector_load %arg5[%parallel_loop3A_85] {strides = array<i32>} : memref<32768xf32, #tpu.memory_space<vmem>>, vector<16xf32>,
      %parallel_loop3A_87 = arith.constant 0 : i32
      %parallel_loop3A_88 = vector.broadcast %parallel_loop3A_87 : i32 to vector<16xi32>
      %parallel_loop3A_89 = arith.addi %iota3A, %parallel_loop3A_88 : vector<16xi32>
      %parallel_loop3A_90 = arith.constant 16 : i32
      %parallel_loop3A_91 = vector.broadcast %parallel_loop3A_90 : i32 to vector<16xi32>
      %parallel_loop3A_92 = arith.addi %iota3A, %parallel_loop3A_91 : vector<16xi32>
      %parallel_loop3A_93 = arith.constant 32 : i32
      %parallel_loop3A_94 = vector.broadcast %parallel_loop3A_93 : i32 to vector<16xi32>
      %parallel_loop3A_95 = arith.addi %iota3A, %parallel_loop3A_94 : vector<16xi32>
      %parallel_loop3A_96 = arith.constant 48 : i32
      %parallel_loop3A_97 = vector.broadcast %parallel_loop3A_96 : i32 to vector<16xi32>
      %parallel_loop3A_98 = arith.addi %iota3A, %parallel_loop3A_97 : vector<16xi32>
      %parallel_loop3A_99 = arith.constant dense<true> : vector<16xi1>
      %parallel_loop3A_100, %parallel_loop3A_101, %parallel_loop3A_102 = tpu.sort %parallel_loop3A_74, %parallel_loop3A_89 masked %parallel_loop3A_99 {descending = true} : (vector<16xf32>, vector<16xi32>, vector<16xi1>) -> (vector<16xi1>, vector<16xf32>, vector<16xi32>)
      %parallel_loop3A_103 = arith.constant dense<true> : vector<16xi1>
      %parallel_loop3A_104, %parallel_loop3A_105, %parallel_loop3A_106 = tpu.sort %parallel_loop3A_78, %parallel_loop3A_92 masked %parallel_loop3A_103 {descending = true} : (vector<16xf32>, vector<16xi32>, vector<16xi1>) -> (vector<16xi1>, vector<16xf32>, vector<16xi32>)
      %parallel_loop3A_107 = arith.constant dense<true> : vector<16xi1>
      %parallel_loop3A_108, %parallel_loop3A_109, %parallel_loop3A_110 = tpu.sort %parallel_loop3A_82, %parallel_loop3A_95 masked %parallel_loop3A_107 {descending = true} : (vector<16xf32>, vector<16xi32>, vector<16xi1>) -> (vector<16xi1>, vector<16xf32>, vector<16xi32>)
      %parallel_loop3A_111 = arith.constant dense<true> : vector<16xi1>
      %parallel_loop3A_112, %parallel_loop3A_113, %parallel_loop3A_114 = tpu.sort %parallel_loop3A_86, %parallel_loop3A_98 masked %parallel_loop3A_111 {descending = true} : (vector<16xf32>, vector<16xi32>, vector<16xi1>) -> (vector<16xi1>, vector<16xf32>, vector<16xi32>)
      %parallel_loop3A_115 = arith.constant 15 : i32
      %parallel_loop3A_116 = vector.broadcast %parallel_loop3A_115 : i32 to vector<16xi32>
      %parallel_loop3A_117 = tpu.iota {dimensions = array<i32: 0>} : vector<16xi32>
      %parallel_loop3A_118 = arith.subi %parallel_loop3A_116, %parallel_loop3A_117 : vector<16xi32>
      %parallel_loop3A_119 = tpu.dynamic_gather %parallel_loop3A_105[%parallel_loop3A_118] in [0] : vector<16xf32>, vector<16xi32> -> vector<16xf32>
      %parallel_loop3A_120 = arith.select %lt3A_17, %parallel_loop3A_101, %parallel_loop3A_119 : vector<16xi1>, vector<16xf32>
      %parallel_loop3A_121 = arith.constant 15 : i32
      %parallel_loop3A_122 = vector.broadcast %parallel_loop3A_121 : i32 to vector<16xi32>
      %parallel_loop3A_123 = tpu.iota {dimensions = array<i32: 0>} : vector<16xi32>
      %parallel_loop3A_124 = arith.subi %parallel_loop3A_122, %parallel_loop3A_123 : vector<16xi32>
      %parallel_loop3A_125 = tpu.dynamic_gather %parallel_loop3A_106[%parallel_loop3A_124] in [0] : vector<16xi32>, vector<16xi32> -> vector<16xi32>
      %parallel_loop3A_126 = arith.select %lt3A_17, %parallel_loop3A_102, %parallel_loop3A_125 : vector<16xi1>, vector<16xi32>
      %parallel_loop3A_127 = arith.constant dense<true> : vector<16xi1>
      %parallel_loop3A_128, %parallel_loop3A_129, %parallel_loop3A_130 = tpu.sort %parallel_loop3A_120, %parallel_loop3A_126 masked %parallel_loop3A_127 {descending = true} : (vector<16xf32>, vector<16xi32>, vector<16xi1>) -> (vector<16xi1>, vector<16xf32>, vector<16xi32>)
      %parallel_loop3A_131 = arith.constant 15 : i32
      %parallel_loop3A_132 = vector.broadcast %parallel_loop3A_131 : i32 to vector<16xi32>
      %parallel_loop3A_133 = tpu.iota {dimensions = array<i32: 0>} : vector<16xi32>
      %parallel_loop3A_134 = arith.subi %parallel_loop3A_132, %parallel_loop3A_133 : vector<16xi32>
      %parallel_loop3A_135 = tpu.dynamic_gather %parallel_loop3A_113[%parallel_loop3A_134] in [0] : vector<16xf32>, vector<16xi32> -> vector<16xf32>
      %parallel_loop3A_136 = arith.select %lt3A_17, %parallel_loop3A_109, %parallel_loop3A_135 : vector<16xi1>, vector<16xf32>
      %parallel_loop3A_137 = arith.constant 15 : i32
      %parallel_loop3A_138 = vector.broadcast %parallel_loop3A_137 : i32 to vector<16xi32>
      %parallel_loop3A_139 = tpu.iota {dimensions = array<i32: 0>} : vector<16xi32>
      %parallel_loop3A_140 = arith.subi %parallel_loop3A_138, %parallel_loop3A_139 : vector<16xi32>
      %parallel_loop3A_141 = tpu.dynamic_gather %parallel_loop3A_114[%parallel_loop3A_140] in [0] : vector<16xi32>, vector<16xi32> -> vector<16xi32>
      %parallel_loop3A_142 = arith.select %lt3A_17, %parallel_loop3A_110, %parallel_loop3A_141 : vector<16xi1>, vector<16xi32>
      %parallel_loop3A_143 = arith.constant dense<true> : vector<16xi1>
      %parallel_loop3A_144, %parallel_loop3A_145, %parallel_loop3A_146 = tpu.sort %parallel_loop3A_136, %parallel_loop3A_142 masked %parallel_loop3A_143 {descending = true} : (vector<16xf32>, vector<16xi32>, vector<16xi1>) -> (vector<16xi1>, vector<16xf32>, vector<16xi32>)
      %parallel_loop3A_147 = arith.constant 15 : i32
      %parallel_loop3A_148 = vector.broadcast %parallel_loop3A_147 : i32 to vector<16xi32>
      %parallel_loop3A_149 = tpu.iota {dimensions = array<i32: 0>} : vector<16xi32>
      %parallel_loop3A_150 = arith.subi %parallel_loop3A_148, %parallel_loop3A_149 : vector<16xi32>
      %parallel_loop3A_151 = tpu.dynamic_gather %parallel_loop3A_145[%parallel_loop3A_150] in [0] : vector<16xf32>, vector<16xi32> -> vector<16xf32>
      %parallel_loop3A_152 = arith.select %lt3A_17, %parallel_loop3A_129, %parallel_loop3A_151 : vector<16xi1>, vector<16xf32>
      %parallel_loop3A_153 = arith.constant 15 : i32
      %parallel_loop3A_154 = vector.broadcast %parallel_loop3A_153 : i32 to vector<16xi32>
      %parallel_loop3A_155 = tpu.iota {dimensions = array<i32: 0>} : vector<16xi32>
      %parallel_loop3A_156 = arith.subi %parallel_loop3A_154, %parallel_loop3A_155 : vector<16xi32>
      %parallel_loop3A_157 = tpu.dynamic_gather %parallel_loop3A_146[%parallel_loop3A_156] in [0] : vector<16xi32>, vector<16xi32> -> vector<16xi32>
      %parallel_loop3A_158 = arith.select %lt3A_17, %parallel_loop3A_130, %parallel_loop3A_157 : vector<16xi1>, vector<16xi32>
      %parallel_loop3A_159 = arith.constant dense<true> : vector<16xi1>
      %parallel_loop3A_160, %parallel_loop3A_161, %parallel_loop3A_162 = tpu.sort %parallel_loop3A_152, %parallel_loop3A_158 masked %parallel_loop3A_159 {descending = true} : (vector<16xf32>, vector<16xi32>, vector<16xi1>) -> (vector<16xi1>, vector<16xf32>, vector<16xi32>)
      %parallel_loop3A_163 = arith.constant true
      %parallel_loop3A_164 = vector.broadcast %parallel_loop3A_163 : i1 to vector<16xi1>
      %parallel_loop3A_165 = tpu.scan <max>, %parallel_loop3A_161 masked %parallel_loop3A_164 : vector<16xf32>, vector<16xi1> -> vector<16xf32>
      %parallel_loop3A_166 = vector.extract %parallel_loop3A_165[15] : f32 from vector<16xf32>
      %parallel_loop3A_167 = vector.broadcast %parallel_loop3A_166 : f32 to vector<16xf32>
      %parallel_loop3A_168 = arith.subf %parallel_loop3A_161, %parallel_loop3A_167 : vector<16xf32>
      %parallel_loop3A_169 = math.exp %parallel_loop3A_168 : vector<16xf32>
      %parallel_loop3A_170 = arith.constant 0.000000e+00 : f32
      %parallel_loop3A_171 = vector.broadcast %parallel_loop3A_170 : f32 to vector<16xf32>
      %parallel_loop3A_172 = arith.select %lt3A_17, %parallel_loop3A_169, %parallel_loop3A_171 : vector<16xi1>, vector<16xf32>
      %parallel_loop3A_173 = arith.constant true
      %parallel_loop3A_174 = vector.broadcast %parallel_loop3A_173 : i1 to vector<16xi1>
      %parallel_loop3A_175 = tpu.scan <sum>, %parallel_loop3A_172 masked %parallel_loop3A_174 : vector<16xf32>, vector<16xi1> -> vector<16xf32>
      %parallel_loop3A_176 = vector.extract %parallel_loop3A_175[15] : f32 from vector<16xf32>
      %parallel_loop3A_177 = vector.broadcast %parallel_loop3A_176 : f32 to vector<16xf32>
      %parallel_loop3A_178 = arith.divf %parallel_loop3A_172, %parallel_loop3A_177 : vector<16xf32>
      %parallel_loop3A_179 = arith.constant 1 : i32
      %parallel_loop3A_180 = arith.addi %parallel_loop3A_68, %parallel_loop3A_179 : i32
      %parallel_loop3A_181 = arith.constant 64 : i32
      %parallel_loop3A_182 = arith.muli %parallel_loop3A_180, %parallel_loop3A_181 : i32
      %parallel_loop3A_183 = arith.constant 0 : i32
      %parallel_loop3A_184 = arith.addi %parallel_loop3A_182, %parallel_loop3A_183 : i32
      %parallel_loop3A_185 = arith.index_cast %parallel_loop3A_184 : i32 to index
      %parallel_loop3A_186 = tpu.vector_load %arg5[%parallel_loop3A_185] {strides = array<i32>} : memref<32768xf32, #tpu.memory_space<vmem>>, vector<16xf32>,
      %parallel_loop3A_187 = arith.constant 16 : i32
      %parallel_loop3A_188 = arith.addi %parallel_loop3A_182, %parallel_loop3A_187 : i32
      %parallel_loop3A_189 = arith.index_cast %parallel_loop3A_188 : i32 to index
      %parallel_loop3A_190 = tpu.vector_load %arg5[%parallel_loop3A_189] {strides = array<i32>} : memref<32768xf32, #tpu.memory_space<vmem>>, vector<16xf32>,
      %parallel_loop3A_191 = arith.constant 32 : i32
      %parallel_loop3A_192 = arith.addi %parallel_loop3A_182, %parallel_loop3A_191 : i32
      %parallel_loop3A_193 = arith.index_cast %parallel_loop3A_192 : i32 to index
      %parallel_loop3A_194 = tpu.vector_load %arg5[%parallel_loop3A_193] {strides = array<i32>} : memref<32768xf32, #tpu.memory_space<vmem>>, vector<16xf32>,
      %parallel_loop3A_195 = arith.constant 48 : i32
      %parallel_loop3A_196 = arith.addi %parallel_loop3A_182, %parallel_loop3A_195 : i32
      %parallel_loop3A_197 = arith.index_cast %parallel_loop3A_196 : i32 to index
      %parallel_loop3A_198 = tpu.vector_load %arg5[%parallel_loop3A_197] {strides = array<i32>} : memref<32768xf32, #tpu.memory_space<vmem>>, vector<16xf32>,
      %parallel_loop3A_199 = arith.constant 0 : i32
      %parallel_loop3A_200 = vector.broadcast %parallel_loop3A_199 : i32 to vector<16xi32>
      %parallel_loop3A_201 = arith.addi %iota3A, %parallel_loop3A_200 : vector<16xi32>
      %parallel_loop3A_202 = arith.constant 16 : i32
      %parallel_loop3A_203 = vector.broadcast %parallel_loop3A_202 : i32 to vector<16xi32>
      %parallel_loop3A_204 = arith.addi %iota3A, %parallel_loop3A_203 : vector<16xi32>
      %parallel_loop3A_205 = arith.constant 32 : i32
      %parallel_loop3A_206 = vector.broadcast %parallel_loop3A_205 : i32 to vector<16xi32>
      %parallel_loop3A_207 = arith.addi %iota3A, %parallel_loop3A_206 : vector<16xi32>
      %parallel_loop3A_208 = arith.constant 48 : i32
      %parallel_loop3A_209 = vector.broadcast %parallel_loop3A_208 : i32 to vector<16xi32>
      %parallel_loop3A_210 = arith.addi %iota3A, %parallel_loop3A_209 : vector<16xi32>
      %parallel_loop3A_211 = arith.constant dense<true> : vector<16xi1>
      %parallel_loop3A_212, %parallel_loop3A_213, %parallel_loop3A_214 = tpu.sort %parallel_loop3A_186, %parallel_loop3A_201 masked %parallel_loop3A_211 {descending = true} : (vector<16xf32>, vector<16xi32>, vector<16xi1>) -> (vector<16xi1>, vector<16xf32>, vector<16xi32>)
      %parallel_loop3A_215 = arith.constant dense<true> : vector<16xi1>
      %parallel_loop3A_216, %parallel_loop3A_217, %parallel_loop3A_218 = tpu.sort %parallel_loop3A_190, %parallel_loop3A_204 masked %parallel_loop3A_215 {descending = true} : (vector<16xf32>, vector<16xi32>, vector<16xi1>) -> (vector<16xi1>, vector<16xf32>, vector<16xi32>)
      %parallel_loop3A_219 = arith.constant dense<true> : vector<16xi1>
      %parallel_loop3A_220, %parallel_loop3A_221, %parallel_loop3A_222 = tpu.sort %parallel_loop3A_194, %parallel_loop3A_207 masked %parallel_loop3A_219 {descending = true} : (vector<16xf32>, vector<16xi32>, vector<16xi1>) -> (vector<16xi1>, vector<16xf32>, vector<16xi32>)
      %parallel_loop3A_223 = arith.constant dense<true> : vector<16xi1>
      %parallel_loop3A_224, %parallel_loop3A_225, %parallel_loop3A_226 = tpu.sort %parallel_loop3A_198, %parallel_loop3A_210 masked %parallel_loop3A_223 {descending = true} : (vector<16xf32>, vector<16xi32>, vector<16xi1>) -> (vector<16xi1>, vector<16xf32>, vector<16xi32>)
      %parallel_loop3A_227 = arith.constant 15 : i32
      %parallel_loop3A_228 = vector.broadcast %parallel_loop3A_227 : i32 to vector<16xi32>
      %parallel_loop3A_229 = tpu.iota {dimensions = array<i32: 0>} : vector<16xi32>
      %parallel_loop3A_230 = arith.subi %parallel_loop3A_228, %parallel_loop3A_229 : vector<16xi32>
      %parallel_loop3A_231 = tpu.dynamic_gather %parallel_loop3A_217[%parallel_loop3A_230] in [0] : vector<16xf32>, vector<16xi32> -> vector<16xf32>
      %parallel_loop3A_232 = arith.select %lt3A_17, %parallel_loop3A_213, %parallel_loop3A_231 : vector<16xi1>, vector<16xf32>
      %parallel_loop3A_233 = arith.constant 15 : i32
      %parallel_loop3A_234 = vector.broadcast %parallel_loop3A_233 : i32 to vector<16xi32>
      %parallel_loop3A_235 = tpu.iota {dimensions = array<i32: 0>} : vector<16xi32>
      %parallel_loop3A_236 = arith.subi %parallel_loop3A_234, %parallel_loop3A_235 : vector<16xi32>
      %parallel_loop3A_237 = tpu.dynamic_gather %parallel_loop3A_218[%parallel_loop3A_236] in [0] : vector<16xi32>, vector<16xi32> -> vector<16xi32>
      %parallel_loop3A_238 = arith.select %lt3A_17, %parallel_loop3A_214, %parallel_loop3A_237 : vector<16xi1>, vector<16xi32>
      %parallel_loop3A_239 = arith.constant dense<true> : vector<16xi1>
      %parallel_loop3A_240, %parallel_loop3A_241, %parallel_loop3A_242 = tpu.sort %parallel_loop3A_232, %parallel_loop3A_238 masked %parallel_loop3A_239 {descending = true} : (vector<16xf32>, vector<16xi32>, vector<16xi1>) -> (vector<16xi1>, vector<16xf32>, vector<16xi32>)
      %parallel_loop3A_243 = arith.constant 15 : i32
      %parallel_loop3A_244 = vector.broadcast %parallel_loop3A_243 : i32 to vector<16xi32>
      %parallel_loop3A_245 = tpu.iota {dimensions = array<i32: 0>} : vector<16xi32>
      %parallel_loop3A_246 = arith.subi %parallel_loop3A_244, %parallel_loop3A_245 : vector<16xi32>
      %parallel_loop3A_247 = tpu.dynamic_gather %parallel_loop3A_225[%parallel_loop3A_246] in [0] : vector<16xf32>, vector<16xi32> -> vector<16xf32>
      %parallel_loop3A_248 = arith.select %lt3A_17, %parallel_loop3A_221, %parallel_loop3A_247 : vector<16xi1>, vector<16xf32>
      %parallel_loop3A_249 = arith.constant 15 : i32
      %parallel_loop3A_250 = vector.broadcast %parallel_loop3A_249 : i32 to vector<16xi32>
      %parallel_loop3A_251 = tpu.iota {dimensions = array<i32: 0>} : vector<16xi32>
      %parallel_loop3A_252 = arith.subi %parallel_loop3A_250, %parallel_loop3A_251 : vector<16xi32>
      %parallel_loop3A_253 = tpu.dynamic_gather %parallel_loop3A_226[%parallel_loop3A_252] in [0] : vector<16xi32>, vector<16xi32> -> vector<16xi32>
      %parallel_loop3A_254 = arith.select %lt3A_17, %parallel_loop3A_222, %parallel_loop3A_253 : vector<16xi1>, vector<16xi32>
      %parallel_loop3A_255 = arith.constant dense<true> : vector<16xi1>
      %parallel_loop3A_256, %parallel_loop3A_257, %parallel_loop3A_258 = tpu.sort %parallel_loop3A_248, %parallel_loop3A_254 masked %parallel_loop3A_255 {descending = true} : (vector<16xf32>, vector<16xi32>, vector<16xi1>) -> (vector<16xi1>, vector<16xf32>, vector<16xi32>)
      %parallel_loop3A_259 = arith.constant 15 : i32
      %parallel_loop3A_260 = vector.broadcast %parallel_loop3A_259 : i32 to vector<16xi32>
      %parallel_loop3A_261 = tpu.iota {dimensions = array<i32: 0>} : vector<16xi32>
      %parallel_loop3A_262 = arith.subi %parallel_loop3A_260, %parallel_loop3A_261 : vector<16xi32>
      %parallel_loop3A_263 = tpu.dynamic_gather %parallel_loop3A_257[%parallel_loop3A_262] in [0] : vector<16xf32>, vector<16xi32> -> vector<16xf32>
      %parallel_loop3A_264 = arith.select %lt3A_17, %parallel_loop3A_241, %parallel_loop3A_263 : vector<16xi1>, vector<16xf32>
      %parallel_loop3A_265 = arith.constant 15 : i32
      %parallel_loop3A_266 = vector.broadcast %parallel_loop3A_265 : i32 to vector<16xi32>
      %parallel_loop3A_267 = tpu.iota {dimensions = array<i32: 0>} : vector<16xi32>
      %parallel_loop3A_268 = arith.subi %parallel_loop3A_266, %parallel_loop3A_267 : vector<16xi32>
      %parallel_loop3A_269 = tpu.dynamic_gather %parallel_loop3A_258[%parallel_loop3A_268] in [0] : vector<16xi32>, vector<16xi32> -> vector<16xi32>
      %parallel_loop3A_270 = arith.select %lt3A_17, %parallel_loop3A_242, %parallel_loop3A_269 : vector<16xi1>, vector<16xi32>
      %parallel_loop3A_271 = arith.constant dense<true> : vector<16xi1>
      %parallel_loop3A_272, %parallel_loop3A_273, %parallel_loop3A_274 = tpu.sort %parallel_loop3A_264, %parallel_loop3A_270 masked %parallel_loop3A_271 {descending = true} : (vector<16xf32>, vector<16xi32>, vector<16xi1>) -> (vector<16xi1>, vector<16xf32>, vector<16xi32>)
      %parallel_loop3A_275 = arith.constant true
      %parallel_loop3A_276 = vector.broadcast %parallel_loop3A_275 : i1 to vector<16xi1>
      %parallel_loop3A_277 = tpu.scan <max>, %parallel_loop3A_273 masked %parallel_loop3A_276 : vector<16xf32>, vector<16xi1> -> vector<16xf32>
      %parallel_loop3A_278 = vector.extract %parallel_loop3A_277[15] : f32 from vector<16xf32>
      %parallel_loop3A_279 = vector.broadcast %parallel_loop3A_278 : f32 to vector<16xf32>
      %parallel_loop3A_280 = arith.subf %parallel_loop3A_273, %parallel_loop3A_279 : vector<16xf32>
      %parallel_loop3A_281 = math.exp %parallel_loop3A_280 : vector<16xf32>
      %parallel_loop3A_282 = arith.constant 0.000000e+00 : f32
      %parallel_loop3A_283 = vector.broadcast %parallel_loop3A_282 : f32 to vector<16xf32>
      %parallel_loop3A_284 = arith.select %lt3A_17, %parallel_loop3A_281, %parallel_loop3A_283 : vector<16xi1>, vector<16xf32>
      %parallel_loop3A_285 = arith.constant true
      %parallel_loop3A_286 = vector.broadcast %parallel_loop3A_285 : i1 to vector<16xi1>
      %parallel_loop3A_287 = tpu.scan <sum>, %parallel_loop3A_284 masked %parallel_loop3A_286 : vector<16xf32>, vector<16xi1> -> vector<16xf32>
      %parallel_loop3A_288 = vector.extract %parallel_loop3A_287[15] : f32 from vector<16xf32>
      %parallel_loop3A_289 = vector.broadcast %parallel_loop3A_288 : f32 to vector<16xf32>
      %parallel_loop3A_290 = arith.divf %parallel_loop3A_284, %parallel_loop3A_289 : vector<16xf32>
      %parallel_loop3A_291 = arith.constant 0 : i32
      %parallel_loop3A_292 = vector.broadcast %parallel_loop3A_291 : i32 to vector<16xi32>
      %parallel_loop3A_293 = arith.cmpi slt, %max3A_21, %parallel_loop3A_292 : vector<16xi32>
      %parallel_loop3A_294 = arith.constant 16 : i32
      %parallel_loop3A_295 = vector.broadcast %parallel_loop3A_294 : i32 to vector<16xi32>
      %parallel_loop3A_296 = arith.addi %max3A_21, %parallel_loop3A_295 : vector<16xi32>
      %parallel_loop3A_297 = arith.select %parallel_loop3A_293, %parallel_loop3A_296, %max3A_21 : vector<16xi1>, vector<16xi32>
      %parallel_loop3A_298 = vector.shape_cast %parallel_loop3A_297 : vector<16xi32> to vector<16x1xi32>
      %parallel_loop3A_299 = vector.shape_cast %parallel_loop3A_298 : vector<16x1xi32> to vector<16xi32>
      %parallel_loop3A_300 = tpu.dynamic_gather %parallel_loop3A_274[%parallel_loop3A_299] in [0] : vector<16xi32>, vector<16xi32> -> vector<16xi32>
      %parallel_loop3A_301 = arith.select %lt3A_17, %parallel_loop3A_162, %parallel_loop3A_300 : vector<16xi1>, vector<16xi32>
      %parallel_loop3A_302 = arith.constant 0 : i32
      %parallel_loop3A_303 = vector.broadcast %parallel_loop3A_302 : i32 to vector<16xi32>
      %parallel_loop3A_304 = arith.cmpi slt, %max3A_21, %parallel_loop3A_303 : vector<16xi32>
      %parallel_loop3A_305 = arith.constant 16 : i32
      %parallel_loop3A_306 = vector.broadcast %parallel_loop3A_305 : i32 to vector<16xi32>
      %parallel_loop3A_307 = arith.addi %max3A_21, %parallel_loop3A_306 : vector<16xi32>
      %parallel_loop3A_308 = arith.select %parallel_loop3A_304, %parallel_loop3A_307, %max3A_21 : vector<16xi1>, vector<16xi32>
      %parallel_loop3A_309 = vector.shape_cast %parallel_loop3A_308 : vector<16xi32> to vector<16x1xi32>
      %parallel_loop3A_310 = vector.shape_cast %parallel_loop3A_309 : vector<16x1xi32> to vector<16xi32>
      %parallel_loop3A_311 = tpu.dynamic_gather %parallel_loop3A_290[%parallel_loop3A_310] in [0] : vector<16xf32>, vector<16xi32> -> vector<16xf32>
      %parallel_loop3A_312 = arith.select %lt3A_17, %parallel_loop3A_178, %parallel_loop3A_311 : vector<16xi1>, vector<16xf32>
      %parallel_loop3A_313 = arith.constant 8 : i32
      %parallel_loop3A_314 = arith.muli %parallel_loop3A_68, %parallel_loop3A_313 : i32
      %parallel_loop3A_315 = arith.index_cast %parallel_loop3A_314 : i32 to index
      %parallel_loop3A_316 = tpu.vector_load %arg6[%parallel_loop3A_315] {strides = array<i32>} : memref<4104xi32, #tpu.memory_space<vmem>>, vector<16xi32>,
      tpu.vector_store %arg6[%parallel_loop3A_315], %parallel_loop3A_301 {strides = array<i32>} : memref<4104xi32, #tpu.memory_space<vmem>>, vector<16xi32>,
      %parallel_loop3A_317 = arith.constant 8 : i32
      %parallel_loop3A_318 = arith.muli %parallel_loop3A_68, %parallel_loop3A_317 : i32
      %parallel_loop3A_319 = arith.index_cast %parallel_loop3A_318 : i32 to index
      %parallel_loop3A_320 = tpu.vector_load %arg7[%parallel_loop3A_319] {strides = array<i32>} : memref<4104xf32, #tpu.memory_space<vmem>>, vector<16xf32>,
      tpu.vector_store %arg7[%parallel_loop3A_319], %parallel_loop3A_312 {strides = array<i32>} : memref<4104xf32, #tpu.memory_space<vmem>>, vector<16xf32>,
    } {sc.loop_unroll_factor = 4 : i64, sc.parallel_access}
    %dma_wait3A_52 = arith.constant 0 : i32
    %dma_wait3A_53 = tpu.memref_slice %arg6[%dma_wait3A_52] : memref<4104xi32, #tpu.memory_space<vmem>> -> memref<2048xi32, #tpu.memory_space<vmem>>
    %dma_wait3A_54 = tpu.memref_slice %arg3[%mul3A_23] : memref<131072xi32, #tpu.memory_space<hbm>> -> memref<2048xi32, #tpu.memory_space<hbm>>
    %dma_wait3A_55 = tpu.memref_slice %arg3[%mul3A_23] : memref<131072xi32, #tpu.memory_space<hbm>> -> memref<2048xi32, #tpu.memory_space<hbm>>
    %dma_wait3A_56 = arith.constant 0 : i32
    %dma_wait3A_57 = tpu.memref_slice %arg6[%dma_wait3A_56] : memref<4104xi32, #tpu.memory_space<vmem>> -> memref<2048xi32, #tpu.memory_space<vmem>>
    tpu.wait_dma2 semaphore(%arg10 : memref<!tpu.dma_semaphore, #tpu.memory_space<semaphore_mem>>) src(%dma_wait3A_57 : memref<2048xi32, #tpu.memory_space<vmem>>) dst(%dma_wait3A_55 : memref<2048xi32, #tpu.memory_space<hbm>>)
    %dma_wait3A_58 = arith.constant 0 : i32
    %dma_wait3A_59 = tpu.memref_slice %arg7[%dma_wait3A_58] : memref<4104xf32, #tpu.memory_space<vmem>> -> memref<2048xf32, #tpu.memory_space<vmem>>
    %dma_wait3A_60 = tpu.memref_slice %arg4[%mul3A_23] : memref<131072xf32, #tpu.memory_space<hbm>> -> memref<2048xf32, #tpu.memory_space<hbm>>
    %dma_wait3A_61 = tpu.memref_slice %arg4[%mul3A_23] : memref<131072xf32, #tpu.memory_space<hbm>> -> memref<2048xf32, #tpu.memory_space<hbm>>
    %dma_wait3A_62 = arith.constant 0 : i32
    %dma_wait3A_63 = tpu.memref_slice %arg7[%dma_wait3A_62] : memref<4104xf32, #tpu.memory_space<vmem>> -> memref<2048xf32, #tpu.memory_space<vmem>>
    tpu.wait_dma2 semaphore(%arg10 : memref<!tpu.dma_semaphore, #tpu.memory_space<semaphore_mem>>) src(%dma_wait3A_63 : memref<2048xf32, #tpu.memory_space<vmem>>) dst(%dma_wait3A_61 : memref<2048xf32, #tpu.memory_space<hbm>>)
    %add3A_64 = arith.constant 2048 : i32
    %add3A_65 = arith.addi %mul3A_23, %add3A_64 : i32
    "tpu.region"() ({
      %run_scoped3A = tpu.sem_alloc : memref<!tpu.dma_semaphore, #tpu.memory_space<semaphore_mem>>
      %dma_start3A_68 = arith.constant 2048 : i32
      %dma_start3A_69 = tpu.memref_slice %arg6[%dma_start3A_68] : memref<4104xi32, #tpu.memory_space<vmem>> -> memref<2048xi32, #tpu.memory_space<vmem>>
      %dma_start3A_70 = tpu.memref_slice %arg3[%add3A_65] : memref<131072xi32, #tpu.memory_space<hbm>> -> memref<2048xi32, #tpu.memory_space<hbm>>
      %dma_start3A_71 = tpu.memref_slice %arg3[%add3A_65] : memref<131072xi32, #tpu.memory_space<hbm>> -> memref<2048xi32, #tpu.memory_space<hbm>>
      %dma_start3A_72 = arith.constant 2048 : i32
      %dma_start3A_73 = tpu.memref_slice %arg6[%dma_start3A_72] : memref<4104xi32, #tpu.memory_space<vmem>> -> memref<2048xi32, #tpu.memory_space<vmem>>
      tpu.enqueue_dma source(%dma_start3A_73 : memref<2048xi32, #tpu.memory_space<vmem>>) target(%dma_start3A_71 : memref<2048xi32, #tpu.memory_space<hbm>>) target_semaphore(%run_scoped3A : memref<!tpu.dma_semaphore, #tpu.memory_space<semaphore_mem>>)
      %dma_wait3A_74 = arith.constant 2048 : i32
      %dma_wait3A_75 = tpu.memref_slice %arg6[%dma_wait3A_74] : memref<4104xi32, #tpu.memory_space<vmem>> -> memref<2048xi32, #tpu.memory_space<vmem>>
      %dma_wait3A_76 = tpu.memref_slice %arg3[%add3A_65] : memref<131072xi32, #tpu.memory_space<hbm>> -> memref<2048xi32, #tpu.memory_space<hbm>>
      %dma_wait3A_77 = tpu.memref_slice %arg3[%add3A_65] : memref<131072xi32, #tpu.memory_space<hbm>> -> memref<2048xi32, #tpu.memory_space<hbm>>
      %dma_wait3A_78 = arith.constant 2048 : i32
      %dma_wait3A_79 = tpu.memref_slice %arg6[%dma_wait3A_78] : memref<4104xi32, #tpu.memory_space<vmem>> -> memref<2048xi32, #tpu.memory_space<vmem>>
      tpu.wait_dma2 semaphore(%run_scoped3A : memref<!tpu.dma_semaphore, #tpu.memory_space<semaphore_mem>>) src(%dma_wait3A_79 : memref<2048xi32, #tpu.memory_space<vmem>>) dst(%dma_wait3A_77 : memref<2048xi32, #tpu.memory_space<hbm>>)
      tpu.yield
    }) : () -> ()
    %add3A_66 = arith.constant 2048 : i32
    %add3A_67 = arith.addi %mul3A_23, %add3A_66 : i32
    "tpu.region"() ({
      %run_scoped3A = tpu.sem_alloc : memref<!tpu.dma_semaphore, #tpu.memory_space<semaphore_mem>>
      %dma_start3A_68 = arith.constant 2048 : i32
      %dma_start3A_69 = tpu.memref_slice %arg7[%dma_start3A_68] : memref<4104xf32, #tpu.memory_space<vmem>> -> memref<2048xf32, #tpu.memory_space<vmem>>
      %dma_start3A_70 = tpu.memref_slice %arg4[%add3A_67] : memref<131072xf32, #tpu.memory_space<hbm>> -> memref<2048xf32, #tpu.memory_space<hbm>>
      %dma_start3A_71 = tpu.memref_slice %arg4[%add3A_67] : memref<131072xf32, #tpu.memory_space<hbm>> -> memref<2048xf32, #tpu.memory_space<hbm>>
      %dma_start3A_72 = arith.constant 2048 : i32
      %dma_start3A_73 = tpu.memref_slice %arg7[%dma_start3A_72] : memref<4104xf32, #tpu.memory_space<vmem>> -> memref<2048xf32, #tpu.memory_space<vmem>>
      tpu.enqueue_dma source(%dma_start3A_73 : memref<2048xf32, #tpu.memory_space<vmem>>) target(%dma_start3A_71 : memref<2048xf32, #tpu.memory_space<hbm>>) target_semaphore(%run_scoped3A : memref<!tpu.dma_semaphore, #tpu.memory_space<semaphore_mem>>)
      %dma_wait3A_74 = arith.constant 2048 : i32
      %dma_wait3A_75 = tpu.memref_slice %arg7[%dma_wait3A_74] : memref<4104xf32, #tpu.memory_space<vmem>> -> memref<2048xf32, #tpu.memory_space<vmem>>
      %dma_wait3A_76 = tpu.memref_slice %arg4[%add3A_67] : memref<131072xf32, #tpu.memory_space<hbm>> -> memref<2048xf32, #tpu.memory_space<hbm>>
      %dma_wait3A_77 = tpu.memref_slice %arg4[%add3A_67] : memref<131072xf32, #tpu.memory_space<hbm>> -> memref<2048xf32, #tpu.memory_space<hbm>>
      %dma_wait3A_78 = arith.constant 2048 : i32
      %dma_wait3A_79 = tpu.memref_slice %arg7[%dma_wait3A_78] : memref<4104xf32, #tpu.memory_space<vmem>> -> memref<2048xf32, #tpu.memory_space<vmem>>
      tpu.wait_dma2 semaphore(%run_scoped3A : memref<!tpu.dma_semaphore, #tpu.memory_space<semaphore_mem>>) src(%dma_wait3A_79 : memref<2048xf32, #tpu.memory_space<vmem>>) dst(%dma_wait3A_77 : memref<2048xf32, #tpu.memory_space<hbm>>)
      tpu.yield
    }) : () -> ()
    return
  }
}

module attributes {stable_mosaic.version = 14 : i64} {
  func.func @_logits_body(%arg0: i32, %arg1: memref<2048x2048xf32, #tpu.memory_space<vmem>>, %arg2: memref<64x2048xf32, #tpu.memory_space<vmem>>, %arg3: memref<2048x64xf32, #tpu.memory_space<vmem>>) attributes {dimension_semantics = [#tpu.dimension_semantics<arbitrary>], iteration_bounds = array<i64: 8>, scalar_prefetch = 0 : i64, scratch_operands = 0 : i64, tpu.core_type = #tpu.core_type<tc>, window_params = [{transform_indices = @transform_0, window_bounds = array<i64: 2048, 2048>}, {pipeline_mode = #tpu.pipeline_mode<synchronous>, transform_indices = @transform_1, window_bounds = array<i64: 64, 2048>}, {transform_indices = @transform_2, window_bounds = array<i64: 2048, 64>}]} {
    %get3A = arith.constant 0 : index
    %get3A_0 = arith.constant 0 : index
    %get3A_1 = vector.load %arg1[%get3A, %get3A_0] : memref<2048x2048xf32, #tpu.memory_space<vmem>>, vector<2048x2048xf32>
    %get3A_2 = arith.constant 0 : index
    %get3A_3 = arith.constant 0 : index
    %get3A_4 = vector.load %arg2[%get3A_2, %get3A_3] : memref<64x2048xf32, #tpu.memory_space<vmem>>, vector<64x2048xf32>
    %dot_general3A = arith.constant dense<0.000000e+00> : vector<64x2048xf32>
    %dot_general3A_5 = tpu.matmul %get3A_4, %get3A_1, %dot_general3A {dimension_numbers = #tpu.dot_dimension_numbers<[1], [1], [0], [0], [0, 0, 1, 0], [], []>, transpose_lhs_hint = false} : vector<64x2048xf32>, vector<2048x2048xf32>, vector<64x2048xf32> -> vector<64x2048xf32>
    %transpose3A = tpu.transpose %dot_general3A_5, [1, 0] : vector<64x2048xf32> -> vector<2048x64xf32>
    %swap3A = arith.constant 0 : index
    %swap3A_6 = arith.constant 0 : index
    %swap3A_7 = vector.load %arg3[%swap3A, %swap3A_6] : memref<2048x64xf32, #tpu.memory_space<vmem>>, vector<2048x64xf32>
    tpu.vector_store %arg3[%swap3A, %swap3A_6], %transpose3A {strides = array<i32>} : memref<2048x64xf32, #tpu.memory_space<vmem>>, vector<2048x64xf32>,
    return
  }
  func.func @transform_0(%arg0: i32) -> (i32, i32) {
    %add3A = arith.constant 0 : i32
    %add3A_0 = arith.addi %add3A, %arg0 : i32
    %c0_i32 = arith.constant 0 : i32
    %c0_i32_1 = arith.constant 0 : i32
    return %add3A_0, %c0_i32 : i32, i32
  }
  func.func @transform_1(%arg0: i32) -> (i32, i32) {
    %c0_i32 = arith.constant 0 : i32
    %c0_i32_0 = arith.constant 0 : i32
    %c0_i32_1 = arith.constant 0 : i32
    return %c0_i32, %c0_i32_0 : i32, i32
  }
  func.func @transform_2(%arg0: i32) -> (i32, i32) {
    %c0_i32 = arith.constant 0 : i32
    %c0_i32_0 = arith.constant 0 : i32
    return %arg0, %c0_i32 : i32, i32
  }
}

</mosaic_0001>

<sc_bundles>
// kernel: _gate.4.cloned.1.call-start
scs
__scs_entry_jumppad:
0x0: {  	(pc) =	sbr.rel $0x88, $3  }
0x1: {  	(tag) =	ssettag $0x0;
	lr =	simm.s32 $0x1  }
0x2: {  	[smem:$0x3F9F] =	sst lr;
	_ =	strace $0xD0000000  }
0x3: {  	_ = 	snop  }
0x4: {  	_ = 	snop  }
0x5: {  	_ = 	snop  }
0x6: {  	_ = 	snop  }
0x7: {  	_ = 	snop  }
__scs_overlays_trampoline_lowered:
0x8: {  	[smem:$0x3FAE] =	sst s0  }
0x9: {  	[smem:$0x3FAF] =	sst s1  }
0xa: {  	[smem:$0x3FB0] =	sst s2  }
0xb: {  	[smem:$0x3FB1] =	sst s3  }
0xc: {  	[smem:$0x3FB2] =	sst s4  }
0xd: {  	[smem:$0x3FB3] =	sst s5  }
0xe: {  	[smem:$0x3FB4] =	sst s6  }
0xf: {  	[smem:$0x3FB5] =	sst s7  }
0x10: {  	[smem:$0x3FB6] =	sst s8  }
0x11: {  	[smem:$0x3FB7] =	sst s9;
	s0 =	simm.s32 @!p0 $0x0  }
0x12: {  	s1 =	sld [smem:$0x3F9D];
	s0 =	simm.s32 @p0 $0x1  }
0x13: {  	[smem:$0x3FB8] =	sst s0;
	s0 =	simm.s32 @!p1 $0x0  }
0x14: {  	s2 =	sld [smem:$0x3F9C];
	s0 =	simm.s32 @p1 $0x1  }
0x15: {  	[smem:$0x3FB9] =	sst s0;
	s0 =	simm.s32 @!p2 $0x0  }
0x16: {  	s3 =	sld [smem:$0x3FDB];
	s0 =	simm.s32 @p2 $0x1  }
0x17: {  	s4 =	simm.s32 $0x1BF5;
	[smem:$0x3FBB] =	sst s0  }
0x18: {  	s0 =	sld [smem:$0x3F9E];
	_ =	swait.ge [sflag:s4], $0x0  }
0x19: {  	s7 =	sld [smem:$0x3F9F]  }
0x1a: {  	s8 =	sadd.s32 $0xFFFFE003, lr  }
0x1b: {  	s9 =	sadd.s32 $0xFFFFFEF7, lr;
	s5 =	simm.s32 $0xFFFFFFFF;
	p2 =	slt.u32 s8, $0xFFFFF086  }
0x1c: {  	p1 =	slt.u32 s9, $0xF7A;
	s5 =	simm.s32 @!p2 $0x0  }
0x1d: {  	s5 =	simm.s32 @p1 $0x1;
	p0 =	seq.s32 s7, s2  }
0x1e: {  	s7 =	smul.u32 @!p0 $0xF7A, s2;
	p2 =	seq.s32 @!p0 s5, $0x0  }
0x1f: {  	s9 =	smul.u32 $0xF7A, s1;
	s8 =	simm.s32 @!p0 $0x1BF5;
	p2 =	por !p2, p0  }
0x20: {  	[sflag:s8] =	ssyncset.s32 @!p0 $0xFFFFF086;
	s6 =	sadd.s32 @!p0 s3, s7;
	s7 =	simm.s32 @!p0 $0x108  }
0x21: {  	s3 =	sadd.s32 s3, s9;
	s6 =	sadd.s32 @!p0 $0x88, s6;
	s7 =	simm.s32 @p2 $0x1082  }
0x22: {  	[simem:s7], [sflag:s8] =	dma.local @!p0 [hbm:s6], $0xF7A  }
0x23: {  	s9 =	sor.u32 $0xD0000000, s2;
	s6 =	simm.s32 $0x108;
	_ =	swait.ge @!p0 [sflag:s8], $0x0  }
0x24: {  	s3 =	sadd.s32 $0x88, s3;
	s6 =	simm.s32 @!p1 $0x1082;
	[sflag:s4] =	ssyncset.s32 $0xFFFFF086  }
0x25: {  	[simem:s6], [sflag:s4] =	dma.local [hbm:s3], $0xF7A  }
0x26: {  	[smem:$0x3F9F] =	sst s1;
	(tag) =	ssettag s2;
	_ =	strace s9  }
0x27: {  	s1 =	sld [smem:$0x3FAF]  }
0x28: {  	s2 =	sld [smem:$0x3FB0]  }
0x29: {  	s4 =	sld [smem:$0x3FB2]  }
0x2a: {  	p0 =	seq.s32 s5, $0x0;
	s5 =	sld [smem:$0x3FB3]  }
0x2b: {  	s6 =	sld [smem:$0x3FB4]  }
0x2c: {  	s7 =	sld [smem:$0x3FB5]  }
0x2d: {  	s3 =	simm.s32 $0x108;
	s8 =	sld [smem:$0x3FB6]  }
0x2e: {  	s3 =	simm.s32 @!p0 $0x1082;
	s9 =	sld [smem:$0x3FB7]  }
0x2f: {  	lr =	sadd.s32 s0, s3;
	s0 =	sld [smem:$0x3FAE]  }
0x30: {  	s3 =	sld [smem:$0x3FB1]  }
0x31: {  	[smem:$0x3FBA] =	sst s10  }
0x32: {  	s10 =	sld [smem:$0x3FB8];
	_ =	sdelay $0x3  }
0x33: {  	p0 =	seq.s32 s10, $0x1;
	s10 =	sld [smem:$0x3FBA];
	_ =	sdelay $0x3  }
0x34: {  	[smem:$0x3FBA] =	sst s10  }
0x35: {  	s10 =	sld [smem:$0x3FB9];
	_ =	sdelay $0x3  }
0x36: {  	p1 =	seq.s32 s10, $0x1;
	s10 =	sld [smem:$0x3FBA];
	_ =	sdelay $0x3  }
0x37: {  	[smem:$0x3FBA] =	sst s10  }
0x38: {  	s10 =	sld [smem:$0x3FBB]  }
0x39: {  	_ = 	snop;
	(pc) =	sbr.ind lr, $3  }
0x3a: {  	_ = 	snop  }
0x3b: {  	_ = 	snop  }
0x3c: {  	p2 =	seq.s32 s10, $0x1;
	s10 =	sld [smem:$0x3FBA]  }
0x3d: {  	_ =	shalt  }
0x3e: {  	_ =	shalt  }
0x3f: {  	_ =	shalt  }
0x40: {  	_ =	shalt  }
0x41: {  	_ =	shalt  }
0x42: {  	_ =	shalt  }
0x43: {  	_ =	shalt  }
0x44: {  	_ =	shalt  }
0x45: {  	_ =	shalt  }
0x46: {  	_ =	shalt  }
0x47: {  	_ =	shalt  }
0x48: {  	_ =	shalt  }
0x49: {  	_ =	shalt  }
0x4a: {  	_ =	shalt  }
0x4b: {  	_ =	shalt  }
0x4c: {  	_ =	shalt  }
0x4d: {  	_ =	shalt  }
0x4e: {  	_ =	shalt  }
0x4f: {  	_ =	shalt  }
0x50: {  	_ =	shalt  }
0x51: {  	_ =	shalt  }
0x52: {  	_ =	shalt  }
0x53: {  	_ =	shalt  }
0x54: {  	_ =	shalt  }
0x55: {  	_ =	shalt  }
0x56: {  	_ =	shalt  }
0x57: {  	_ =	shalt  }
0x58: {  	_ =	shalt  }
0x59: {  	_ =	shalt  }
0x5a: {  	_ =	shalt  }
0x5b: {  	_ =	shalt  }
0x5c: {  	_ =	shalt  }
0x5d: {  	_ =	shalt  }
0x5e: {  	_ =	shalt  }
0x5f: {  	_ =	shalt  }
0x60: {  	_ =	shalt  }
0x61: {  	_ =	shalt  }
0x62: {  	_ =	shalt  }
0x63: {  	_ =	shalt  }
0x64: {  	_ =	shalt  }
0x65: {  	_ =	shalt  }
0x66: {  	_ =	shalt  }
0x67: {  	_ =	shalt  }
0x68: {  	_ =	shalt  }
0x69: {  	_ =	shalt  }
0x6a: {  	_ =	shalt  }
0x6b: {  	_ =	shalt  }
0x6c: {  	_ =	shalt  }
0x6d: {  	_ =	shalt  }
0x6e: {  	_ =	shalt  }
0x6f: {  	_ =	shalt  }
0x70: {  	_ =	shalt  }
0x71: {  	_ =	shalt  }
0x72: {  	_ =	shalt  }
0x73: {  	_ =	shalt  }
0x74: {  	_ =	shalt  }
0x75: {  	_ =	shalt  }
0x76: {  	_ =	shalt  }
0x77: {  	_ =	shalt  }
0x78: {  	_ =	shalt  }
0x79: {  	_ =	shalt  }
0x7a: {  	_ =	shalt  }
0x7b: {  	_ =	shalt  }
0x7c: {  	_ =	shalt  }
0x7d: {  	_ =	shalt  }
0x7e: {  	_ =	shalt  }
0x7f: {  	_ =	shalt  }
0x80: {  	_ =	shalt  }
0x81: {  	_ =	shalt  }
0x82: {  	_ =	shalt  }
0x83: {  	_ =	shalt  }
0x84: {  	_ =	shalt  }
0x85: {  	_ =	shalt  }
0x86: {  	_ =	shalt  }
0x87: {  	_ =	shalt  }
.Lfunc_end0:
.L_simem_size_0:
called_computation_lowered:
.L_overlay_start_0:
0x88: {  	s2 =	sld [smem:$0x3FD9]  }
0x89: {  	s3 =	sld [smem:$0x3FFE];
	_ =	sdelay $0x1  }
0x8a: {  	s1 =	srdreg.scid  }
0x8b: {  	s0 =	sand.u32 $0x1, s1  }
0x8c: {  	s14 =	sshll.u32 s0, $0xA;
	s2 =	sadd.s32 s3, s2  }
0x8d: {  	s2 =	sadd.s32 s2, s14  }
0x8e: {  	[smem:$0x3FC6] =	sst s2  }
0x8f: {  	_ = 	snop  }
0x90: {  	s2 =	sld [smem:$0x3FD0];
	_ =	sdelay $0x2  }
0x91: {  	s15 =	simm.s32 $0xA;
	s4 =	simm.s32 $0x10  }
0x92: {  	[smem:s4], [sflag:s15] =	dma.local [hbm:s2], $0x1  }
0x93: {  	_ =	swait.eq [sflag:s15], $0x1  }
0x94: {  	[sflag:s15] =	ssyncset.done $0x0  }
0x95: {  	[sflag:s15] =	ssyncadd.s32 $0xFFFFFFFF  }
0x96: {  	s16 =	sld [smem:$0x11];
	(tm) =	ssettm $0x1  }
0x97: {  	s17 =	sld [smem:$0x3FFB];
	_ =	sdelay $0x3  }
0x98: {  	_ =	strace s17  }
0x99: {  	s3 =	sld [smem:$0x3FFC];
	_ =	sdelay $0x3  }
0x9a: {  	_ =	strace s3  }
0x9b: {  	s3 =	sld [smem:$0x3FFD];
	_ =	sdelay $0x3  }
0x9c: {  	_ =	strace s3  }
0x9d: {  	_ =	strace $0x8FFFFFFF  }
0x9e: {  	s18 =	sld [smem:$0x3FDB];
	_ =	sdelay $0x1  }
0x9f: {  	s19 =	simm.s32 $_scs_section_size  }
0xa0: {  	s5 =	simm.s32 $_size__tile_overlayer_lowered;
	s6 =	simm.s32 $_tile_overlayer_lowered  }
0xa1: {  	s22 =	simm.s32 $0x1BFF;
	s21 =	sshll.u32 s6, $0x1;
	s3 =	sadd.s32 s19, s18  }
0xa2: {  	s7 =	simm.s32 $0x0;
	s20 =	sshll.u32 s5, $0x1;
	s5 =	sadd.s32 s21, s3  }
0xa3: {  	[timem:s7], [sflag:s22] =	dma.local [hbm:s5], s20  }
0xa4: {  	_ =	swait.ge [sflag:s22], s20  }
0xa5: {  	s4 =	ssub.s32 $0x0, s20;
	[sflag:s22] =	ssyncset.done $0x0  }
0xa6: {  	[sflag:s22] =	ssyncadd.s32 s4;
	_ =	sdelay $0x1  }
0xa7: {  	s23 =	simm.s32 $0x1B8B  }
0xa8: {  	_ =	swait.ge [sflag:s23], $0x1  }
0xa9: {  	[sflag:s23] =	ssyncset.done $0x0  }
0xaa: {  	s25 =	simm.s32 $0x1B8E;
	s24 =	sld [smem:$0x3FFE];
	[sflag:s23] =	ssyncadd.s32 $0xFFFFFFFF  }
0xab: {  	s26 =	simm.s32 $execute0_lowered;
	[smem:$0x3FD2] =	sst s25  }
0xac: {  	s5 =	sshll.u32 s26, $0x1;
	_ =	strace $0x80000046;
	[dreg:$0x1] =	wrdreg $0xFFFFFFFF  }
0xad: {  	s28 =	simm.s32 $_size_execute0_lowered;
	s3 =	sadd.s32 s3, s5;
	[dreg:$0x0] =	wrdreg $0x0  }
0xae: {  	s5 =	sshll.u32 s28, $0x1;
	[dreg:$0x2] =	wrdreg s3  }
0xaf: {  	[dreg:$0x3] =	wrdreg s5  }
0xb0: {  	[dreg:$0x4] =	wrdreg $0xC0  }
0xb1: {  	_ =	task [dreg:s7], $0x5FFFF  }
0xb2: {  	[dreg:$0x1] =	wrdreg $0xFFFFFFFF  }
0xb3: {  	[dreg:$0x0] =	wrdreg $0x60  }
0xb4: {  	[dreg:$0x2] =	wrdreg s24  }
0xb5: {  	[dreg:$0x3] =	wrdreg s16  }
0xb6: {  	[dreg:$0x4] =	wrdreg $0x9  }
0xb7: {  	_ =	task.clear_ibuf [dreg:s7], $0x5FFFF;
	_ =	strace $0x90000046  }
0xb8: {  	s29 =	simm.s32 $0x9;
	_ =	strace $0x80000048  }
0xb9: {  	_ =	swait.ge [sflag:s29], $0x1  }
0xba: {  	[sflag:s29] =	ssyncadd.s32 $0xFFFFFFFF  }
0xbb: {  	_ =	strace $0x90000048  }
0xbc: {  	_ =	sfence  }
0xbd: {  	s30 =	sld [smem:$0x0];
	_ =	sdelay $0x2  }
0xbe: {  	s31 =	sshll.u32 s1, $0xD;
	s1 =	sshrl.u32 s1, $0x2  }
0xbf: {  	s3 =	sand.u32 $0x4000, s31;
	s1 =	sadd.s32 s1, s30  }
0xc0: {  	s0 =	sor.u32 s3, s0;
	s1 =	sshll.u32 s1, $0x11  }
0xc1: {  	s0 =	sor.u32 s1, s0  }
0xc2: {  	s0 =	sadd.s32 $0x8F2B, s0  }
0xc3: {  	[sflag:s0] =	ssyncadd.remote.s32 $0x1  }
0xc4: {  	_ =	sfence.sel $0xFFFF  }
0xc5: {  	[dreg:$0x0] =	wrdreg $0xFFFFFFFF;
	(pc) =	sbr.abs _section_cstart, $3  }
0xc6: {  	[dreg:$0x1] =	wrdreg $0xFFFFFFFF  }
0xc7: {  	_ =	task.clear_ibuf [dreg:s7], $0x2FFFF;
	_ =	strace $0x9FFFFFFF  }
0xc8: {  	(tm) =	ssettm $0x7FFFFFFF  }
0xc9: {  	_ =	shalt  }
tec
execute0_lowered:
.L_overlay_start_1:
0x0: {  	(tag) =	ssettag $0x1  }
0x1: {  	s3 =	rddreg [dreg:$0x0]  }
0x2: {  	s1 =	srdreg.scid;
	s0 =	stileid.u32  }
0x3: {  	s7 =	rddreg [dreg:$0x1];
	s2 =	simm.s32 $0x0;
	s12 =	simm.s32 $0x8000  }
0x4: {  	s13 =	simm.s32 $0x9080;
	s14 =	simm.s32 $0x2;
	s15 =	simm.s32 $0x3  }
0x5: {  	v0 =	vimm.s32 $0xE40000;
	s16 =	simm.s32 $0x8800;
	s17 =	simm.s32 $0x4;
	s18 =	simm.s32 $0x9880  }
0x6: {  	s19 =	simm.s32 $0x0;
	s4 =	sand.u32 $0x1, s1;
	s1 =	rddreg [dreg:$0x2];
	v0 =	vunpack.c.l.s2.s4 v0  }
0x7: {  	s5 =	sshll.u32 s0, $0x1;
	[smem:$0x7FF] =	sst s2;
	s9 =	sadd.s32 $0x20C00, s3  }
0x8: {  	s5 =	sor.u32 s4, s5;
	s4 =	ssub.s32 $0x2, s4;
	_ =	strace $0x80000047;
	v2 =	vunpack.c.l.s4.s8 v0  }
0x9: {  	v3 =	vimm.s32 $0x7060504;
	s6 =	sshll.u32 s5, $0xC;
	s8 =	sshrl.u32 s4, $0x1;
	s31 =	sshll.u32 s5, $0x9  }
0xa: {  	vm1 =	vcmask $0x3F30;
	v0 =	vlaneseq.u32;
	s6 =	sadd.s32 s6, s3;
	s10 =	ssub.s32 s4, s8;
	s11 =	sor.u32 $0x100, s31;
	v4 =	vunpack.c.0.s8.s32 v2  }
0xb: {  	vm0 =	vmmov $0xff;
	v6 =	vunpack.c.0.s8.s32 v3;
	s5 =	sadd.s32 s7, s31;
	v5 =	vmul.u32 $0xFFFFFFFF, v0;
	s3 =	sadd.s32 $0xC00, s6;
	s4 =	sadd.s32 $0x1400, s6  }
0xc: {  	v1 =	vor.u32 $0x10, v0;
	v3 =	vor.u32 $0x30, v0;
	s6 =	sadd.s32 s9, s31;
	s7 =	sadd.s32 s7, s11;
	s8 =	sadd.s32 s9, s11;
	v7 =	vand.u32 $0x3, v4  }
0xd: {  	s9 =	smax.u32 s10, $0x1;
	s10 =	simm.s32 $0x4000;
	s11 =	simm.s32 $0x1;
	v2 =	vor.u32 $0x20, v0;
	v4 =	vadd.s32 $0xF, v5;
	v5 =	vsel vm1, v6, v7  }
.LBB2_1:
0xe: {  	[tilespmem:s2], [sflag:$0x1] =	stream.linear.gather [hbm4b:s3+s2], $0x4000, $0x38;
	[tilespmem:$0xA100] =	vst v63  }
0xf: {  	_ = 	snop  }
0x10: {  	[tilespmem:s10], [sflag:$0x2] =	stream.linear.gather [hbm4b:s4+s2], $0x4000, $0x38;
	[tilespmem:$0xA100] =	vst v63  }
0x11: {  	_ =	swait.ge [sflag:s11], $0x4000  }
0x12: {  	[sflag:s11] =	ssyncset.done $0x0  }
0x13: {  	s20 =	simm.s32 $0x100;
	[sflag:s11] =	ssyncadd.s32 $0xFFFFC000  }
0x14: {  	v6 =	vld [tilespmem:s20+$0x90]  }
0x15: {  	v7 =	vld [tilespmem:s20+$0xB0]  }
0x16: {  	v8 =	vld [tilespmem:s20+$0xA0]  }
0x17: {  	v9 =	vld [tilespmem:s20+$0xD0]  }
0x18: {  	v10 =	vld [tilespmem:s20+$0xF0]  }
0x19: {  	v11 =	vld [tilespmem:s20+$0x80];
	(xrf1) =	vsort.dscd.msk.f32 $0xffff, v6, v1  }
0x1a: {  	v6 =	vld [tilespmem:s20+$0xE0];
	(xrf1) =	vsort.dscd.msk.f32 $0xffff, v7, v3  }
0x1b: {  	v7 =	vld [tilespmem:s20+$0xFFFFFF70];
	(xrf1) =	vsort.dscd.msk.f32 $0xffff, v8, v2  }
0x1c: {  	v8 =	vld [tilespmem:s20+$0xC0];
	(xrf1) =	vsort.dscd.msk.f32 $0xffff, v9, v1  }
0x1d: {  	v9 =	vld [tilespmem:s20+$0xFFFFFFF0];
	(xrf1) =	vsort.dscd.msk.f32 $0xffff, v10, v3  }
0x1e: {  	v10 =	vld [tilespmem:s20+$0x70];
	(xrf1) =	vsort.dscd.msk.f32 $0xffff, v11, v0  }
0x1f: {  	v11 =	vld [tilespmem:s20+$0xFFFFFF30];
	(xrf1) =	vsort.dscd.msk.f32 $0xffff, v6, v2  }
0x20: {  	v6 =	vld [tilespmem:s20+$0xFFFFFF50];
	(xrf1) =	vsort.dscd.msk.f32 $0xffff, v7, v3  }
0x21: {  	v7 =	vld [tilespmem:s20+$0xFFFFFF60];
	(xrf1) =	vsort.dscd.msk.f32 $0xffff, v8, v0  }
0x22: {  	v8 =	vld [tilespmem:s20+$0xFFFFFFB0];
	(xrf1) =	vsort.dscd.msk.f32 $0xffff, v9, v3  }
0x23: {  	v9 =	vld [tilespmem:s20+$0xFFFFFFD0];
	(xrf1) =	vsort.dscd.msk.f32 $0xffff, v10, v3  }
0x24: {  	v10 =	vld [tilespmem:s20+$0xFFFFFFE0];
	(xrf1) =	vsort.dscd.msk.f32 $0xffff, v11, v3  }
0x25: {  	v11 =	vld [tilespmem:s20+$0x30];
	(xrf1) =	vsort.dscd.msk.f32 $0xffff, v6, v1  }
0x26: {  	(xrf1) =	vsort.dscd.msk.f32 $0xffff, v7, v2  }
0x27: {  	(xrf1) =	vsort.dscd.msk.f32 $0xffff, v8, v3;
	v6, v7, _ =	vpop (xrf1)  }
0x28: {  	(xrf1) =	vsort.dscd.msk.f32 $0xffff, v9, v1;
	v8, v9, _ =	vpop (xrf1)  }
0x29: {  	v8 =	vperm.xlane v8, v4;
	v9 =	vperm.xlane v9, v4;
	(xrf1) =	vsort.dscd.msk.f32 $0xffff, v10, v2;
	v10, v12, _ =	vpop (xrf1)  }
0x2a: {  	v7 =	vperm.xlane v7, v4;
	(xrf1) =	vsort.dscd.msk.f32 $0xffff, v11, v3;
	v11, v14, _ =	vpop (xrf1)  }
0x2b: {  	v8 =	vsel vm0, v10, v8;
	v9 =	vsel vm0, v12, v9;
	v10 =	vperm.xlane v11, v4;
	v11, v12, _ =	vpop (xrf1)  }
0x2c: {  	v6 =	vperm.xlane v6, v4;
	v17, v18, _ =	vpop (xrf1)  }
0x2d: {  	v13 =	vld [tilespmem:s20+$0x50];
	v11 =	vperm.xlane v11, v4;
	v12 =	vperm.xlane v12, v4;
	v7 =	vsel vm0, v18, v7  }
0x2e: {  	(xrf1) =	vsort.dscd.msk.f32 $0xffff, v8, v9;
	v9 =	vperm.xlane v14, v4;
	v6 =	vsel vm0, v17, v6;
	v14, v17, _ =	vpop (xrf1)  }
0x2f: {  	v15 =	vld [tilespmem:s20+$0x60];
	v11 =	vsel vm0, v14, v11;
	v12 =	vsel vm0, v17, v12;
	v14, v17, _ =	vpop (xrf1)  }
0x30: {  	v16 =	vld [tilespmem:s20+$0xFFFFFF10];
	(xrf1) =	vsort.dscd.msk.f32 $0xffff, v6, v7;
	v7, v19, _ =	vpop (xrf1)  }
0x31: {  	v8 =	vld [tilespmem:s20+$0xFFFFFF20];
	(xrf1) =	vsort.dscd.msk.f32 $0xffff, v11, v12;
	v9 =	vsel vm0, v19, v9  }
0x32: {  	v18 =	vld [tilespmem:s20+$0xFFFFFF40];
	v7 =	vsel vm0, v7, v10;
	(xrf1) =	vsort.dscd.msk.f32 $0xffff, v13, v1  }
0x33: {  	v6 =	vld [tilespmem:s20+$0xFFFFFF90];
	v12, v13, _ =	vpop (xrf1);
	(xrf1) =	vsort.dscd.msk.f32 $0xffff, v7, v9  }
0x34: {  	v11 =	vld [tilespmem:s20+$0xFFFFFFA0];
	(xrf1) =	vsort.dscd.msk.f32 $0xffff, v15, v2;
	v9, v19, _ =	vpop (xrf1)  }
0x35: {  	v10 =	vld [tilespmem:s20+$0xFFFFFFC0];
	(xrf1) =	vsort.dscd.msk.f32 $0xffff, v16, v1;
	v20, v21, _ =	vpop (xrf1)  }
0x36: {  	v7 =	vld [tilespmem:s20+$0x10];
	(xrf1) =	vsort.dscd.msk.f32 $0xffff, v8, v2;
	v22, v23, _ =	vpop (xrf1)  }
0x37: {  	v15 =	vld [tilespmem:s20+$0x20];
	(xrf1) =	vsort.dscd.msk.f32 $0xffff, v18, v0;
	v24, v25, _ =	vpop (xrf1)  }
0x38: {  	(xrf1) =	vsort.dscd.msk.f32 $0xffff, v6, v1;
	v26, v27, _ =	vpop (xrf1)  }
0x39: {  	(xrf1) =	vsort.dscd.msk.f32 $0xffff, v11, v2;
	v28, v29, _ =	vpop (xrf1)  }
0x3a: {  	v16 =	vld [tilespmem:s20+$0x40];
	v6 =	vperm.xlane v17, v4;
	v11 =	vperm.xlane v13, v4;
	(xrf1) =	vsort.dscd.msk.f32 $0xffff, v10, v0;
	v13, v30, _ =	vpop (xrf1)  }
0x3b: {  	v17 =	vld [tilespmem:s20+$0xFFFFFF00];
	v10 =	vperm.xlane v21, v4;
	v21 =	vperm.xlane v22, v4;
	(xrf1) =	vsort.dscd.msk.f32 $0xffff, v7, v1;
	v22, v31, _ =	vpop (xrf1)  }
0x3c: {  	v8 =	vld [tilespmem:s20+$0xFFFFFF80];
	v7 =	vperm.xlane v23, v4;
	(xrf1) =	vsort.dscd.msk.f32 $0xffff, v15, v2;
	v15, v23, _ =	vpop (xrf1)  }
0x3d: {  	v23 =	vperm.xlane v23, v4  }
0x3e: {  	v14 =	vperm.xlane v14, v4;
	v18 =	vld [tilespmem:s20+$0x0]  }
0x3f: {  	v12 =	vperm.xlane v12, v4;
	(xrf1) =	vsort.dscd.msk.f32 $0xffff, v16, v0;
	v15 =	vperm.xlane v15, v4  }
0x40: {  	v9 =	vperm.xlane v9, v4;
	v14 =	vsel vm0, v24, v14;
	(xrf1) =	vsort.dscd.msk.f32 $0xffff, v17, v0;
	v17, v24, _ =	vpop (xrf1)  }
0x41: {  	(xrf1) =	vsort.dscd.msk.f32 $0xffff, v8, v0;
	v15 =	vsel vm0, v17, v15;
	v17 =	vsel vm0, v24, v23  }
0x42: {  	v19 =	vperm.xlane v19, v4;
	v6 =	vsel vm0, v25, v6;
	(xrf1) =	vsort.dscd.msk.f32 $0xffff, v15, v17;
	v8, v23, _ =	vpop (xrf1)  }
0x43: {  	(xrf1) =	vsort.dscd.msk.f32 $0xffff, v18, v0;
	v8 =	vperm.xlane v8, v4;
	v23 =	vperm.xlane v23, v4;
	v24, v25, _ =	vpop (xrf1)  }
0x44: {  	v20 =	vperm.xlane v20, v4;
	v16 =	vperm.xlane v26, v4;
	(xrf1) =	vsort.dscd.msk.f32 $0xffff, v14, v6;
	v18, v26, _ =	vpop (xrf1)  }
0x45: {  	v12 =	vsel vm0, v13, v12;
	v8 =	vsel vm0, v18, v8;
	v18 =	vsel vm0, v26, v23;
	v6, v14, _ =	vpop (xrf1)  }
0x46: {  	v13, v26, _ =	vpop (xrf1);
	(xrf1) =	vsort.dscd.msk.f32 $0xffff, v8, v18;
	v8 =	vsel vm0, v30, v11;
	v14 =	vsel vm0, v14, v19  }
0x47: {  	v15 =	vperm.xlane v27, v4;
	v11 =	vperm.xlane v22, v4;
	v6 =	vsel vm0, v6, v9;
	v22, v27, _ =	vpop (xrf1)  }
0x48: {  	v17 =	vperm.xlane v28, v4;
	v9, v28, _ =	vpop (xrf1);
	v19 =	vsel vm0, v22, v20  }
0x49: {  	(xrf1) =	vsort.dscd.msk.f32 $0xffff, v12, v8;
	v10 =	vsel vm0, v27, v10;
	v8, v12, _ =	vpop (xrf1)  }
0x4a: {  	v24 =	vperm.xlane v24, v4;
	(xrf1) =	vsort.dscd.msk.f32 $0xffff, v6, v14;
	v9 =	vsel vm0, v9, v21;
	v6, v14, _ =	vpop (xrf1)  }
0x4b: {  	v7 =	vsel vm0, v28, v7;
	v21 =	vperm.xlane v8, v4;
	v8 =	vsel vm0, v14, v15  }
0x4c: {  	v23 =	vperm.xlane v29, v4;
	(xrf1) =	vsort.dscd.msk.f32 $0xffff, v19, v10;
	v6 =	vsel vm0, v6, v16;
	v10, v19, _ =	vpop (xrf1)  }
0x4d: {  	v18 =	vperm.xlane v31, v4;
	v20 =	vperm.xlane v26, v4;
	v22, v26, _ =	vpop (xrf1);
	v10 =	vsel vm0, v10, v17  }
0x4e: {  	v25 =	vperm.xlane v25, v4;
	v13 =	vperm.xlane v13, v4;
	(xrf1) =	vsort.dscd.msk.f32 $0xffff, v9, v7;
	v7, v9, _ =	vpop (xrf1)  }
0x4f: {  	v14 =	vsel vm0, v19, v23;
	(xrf1) =	vsort.dscd.msk.f32 $0xffff, v6, v8;
	v6, v8, _ =	vpop (xrf1);
	v9 =	vsel vm0, v9, v18  }
0x50: {  	v7 =	vsel vm0, v7, v11;
	(xrf1) =	vsort.dscd.msk.f32 $0xffff, v10, v14;
	v10, v11, _ =	vpop (xrf1);
	v8 =	vsel vm0, v8, v25  }
0x51: {  	v6 =	vsel vm0, v6, v24;
	v11 =	vsel vm0, v11, v20  }
0x52: {  	v10 =	vsel vm0, v10, v13  }
0x53: {  	v12 =	vperm.xlane v12, v4;
	(xrf1) =	vsort.dscd.msk.f32 $0xffff, v7, v9;
	v7, v9, _ =	vpop (xrf1)  }
0x54: {  	v14 =	vperm.xlane v26, v4;
	(xrf1) =	vsort.dscd.msk.f32 $0xffff, v6, v8;
	v6, v8, _ =	vpop (xrf1)  }
0x55: {  	v13 =	vperm.xlane v22, v4;
	(xrf1) =	vsort.dscd.msk.f32 $0xffff, v10, v11;
	v7 =	vsel vm0, v7, v21;
	v10, v11, _ =	vpop (xrf1)  }
0x56: {  	(xrf0) =	vmax.scan.msk.f32 $0xffff, v6;
	v11 =	vsel vm0, v11, v14  }
0x57: {  	v9 =	vsel vm0, v9, v12;
	v12, v15, _ =	vpop (xrf1);
	v10 =	vsel vm0, v10, v13  }
0x58: {  	[tilespmem:$0x1FFD0] =	vst v8;
	(xrf1) =	vsort.dscd.msk.f32 $0xffff, v7, v9;
	v7, v8, _ =	vpop (xrf1)  }
0x59: {  	(xrf0) =	vmax.scan.msk.f32 $0xffff, v7  }
0x5a: {  	(xrf1) =	vsort.dscd.msk.f32 $0xffff, v10, v11;
	v10, v11, _ =	vpop (xrf1)  }
0x5b: {  	v13, v14, _ =	vpop (xrf1)  }
0x5c: {  	v18, _, _ =	vpop (xrf0)  }
0x5d: {  	v16, v17, _ =	vpop (xrf1)  }
0x5e: {  	v20, v21, _ =	vpop (xrf1)  }
0x5f: {  	v12 =	vperm.xlane v12, v4;
	v18 =	vbroadcast v18, $0xF;
	v19, _, _ =	vpop (xrf0)  }
0x60: {  	v15 =	vperm.xlane v15, v4;
	v10 =	vperm.xlane v10, v4;
	v22, v23, _ =	vpop (xrf1)  }
0x61: {  	v11 =	vperm.xlane v11, v4;
	v6 =	vsub.f32 v6, v18;
	v19 =	vbroadcast v19, $0xF  }
0x62: {  	v12 =	vsel vm0, v20, v12;
	v15 =	vsel vm0, v21, v15;
	v18 =	vperm.xlane v22, v4;
	v20, v22, _ =	vpop (xrf1)  }
0x63: {  	v14 =	vperm.xlane v14, v4;
	v7 =	vsub.f32 v7, v19;
	v19 =	vperm.xlane v23, v4;
	v21, v23, _ =	vpop (xrf1)  }
0x64: {  	v13 =	vperm.xlane v13, v4;
	v16 =	vperm.xlane v16, v4  }
0x65: {  	(xrf1) =	vsort.dscd.msk.f32 $0xffff, v12, v15;
	v6 =	vmul.f32 $1.442695020e+00, v6;
	v10 =	vsel vm0, v20, v10;
	v20 =	vperm.xlane v21, v4;
	v15, v21, _ =	vpop (xrf1)  }
0x66: {  	v17 =	vperm.xlane v17, v4;
	v11 =	vsel vm0, v22, v11;
	v7 =	vmul.f32 $1.442695020e+00, v7  }
0x67: {  	(erf) = vpow2.f32 v6;
	(xrf1) =	vsort.dscd.msk.f32 $0xffff, v10, v11;
	v6 =	vsel vm0, v15, v13;
	v13 =	vsel vm0, v21, v14;
	v14, v15, _ =	vpop (xrf1)  }
0x68: {  	(erf) = vpow2.f32 v7;
	(xrf1) =	vsort.dscd.msk.f32 $0xffff, v6, v13;
	v7 =	vsel vm0, v14, v16;
	v10 =	vsel vm0, v15, v17  }
0x69: {  	(xrf1) =	vsort.dscd.msk.f32 $0xffff, v7, v10  }
0x6a: {  	v12 =	vperm.xlane v23, v4;
	v6, v11, _ =	vpop (xrf1)  }
0x6b: {  	v6 =	vsel vm0, v6, v18;
	v7 =	vsel vm0, v11, v19;
	v10, v11, _ =	vpop (xrf1)  }
0x6c: {  	(xrf1) =	vsort.dscd.msk.f32 $0xffff, v6, v7;
	v10 =	vsel vm0, v10, v20;
	v11 =	vsel vm0, v11, v12  }
0x6d: {  	(xrf1) =	vsort.dscd.msk.f32 $0xffff, v10, v11;
	_ =	sdelay $0x2  }
0x6e: {  	v6 =	vpop (erf)  }
0x6f: {  	[tilespmem:$0x1FFC0] =	vst v6;
	v6 =	vnsel vm0, $0x0, v6;
	_ =	sdelay $0x1  }
0x70: {  	v16, v18, _ =	vpop (xrf1)  }
0x71: {  	v7 =	vpop (erf)  }
0x72: {  	[tilespmem:$0x1FFB0] =	vst v8;
	(xrf2) =	vadd.scan.msk.f32 $0xffff, v6;
	v17 =	vnsel vm0, $0x0, v7;
	v24, v6, _ =	vpop (xrf1)  }
0x73: {  	(xrf2) =	vadd.scan.msk.f32 $0xffff, v17;
	[tilespmem:$0x1FF90] =	vst v6;
	v25, v6, _ =	vpop (xrf1)  }
0x74: {  	s30 =	simm.s32 $0x300;
	[tilespmem:$0x1FFE0] =	vst v6;
	v22, v7, _ =	vpop (xrf1)  }
0x75: {  	v6 =	vld [tilespmem:s30+$0x90];
	[tilespmem:$0x1FF80] =	vst v7  }
0x76: {  	v19 =	vld [tilespmem:s30+$0xB0]  }
0x77: {  	v21, v7, _ =	vpop (xrf1)  }
0x78: {  	[tilespmem:$0x1FFA0] =	vst v7;
	v7, v8, _ =	vpop (xrf1)  }
0x79: {  	v20 =	vld [tilespmem:s30+$0xA0];
	[tilespmem:$0x1FFF0] =	vst v8  }
0x7a: {  	(xrf1) =	vsort.dscd.msk.f32 $0xffff, v6, v1;
	v23 =	vld [tilespmem:s30+$0xD0]  }
0x7b: {  	v26 =	vld [tilespmem:s30+$0xF0];
	(xrf1) =	vsort.dscd.msk.f32 $0xffff, v19, v3  }
0x7c: {  	(xrf0) =	vmax.scan.msk.f32 $0xffff, v16;
	v27, _, _ =	vpop (xrf2);
	v28 =	vld [tilespmem:s30+$0x80]  }
0x7d: {  	(xrf0) =	vmax.scan.msk.f32 $0xffff, v24;
	v6, _, _ =	vpop (xrf2);
	v29 =	vld [tilespmem:s30+$0xE0]  }
0x7e: {  	v6 =	vbroadcast v6, $0xF;
	v19 =	vld [tilespmem:s30+$0xFFFFFF70];
	(xrf1) =	vsort.dscd.msk.f32 $0xffff, v20, v2  }
0x7f: {  	v20 =	vld [tilespmem:s30+$0xC0];
	(xrf1) =	vsort.dscd.msk.f32 $0xffff, v23, v1  }
0x80: {  	(erf) = vrcp.f32 v6;
	v6 =	vld [tilespmem:s30+$0xFFFFFFF0];
	(xrf1) =	vsort.dscd.msk.f32 $0xffff, v26, v3  }
0x81: {  	v26 =	vld [tilespmem:s30+$0x70];
	(xrf1) =	vsort.dscd.msk.f32 $0xffff, v28, v0  }
0x82: {  	v28 =	vld [tilespmem:s30+$0xFFFFFF30];
	(xrf1) =	vsort.dscd.msk.f32 $0xffff, v29, v2  }
0x83: {  	v30 =	vld [tilespmem:s30+$0xFFFFFF50];
	(xrf1) =	vsort.dscd.msk.f32 $0xffff, v19, v3  }
0x84: {  	v27 =	vbroadcast v27, $0xF;
	v32 =	vld [tilespmem:s30+$0xFFFFFF60];
	v29, _, _ =	vpop (xrf0);
	(xrf1) =	vsort.dscd.msk.f32 $0xffff, v20, v0  }
0x85: {  	v34 =	vld [tilespmem:s30+$0xFFFFFFB0];
	v29 =	vbroadcast v29, $0xF;
	(xrf1) =	vsort.dscd.msk.f32 $0xffff, v6, v3  }
0x86: {  	v35 =	vld [tilespmem:s30+$0xFFFFFFD0];
	(xrf1) =	vsort.dscd.msk.f32 $0xffff, v26, v3  }
0x87: {  	v26 =	vld [tilespmem:s30+$0xFFFFFFE0];
	(xrf1) =	vsort.dscd.msk.f32 $0xffff, v28, v3  }
0x88: {  	(erf) = vrcp.f32 v27;
	v28 =	vld [tilespmem:s30+$0x30];
	(xrf1) =	vsort.dscd.msk.f32 $0xffff, v30, v1;
	v27, v30, _ =	vpop (xrf1)  }
0x89: {  	v16 =	vsub.f32 v16, v29;
	(xrf1) =	vsort.dscd.msk.f32 $0xffff, v32, v2;
	v29, v49, _ =	vpop (xrf1)  }
0x8a: {  	(xrf1) =	vsort.dscd.msk.f32 $0xffff, v34, v3;
	v32 =	vperm.xlane v49, v4  }
0x8b: {  	(xrf1) =	vsort.dscd.msk.f32 $0xffff, v35, v1  }
0x8c: {  	v29 =	vperm.xlane v29, v4;
	(xrf1) =	vsort.dscd.msk.f32 $0xffff, v26, v2;
	v26, v50, _ =	vpop (xrf1)  }
0x8d: {  	(xrf1) =	vsort.dscd.msk.f32 $0xffff, v28, v3;
	v28, v51, _ =	vpop (xrf1)  }
0x8e: {  	(xrf0) =	vmax.scan.msk.f32 $0xffff, v25;
	v30 =	vperm.xlane v30, v4;
	v26 =	vsel vm0, v26, v29;
	v29 =	vsel vm0, v50, v32;
	v32, v34, _ =	vpop (xrf1)  }
0x8f: {  	v37, v38, _ =	vpop (xrf1)  }
0x90: {  	v31, _, _ =	vpop (xrf0);
	v27 =	vperm.xlane v27, v4;
	(xrf1) =	vsort.dscd.msk.f32 $0xffff, v26, v29;
	v29 =	vsel vm0, v38, v30  }
0x91: {  	v28 =	vperm.xlane v28, v4;
	v53, v52, _ =	vpop (xrf1)  }
0x92: {  	v36 =	vld [tilespmem:s30+$0x50];
	v32 =	vperm.xlane v32, v4;
	v34 =	vperm.xlane v34, v4;
	v27 =	vsel vm0, v37, v27;
	v55, v56, _ =	vpop (xrf1)  }
0x93: {  	v30 =	vperm.xlane v51, v4;
	(xrf1) =	vsort.dscd.msk.f32 $0xffff, v27, v29;
	v29, v39, _ =	vpop (xrf1)  }
0x94: {  	v33, _, _ =	vpop (xrf0);
	v26 =	vld [tilespmem:s30+$0x60];
	v32 =	vsel vm0, v53, v32;
	v34 =	vsel vm0, v52, v34;
	v28 =	vsel vm0, v29, v28  }
0x95: {  	v54 =	vld [tilespmem:s30+$0xFFFFFF10];
	v29 =	vsel vm0, v39, v30;
	v30 =	vbroadcast v31, $0xF;
	v31 =	vbroadcast v33, $0xF  }
0x96: {  	v27 =	vld [tilespmem:s30+$0xFFFFFF20];
	(xrf1) =	vsort.dscd.msk.f32 $0xffff, v32, v34  }
0x97: {  	v58 =	vld [tilespmem:s30+$0xFFFFFF40];
	(xrf1) =	vsort.dscd.msk.f32 $0xffff, v36, v1  }
0x98: {  	v59 =	vld [tilespmem:s30+$0xFFFFFF90];
	v61, v60, _ =	vpop (xrf1);
	(xrf1) =	vsort.dscd.msk.f32 $0xffff, v28, v29  }
0x99: {  	v28 =	vld [tilespmem:s30+$0xFFFFFFA0];
	(xrf1) =	vsort.dscd.msk.f32 $0xffff, v26, v2;
	v29, v62, _ =	vpop (xrf1)  }
0x9a: {  	v24 =	vsub.f32 v24, v30;
	v25 =	vsub.f32 v25, v31;
	v26 =	vld [tilespmem:s30+$0xFFFFFFC0];
	(xrf1) =	vsort.dscd.msk.f32 $0xffff, v54, v1;
	v30, v31, _ =	vpop (xrf1)  }
0x9b: {  	v63 =	vld [tilespmem:s30+$0x10];
	(xrf1) =	vsort.dscd.msk.f32 $0xffff, v27, v2;
	v40, v41, _ =	vpop (xrf1)  }
0x9c: {  	v37 =	vperm.xlane v56, v4;
	v27 =	vld [tilespmem:s30+$0x20];
	(xrf1) =	vsort.dscd.msk.f32 $0xffff, v58, v0;
	v42, v43, _ =	vpop (xrf1)  }
0x9d: {  	v52 =	vld [tilespmem:s30+$0x40];
	(xrf1) =	vsort.dscd.msk.f32 $0xffff, v59, v1;
	v44, v45, _ =	vpop (xrf1)  }
0x9e: {  	v57 =	vmul.f32 $1.442695020e+00, v16;
	v53 =	vld [tilespmem:s30+$0xFFFFFF00];
	v35 =	vperm.xlane v55, v4;
	v46, v47, _ =	vpop (xrf1);
	(xrf1) =	vsort.dscd.msk.f32 $0xffff, v28, v2  }
0x9f: {  	v28 =	vld [tilespmem:s30+$0xFFFFFF80];
	v48, v49, _ =	vpop (xrf1);
	(xrf1) =	vsort.dscd.msk.f32 $0xffff, v26, v0  }
0xa0: {  	(erf) = vpow2.f32 v57;
	v26 =	vsel vm0, v42, v35;
	v35 =	vsel vm0, v43, v37;
	v37, v42, _ =	vpop (xrf1);
	(xrf1) =	vsort.dscd.msk.f32 $0xffff, v63, v1  }
0xa1: {  	v54 =	vld [tilespmem:s30+$0x0];
	v43 =	vperm.xlane v44, v4;
	v44 =	vperm.xlane v45, v4;
	(xrf1) =	vsort.dscd.msk.f32 $0xffff, v27, v2;
	v27, v55, _ =	vpop (xrf1)  }
0xa2: {  	v27 =	vperm.xlane v27, v4;
	v45 =	vperm.xlane v55, v4;
	(xrf1) =	vsort.dscd.msk.f32 $0xffff, v52, v0  }
0xa3: {  	v36 =	vperm.xlane v61, v4;
	v39 =	vperm.xlane v60, v4;
	v57, v56, _ =	vpop (xrf1);
	(xrf1) =	vsort.dscd.msk.f32 $0xffff, v53, v0  }
0xa4: {  	v27 =	vsel vm0, v57, v27;
	v58 =	vsel vm0, v56, v45;
	(xrf1) =	vsort.dscd.msk.f32 $0xffff, v28, v0;
	v28, v59, _ =	vpop (xrf1)  }
0xa5: {  	v29 =	vperm.xlane v29, v4;
	v32 =	vperm.xlane v62, v4;
	v60, v51, _ =	vpop (xrf1);
	(xrf1) =	vsort.dscd.msk.f32 $0xffff, v27, v58  }
0xa6: {  	v28 =	vperm.xlane v28, v4;
	v45 =	vperm.xlane v59, v4;
	(xrf1) =	vsort.dscd.msk.f32 $0xffff, v54, v0;
	v62, v63, _ =	vpop (xrf1)  }
0xa7: {  	v30 =	vperm.xlane v30, v4;
	v31 =	vperm.xlane v31, v4;
	(xrf1) =	vsort.dscd.msk.f32 $0xffff, v26, v35;
	v26, v35, _ =	vpop (xrf1)  }
0xa8: {  	v61 =	vsel vm0, v49, v39;
	v28 =	vsel vm0, v62, v28;
	v45 =	vsel vm0, v63, v45;
	v49, v52, _ =	vpop (xrf1)  }
0xa9: {  	v27 =	vsel vm0, v48, v36;
	(xrf1) =	vsort.dscd.msk.f32 $0xffff, v28, v45;
	v26 =	vsel vm0, v26, v29;
	v29, v53, _ =	vpop (xrf1)  }
0xaa: {  	(xrf1) =	vsort.dscd.msk.f32 $0xffff, v27, v61;
	v27 =	vsel vm0, v29, v30;
	v29 =	vsel vm0, v53, v31  }
0xab: {  	(xrf0) =	vmax.scan.msk.f32 $0xffff, v22;
	v41 =	vperm.xlane v41, v4  }
0xac: {  	(xrf0) =	vmax.scan.msk.f32 $0xffff, v21;
	v40 =	vperm.xlane v40, v4;
	v28 =	vsel vm0, v35, v32;
	v30, v31, _ =	vpop (xrf1)  }
0xad: {  	(xrf1) =	vsort.dscd.msk.f32 $0xffff, v26, v28;
	v31 =	vsel vm0, v31, v41  }
0xae: {  	(xrf1) =	vsort.dscd.msk.f32 $0xffff, v27, v29;
	v30 =	vsel vm0, v30, v40;
	v27, v29, _ =	vpop (xrf1)  }
0xaf: {  	v56, v55, _ =	vpop (xrf1)  }
0xb0: {  	v34 =	vperm.xlane v46, v4;
	v46 =	vperm.xlane v47, v4;
	v35 =	vsel vm0, v55, v44  }
0xb1: {  	(xrf1) =	vsort.dscd.msk.f32 $0xffff, v30, v31;
	v33 =	vsel vm0, v56, v43;
	v30, v31, _ =	vpop (xrf1)  }
0xb2: {  	v23, _, _ =	vpop (xrf0);
	v31 =	vsel vm0, v31, v46  }
0xb3: {  	v20, _, _ =	vpop (xrf0);
	v30 =	vsel vm0, v30, v34  }
0xb4: {  	v37 =	vperm.xlane v37, v4;
	(xrf1) =	vsort.dscd.msk.f32 $0xffff, v33, v35;
	v33, v35, _ =	vpop (xrf1)  }
0xb5: {  	v26 =	vperm.xlane v60, v4;
	v28 =	vperm.xlane v51, v4;
	v59, v58, _ =	vpop (xrf1)  }
0xb6: {  	v48 =	vperm.xlane v42, v4;
	v54 =	vperm.xlane v49, v4;
	(xrf1) =	vsort.dscd.msk.f32 $0xffff, v30, v31;
	v30, v31, _ =	vpop (xrf1)  }
0xb7: {  	v57 =	vperm.xlane v52, v4;
	v26 =	vsel vm0, v30, v26;
	v28 =	vsel vm0, v31, v28;
	v30, v31, _ =	vpop (xrf1)  }
0xb8: {  	(xrf0) =	vmax.scan.msk.f32 $0xffff, v7;
	v61 =	vbroadcast v20, $0xF;
	v29 =	vperm.xlane v29, v4;
	v20 =	vsel vm0, v30, v54  }
0xb9: {  	v34 =	vsel vm0, v59, v37;
	v60 =	vsel vm0, v58, v48;
	v30 =	vsel vm0, v31, v57  }
0xba: {  	v19 =	vpop (erf);
	v23 =	vbroadcast v23, $0xF;
	(xrf1) =	vsort.dscd.msk.f32 $0xffff, v34, v60  }
0xbb: {  	v27 =	vperm.xlane v27, v4;
	v31, v62, _ =	vpop (xrf1);
	(xrf1) =	vsort.dscd.msk.f32 $0xffff, v26, v28  }
0xbc: {  	v22 =	vsub.f32 v22, v23;
	v24 =	vmul.f32 $1.442695020e+00, v24;
	v26 =	vperm.xlane v33, v4;
	(xrf1) =	vsort.dscd.msk.f32 $0xffff, v20, v30;
	v30, v20, _ =	vpop (xrf1)  }
0xbd: {  	v28 =	vperm.xlane v35, v4;
	v23 =	vsel vm0, v31, v27;
	v27 =	vsel vm0, v62, v29;
	v29, v31, _ =	vpop (xrf1)  }
0xbe: {  	v6, _, _ =	vpop (xrf0);
	(xrf0) =	vmax.scan.msk.f32 $0xffff, v30;
	v26 =	vsel vm0, v29, v26  }
0xbf: {  	v16 =	vpop (erf);
	v25 =	vmul.f32 $1.442695020e+00, v25;
	v28 =	vsel vm0, v31, v28  }
0xc0: {  	(xrf1) =	vsort.dscd.msk.f32 $0xffff, v23, v27;
	v29, v31, _ =	vpop (xrf1)  }
0xc1: {  	v23 =	vsub.f32 v21, v61;
	(xrf1) =	vsort.dscd.msk.f32 $0xffff, v26, v28;
	v26, v21, _ =	vpop (xrf1)  }
0xc2: {  	(erf) = vpow2.f32 v24;
	v27 =	vmul.f32 $1.442695020e+00, v22;
	v22, v24, _ =	vpop (xrf1)  }
0xc3: {  	(erf) = vpow2.f32 v25;
	(xrf0) =	vmax.scan.msk.f32 $0xffff, v26;
	v25, v28, _ =	vpop (xrf1)  }
0xc4: {  	v43, _, _ =	vpop (xrf0)  }
0xc5: {  	v31 =	vperm.xlane v31, v4;
	v41, v63, _ =	vpop (xrf1);
	v35 =	vbroadcast v43, $0xF  }
0xc6: {  	v45, v44, _ =	vpop (xrf1)  }
0xc7: {  	v50 =	vpop (erf);
	v23 =	vmul.f32 $1.442695020e+00, v23;
	v30 =	vsub.f32 v30, v35;
	v31 =	vsel vm0, v44, v31  }
0xc8: {  	(erf) = vpow2.f32 v27;
	v29 =	vperm.xlane v29, v4;
	v38, v39, _ =	vpop (xrf1)  }
0xc9: {  	v42 =	vperm.xlane v22, v4;
	v24 =	vperm.xlane v24, v4;
	v27, _, _ =	vpop (xrf0)  }
0xca: {  	v25 =	vperm.xlane v25, v4;
	v29 =	vsel vm0, v45, v29;
	v49, v48, _ =	vpop (xrf1);
	v27 =	vbroadcast v27, $0xF  }
0xcb: {  	v22 =	vnsel vm0, $0x0, v50;
	v28 =	vperm.xlane v28, v4;
	(xrf1) =	vsort.dscd.msk.f32 $0xffff, v29, v31;
	v29 =	vmul.f32 $1.442695020e+00, v30;
	v30, v31, _ =	vpop (xrf1)  }
0xcc: {  	v26 =	vsub.f32 v26, v27;
	v27 =	vperm.xlane v30, v4;
	v30 =	vperm.xlane v31, v4;
	v31, v50, _ =	vpop (xrf1)  }
0xcd: {  	(erf) = vpow2.f32 v23;
	v33 =	vperm.xlane v63, v4;
	v28 =	vsel vm0, v50, v28  }
0xce: {  	v23 =	vsel vm0, v49, v42;
	v24 =	vsel vm0, v48, v24;
	v25 =	vsel vm0, v31, v25;
	v31, v51, _ =	vpop (xrf1)  }
0xcf: {  	v32 =	vperm.xlane v41, v4;
	(xrf1) =	vsort.dscd.msk.f32 $0xffff, v23, v24;
	v23 =	vmul.f32 $1.442695020e+00, v26;
	v26 =	vsel vm0, v51, v33  }
0xd0: {  	v46 =	vperm.xlane v38, v4;
	v47 =	vperm.xlane v39, v4  }
0xd1: {  	v24 =	vsel vm0, v31, v32;
	(xrf1) =	vsort.dscd.msk.f32 $0xffff, v25, v28;
	v25, v28, _ =	vpop (xrf1)  }
0xd2: {  	(erf) = vpow2.f32 v29;
	(xrf1) =	vsort.dscd.msk.f32 $0xffff, v24, v26;
	v24 =	vsel vm0, v25, v46;
	v25 =	vsel vm0, v28, v47;
	v26, v28, _ =	vpop (xrf1)  }
0xd3: {  	(erf) = vpow2.f32 v23;
	v23 =	vsel vm0, v26, v27;
	v27 =	vbroadcast v6, $0xF;
	_ =	sdelay $0x1  }
0xd4: {  	v7 =	vsub.f32 v7, v27;
	_ =	sdelay $0x1  }
0xd5: {  	v26 =	vsel vm0, v28, v30;
	(xrf1) =	vsort.dscd.msk.f32 $0xffff, v24, v25;
	v7 =	vmul.f32 $1.442695020e+00, v7  }
0xd6: {  	s31 =	simm.s32 $0x500;
	(xrf1) =	vsort.dscd.msk.f32 $0xffff, v23, v26;
	v23 =	vpop (erf)  }
0xd7: {  	v25 =	vpop (erf);
	(erf) = vpow2.f32 v7;
	v7 =	vld [tilespmem:s31+$0x90]  }
0xd8: {  	v52 =	vld [tilespmem:s31+$0xB0];
	(xrf2) =	vadd.scan.msk.f32 $0xffff, v22;
	v38, v32, _ =	vpop (xrf1)  }
0xd9: {  	v24 =	vnsel vm0, $0x0, v23;
	(xrf0) =	vmax.scan.msk.f32 $0xffff, v38  }
0xda: {  	v23 =	vnsel vm0, $0x0, v25;
	(xrf2) =	vadd.scan.msk.f32 $0xffff, v24  }
0xdb: {  	v53 =	vld [tilespmem:s31+$0xA0];
	v26 =	vpop (erf);
	(xrf2) =	vadd.scan.msk.f32 $0xffff, v23  }
0xdc: {  	v54 =	vld [tilespmem:s31+$0xD0];
	v6 =	vpop (erf);
	(xrf1) =	vsort.dscd.msk.f32 $0xffff, v7, v1  }
0xdd: {  	v55 =	vld [tilespmem:s31+$0xF0];
	v28 =	vnsel vm0, $0x0, v26;
	v25 =	vpop (erf);
	(xrf1) =	vsort.dscd.msk.f32 $0xffff, v52, v3  }
0xde: {  	v56 =	vld [tilespmem:s31+$0x80];
	(xrf2) =	vadd.scan.msk.f32 $0xffff, v28;
	v27 =	vnsel vm0, $0x0, v25  }
0xdf: {  	v57 =	vld [tilespmem:s31+$0xE0];
	(xrf2) =	vadd.scan.msk.f32 $0xffff, v27  }
0xe0: {  	v58 =	vld [tilespmem:s31+$0xFFFFFF70];
	(xrf1) =	vsort.dscd.msk.f32 $0xffff, v53, v2  }
0xe1: {  	v59 =	vld [tilespmem:s31+$0xC0];
	(xrf1) =	vsort.dscd.msk.f32 $0xffff, v54, v1  }
0xe2: {  	v60 =	vld [tilespmem:s31+$0xFFFFFFF0];
	v29, _, _ =	vpop (xrf2);
	(xrf1) =	vsort.dscd.msk.f32 $0xffff, v55, v3  }
0xe3: {  	v61 =	vld [tilespmem:s31+$0x70];
	v28 =	vpop (erf);
	v27 =	vbroadcast v29, $0xF;
	(xrf1) =	vsort.dscd.msk.f32 $0xffff, v56, v0  }
0xe4: {  	v62 =	vld [tilespmem:s31+$0xFFFFFF30];
	v43, v33, _ =	vpop (xrf1);
	(xrf1) =	vsort.dscd.msk.f32 $0xffff, v57, v2  }
0xe5: {  	v31 =	vnsel vm0, $0x0, v28;
	v40, v28, _ =	vpop (xrf1);
	v52 =	vld [tilespmem:s31+$0xFFFFFF50];
	(xrf1) =	vsort.dscd.msk.f32 $0xffff, v58, v3  }
0xe6: {  	v39, v30, _ =	vpop (xrf1);
	v54 =	vld [tilespmem:s31+$0xFFFFFF60];
	(xrf1) =	vsort.dscd.msk.f32 $0xffff, v59, v0  }
0xe7: {  	v37, v29, _ =	vpop (xrf1);
	v56 =	vld [tilespmem:s31+$0xFFFFFFB0];
	(xrf1) =	vsort.dscd.msk.f32 $0xffff, v60, v3  }
0xe8: {  	(erf) = vrcp.f32 v27;
	v34, v27, _ =	vpop (xrf1);
	v57 =	vld [tilespmem:s31+$0xFFFFFFD0];
	(xrf1) =	vsort.dscd.msk.f32 $0xffff, v61, v3  }
0xe9: {  	v63 =	vld [tilespmem:s31+$0xFFFFFFE0];
	v49, _, _ =	vpop (xrf2);
	(xrf1) =	vsort.dscd.msk.f32 $0xffff, v62, v3  }
0xea: {  	v60 =	vbroadcast v49, $0xF;
	(xrf1) =	vsort.dscd.msk.f32 $0xffff, v52, v1;
	v44, v52, _ =	vpop (xrf1)  }
0xeb: {  	(xrf1) =	vsort.dscd.msk.f32 $0xffff, v54, v2;
	v61, v62, _ =	vpop (xrf1)  }
0xec: {  	v48, _, _ =	vpop (xrf0);
	v49 =	vld [tilespmem:s31+$0x30];
	(xrf1) =	vsort.dscd.msk.f32 $0xffff, v56, v3;
	v56 =	vperm.xlane v62, v4  }
0xed: {  	v7 =	vpop (erf);
	(xrf1) =	vsort.dscd.msk.f32 $0xffff, v57, v1  }
0xee: {  	(erf) = vrcp.f32 v60;
	v54 =	vperm.xlane v61, v4;
	(xrf1) =	vsort.dscd.msk.f32 $0xffff, v63, v2;
	v60, v63, _ =	vpop (xrf1)  }
0xef: {  	v61, v58, _ =	vpop (xrf1)  }
0xf0: {  	(xrf2) =	vadd.scan.msk.f32 $0xffff, v31;
	v44 =	vperm.xlane v44, v4;
	v50 =	vsel vm0, v60, v54;
	v54 =	vsel vm0, v63, v56;
	v56, v57, _ =	vpop (xrf1)  }
0xf1: {  	v52 =	vperm.xlane v52, v4;
	(xrf1) =	vsort.dscd.msk.f32 $0xffff, v49, v3;
	v49 =	vperm.xlane v61, v4;
	v60, v61, _ =	vpop (xrf1)  }
0xf2: {  	v36, _, _ =	vpop (xrf2);
	(xrf1) =	vsort.dscd.msk.f32 $0xffff, v50, v54;
	v56 =	vperm.xlane v56, v4;
	v57 =	vperm.xlane v57, v4  }
0xf3: {  	v59 =	vld [tilespmem:s31+$0x50];
	v54 =	vperm.xlane v58, v4;
	v44 =	vsel vm0, v60, v44;
	v52 =	vsel vm0, v61, v52;
	v58, v60, _ =	vpop (xrf1)  }
0xf4: {  	v42, _, _ =	vpop (xrf2);
	(xrf1) =	vsort.dscd.msk.f32 $0xffff, v44, v52;
	v56 =	vsel vm0, v58, v56;
	v57 =	vsel vm0, v60, v57  }
0xf5: {  	v50 =	vld [tilespmem:s31+$0x60];
	v58, v60, _ =	vpop (xrf1);
	(xrf1) =	vsort.dscd.msk.f32 $0xffff, v56, v57;
	v56 =	vbroadcast v36, $0xF  }
0xf6: {  	v61 =	vld [tilespmem:s31+$0xFFFFFF10];
	v52, v62, _ =	vpop (xrf1)  }
0xf7: {  	v51, _, _ =	vpop (xrf2);
	v44 =	vld [tilespmem:s31+$0xFFFFFF20];
	v49 =	vsel vm0, v52, v49;
	v52 =	vsel vm0, v62, v54  }
0xf8: {  	v35 =	vpop (erf);
	v57 =	vld [tilespmem:s31+$0xFFFFFF40];
	(xrf1) =	vsort.dscd.msk.f32 $0xffff, v59, v1  }
0xf9: {  	v54 =	vld [tilespmem:s31+$0xFFFFFF90];
	v59, v62, _ =	vpop (xrf1);
	(xrf1) =	vsort.dscd.msk.f32 $0xffff, v49, v52  }
0xfa: {  	(erf) = vrcp.f32 v56;
	v49 =	vld [tilespmem:s31+$0xFFFFFFA0];
	v52, v56, _ =	vpop (xrf1);
	(xrf1) =	vsort.dscd.msk.f32 $0xffff, v50, v2  }
0xfb: {  	v42 =	vbroadcast v42, $0xF;
	v50 =	vld [tilespmem:s31+$0xFFFFFFC0];
	v63, v13, _ =	vpop (xrf1);
	(xrf1) =	vsort.dscd.msk.f32 $0xffff, v61, v1  }
0xfc: {  	v55, _, _ =	vpop (xrf2);
	v61 =	vld [tilespmem:s31+$0x10];
	(xrf1) =	vsort.dscd.msk.f32 $0xffff, v44, v2  }
0xfd: {  	v36 =	vpop (erf);
	(erf) = vrcp.f32 v42;
	v42 =	vld [tilespmem:s31+$0x20];
	(xrf1) =	vsort.dscd.msk.f32 $0xffff, v57, v0  }
0xfe: {  	v48 =	vbroadcast v48, $0xF;
	v55 =	vbroadcast v55, $0xF;
	v14, v15, _ =	vpop (xrf1);
	(xrf1) =	vsort.dscd.msk.f32 $0xffff, v54, v1  }
0xff: {  	v51 =	vbroadcast v51, $0xF;
	v44, v10, _ =	vpop (xrf1);
	(xrf1) =	vsort.dscd.msk.f32 $0xffff, v49, v2  }
0x100: {  	v38 =	vsub.f32 v38, v48;
	(erf) = vrcp.f32 v55;
	v55 =	vld [tilespmem:s31+$0x40];
	v57, v11, _ =	vpop (xrf1);
	(xrf1) =	vsort.dscd.msk.f32 $0xffff, v50, v0  }
0x101: {  	v54 =	vld [tilespmem:s31+$0xFFFFFF00];
	v49, v12, _ =	vpop (xrf1);
	(xrf1) =	vsort.dscd.msk.f32 $0xffff, v61, v1  }
0x102: {  	v48 =	vld [tilespmem:s31+$0xFFFFFF80];
	v50, v9, _ =	vpop (xrf1);
	(xrf1) =	vsort.dscd.msk.f32 $0xffff, v42, v2;
	v42 =	vmul.f32 $1.442695020e+00, v38  }
0x103: {  	(erf) = vrcp.f32 v51;
	v51, v61, _ =	vpop (xrf1)  }
0x104: {  	v38, v8, _ =	vpop (xrf1)  }
0x105: {  	(xrf1) =	vsort.dscd.msk.f32 $0xffff, v55, v0;
	v55 =	vperm.xlane v38, v4;
	v8 =	vperm.xlane v8, v4;
	v38 =	vpop (erf)  }
0x106: {  	(erf) = vpow2.f32 v42;
	(xrf1) =	vsort.dscd.msk.f32 $0xffff, v54, v0;
	v42, v54, _ =	vpop (xrf1)  }
0x107: {  	(xrf1) =	vsort.dscd.msk.f32 $0xffff, v48, v0;
	v42 =	vsel vm0, v42, v55;
	v8 =	vsel vm0, v54, v8  }
0x108: {  	(xrf1) =	vsort.dscd.msk.f32 $0xffff, v42, v8;
	v8 =	vperm.xlane v58, v4;
	v58 =	vperm.xlane v60, v4  }
0x109: {  	v60 =	vperm.xlane v62, v4  }
0x10a: {  	v59 =	vperm.xlane v59, v4;
	v48 =	vld [tilespmem:s31+$0x0];
	_ =	sdelay $0x1  }
0x10b: {  	v54, v55, _ =	vpop (xrf1);
	v10 =	vsel vm0, v10, v58  }
0x10c: {  	v55 =	vperm.xlane v55, v4;
	v8 =	vsel vm0, v44, v8;
	v44 =	vperm.xlane v54, v4;
	v54, v58, _ =	vpop (xrf1)  }
0x10d: {  	(xrf0) =	vmax.scan.msk.f32 $0xffff, v43;
	v50 =	vsel vm0, v50, v59;
	v9 =	vsel vm0, v9, v60;
	v59, v60, _ =	vpop (xrf1)  }
0x10e: {  	v56 =	vperm.xlane v56, v4;
	(xrf1) =	vsort.dscd.msk.f32 $0xffff, v48, v0;
	v55 =	vsel vm0, v60, v55  }
0x10f: {  	v52 =	vperm.xlane v52, v4;
	(xrf1) =	vsort.dscd.msk.f32 $0xffff, v8, v10;
	v8, v10, _ =	vpop (xrf1)  }
0x110: {  	(xrf0) =	vmax.scan.msk.f32 $0xffff, v40;
	v10 =	vsel vm0, v10, v56  }
0x111: {  	(xrf0) =	vmax.scan.msk.f32 $0xffff, v39;
	v62 =	vsel vm0, v59, v44;
	v8 =	vsel vm0, v8, v52  }
0x112: {  	v13 =	vperm.xlane v13, v4;
	v15 =	vperm.xlane v15, v4;
	(xrf1) =	vsort.dscd.msk.f32 $0xffff, v62, v55;
	v48, v55, _ =	vpop (xrf1)  }
0x113: {  	v63 =	vperm.xlane v63, v4;
	v14 =	vperm.xlane v14, v4;
	(xrf1) =	vsort.dscd.msk.f32 $0xffff, v50, v9;
	v9, v50, _ =	vpop (xrf1)  }
0x114: {  	(xrf1) =	vsort.dscd.msk.f32 $0xffff, v8, v10;
	v13 =	vsel vm0, v50, v13;
	v8, v10, _ =	vpop (xrf1)  }
0x115: {  	v53, _, _ =	vpop (xrf0);
	(xrf0) =	vmax.scan.msk.f32 $0xffff, v37;
	v9 =	vsel vm0, v9, v63;
	v10 =	vsel vm0, v10, v15  }
0x116: {  	v47, _, _ =	vpop (xrf0);
	v8 =	vsel vm0, v8, v14  }
0x117: {  	(xrf0) =	vmax.scan.msk.f32 $0xffff, v34;
	v11 =	vperm.xlane v11, v4;
	v49 =	vperm.xlane v49, v4;
	v14, v15, _ =	vpop (xrf1)  }
0x118: {  	v12 =	vperm.xlane v12, v4;
	v59 =	vperm.xlane v57, v4;
	(xrf1) =	vsort.dscd.msk.f32 $0xffff, v9, v13;
	v9, v13, _ =	vpop (xrf1)  }
0x119: {  	(xrf1) =	vsort.dscd.msk.f32 $0xffff, v8, v10;
	v11 =	vsel vm0, v13, v11;
	v8, v10, _ =	vpop (xrf1)  }
0x11a: {  	v46, _, _ =	vpop (xrf0);
	v9 =	vsel vm0, v9, v59;
	v10 =	vsel vm0, v10, v12  }
0x11b: {  	v45, _, _ =	vpop (xrf0);
	v8 =	vsel vm0, v8, v49  }
0x11c: {  	v60 =	vperm.xlane v51, v4;
	v62 =	vperm.xlane v61, v4;
	v12, v49, _ =	vpop (xrf1)  }
0x11d: {  	v63 =	vperm.xlane v54, v4;
	v54 =	vperm.xlane v58, v4;
	(xrf1) =	vsort.dscd.msk.f32 $0xffff, v9, v11;
	v9, v11, _ =	vpop (xrf1)  }
0x11e: {  	(xrf1) =	vsort.dscd.msk.f32 $0xffff, v8, v10;
	v8, v10, _ =	vpop (xrf1);
	v11 =	vsel vm0, v11, v62  }
0x11f: {  	v53 =	vbroadcast v53, $0xF;
	v41, _, _ =	vpop (xrf0);
	v57 =	vld [tilespmem:$0x1FF80];
	v9 =	vsel vm0, v9, v60;
	v10 =	vsel vm0, v10, v54  }
0x120: {  	v42 =	vpop (erf);
	v8 =	vsel vm0, v8, v63  }
0x121: {  	v18 =	vperm.xlane v18, v5;
	v53 =	vsub.f32 v43, v53;
	v43 =	vpop (erf);
	v13 =	vbroadcast v47, $0xF  }
0x122: {  	v19 =	vmul.f32 v19, v17;
	v56 =	vperm.xlane v55, v4;
	(xrf1) =	vsort.dscd.msk.f32 $0xffff, v9, v11;
	v9, v11, _ =	vpop (xrf1)  }
0x123: {  	v48 =	vperm.xlane v48, v4;
	v13 =	vsub.f32 v40, v13;
	(xrf1) =	vsort.dscd.msk.f32 $0xffff, v8, v10;
	v8, v10, _ =	vpop (xrf1)  }
0x124: {  	v40 =	vsel vm0, v57, v18;
	v18 =	vbroadcast v46, $0xF;
	v11 =	vsel vm0, v11, v56;
	v58, v17, _ =	vpop (xrf1)  }
0x125: {  	v44 =	vpop (erf);
	v15 =	vperm.xlane v15, v4;
	v9 =	vsel vm0, v9, v48;
	(xrf0) =	vmax.scan.msk.f32 $0xffff, v58  }
0x126: {  	v53 =	vmul.f32 $1.442695020e+00, v53;
	v52 =	vpop (erf);
	v14 =	vperm.xlane v14, v4;
	(xrf1) =	vsort.dscd.msk.f32 $0xffff, v9, v11  }
0x127: {  	v49 =	vperm.xlane v49, v4;
	v13 =	vmul.f32 $1.442695020e+00, v13;
	v59, v60, _ =	vpop (xrf1)  }
0x128: {  	(erf) = vpow2.f32 v53;
	v12 =	vperm.xlane v12, v4;
	v39 =	vsub.f32 v39, v18;
	v9, v11, _ =	vpop (xrf1)  }
0x129: {  	(erf) = vpow2.f32 v13;
	v8 =	vsel vm0, v8, v14;
	v13 =	vsel vm0, v60, v49;
	v51, v18, _ =	vpop (xrf1)  }
0x12a: {  	v10 =	vsel vm0, v10, v15;
	v12 =	vsel vm0, v59, v12;
	v14, v15, _ =	vpop (xrf1)  }
0x12b: {  	(xrf1) =	vsort.dscd.msk.f32 $0xffff, v8, v10;
	v62, _, _ =	vpop (xrf0)  }
0x12c: {  	v45 =	vbroadcast v45, $0xF;
	v8, v48, _ =	vpop (xrf1);
	(xrf1) =	vsort.dscd.msk.f32 $0xffff, v12, v13;
	v49 =	vbroadcast v62, $0xF  }
0x12d: {  	v11 =	vperm.xlane v11, v4;
	v14 =	vperm.xlane v14, v4;
	v12, v13, _ =	vpop (xrf1)  }
0x12e: {  	v37 =	vsub.f32 v37, v45;
	v61 =	vnsel vm0, $0x0, v7;
	v10 =	vnsel vm0, $0x0, v6;
	v55, v63, _ =	vpop (xrf1)  }
0x12f: {  	v9 =	vperm.xlane v9, v4;
	v15 =	vperm.xlane v15, v4;
	v11 =	vsel vm0, v63, v11  }
0x130: {  	(xrf2) =	vadd.scan.msk.f32 $0xffff, v10;
	v10 =	vmul.f32 $1.442695020e+00, v37;
	v37 =	vnsel vm0, $0x0, v52;
	v48 =	vperm.xlane v48, v4;
	v56, v52, _ =	vpop (xrf1)  }
0x131: {  	(xrf0) =	vmax.scan.msk.f32 $0xffff, v51;
	v9 =	vsel vm0, v55, v9;
	v58 =	vsub.f32 v58, v49;
	v46, v49, _ =	vpop (xrf1)  }
0x132: {  	(xrf1) =	vsort.dscd.msk.f32 $0xffff, v9, v11;
	v9 =	vsel vm0, v46, v14;
	v11, v14, _ =	vpop (xrf1)  }
0x133: {  	(xrf2) =	vadd.scan.msk.f32 $0xffff, v61;
	v8 =	vperm.xlane v8, v4;
	v12 =	vperm.xlane v12, v4;
	v60 =	vsel vm0, v49, v15;
	v15, v61, _ =	vpop (xrf1)  }
0x134: {  	v41 =	vbroadcast v41, $0xF;
	(xrf1) =	vsort.dscd.msk.f32 $0xffff, v9, v60;
	v9 =	vperm.xlane v13, v4;
	v13 =	vsel vm0, v61, v48;
	v48, v63, _ =	vpop (xrf1)  }
0x135: {  	v39 =	vmul.f32 $1.442695020e+00, v39;
	v8 =	vsel vm0, v15, v8;
	v12 =	vsel vm0, v48, v12  }
0x136: {  	(xrf1) =	vsort.dscd.msk.f32 $0xffff, v8, v13;
	v8 =	vsel vm0, v63, v9  }
0x137: {  	v34 =	vsub.f32 v34, v41;
	(erf) = vpow2.f32 v39;
	v41 =	vperm.xlane v56, v4;
	v57, _, _ =	vpop (xrf0)  }
0x138: {  	v59 =	vbroadcast v57, $0xF;
	v9 =	vperm.xlane v52, v4  }
0x139: {  	v11 =	vperm.xlane v11, v4;
	v14 =	vperm.xlane v14, v4;
	(xrf1) =	vsort.dscd.msk.f32 $0xffff, v12, v8;
	v8, v12, _ =	vpop (xrf1)  }
0x13a: {  	v45 =	vsub.f32 v51, v59;
	v8 =	vsel vm0, v8, v41;
	v9 =	vsel vm0, v12, v9;
	v12, v51, _ =	vpop (xrf1)  }
0x13b: {  	(xrf1) =	vsort.dscd.msk.f32 $0xffff, v8, v9;
	v8 =	vsel vm0, v12, v11;
	v9 =	vsel vm0, v51, v14  }
0x13c: {  	(xrf1) =	vsort.dscd.msk.f32 $0xffff, v8, v9;
	v8 =	vld [tilespmem:$0x1FFC0];
	_ =	sdelay $0x1  }
0x13d: {  	v34 =	vmul.f32 $1.442695020e+00, v34;
	v47 =	vpop (erf);
	v39 =	vmul.f32 $1.442695020e+00, v58  }
0x13e: {  	(erf) = vpow2.f32 v10;
	v10 =	vnsel vm0, $0x0, v47;
	(xrf2) =	vadd.scan.msk.f32 $0xffff, v37;
	v13 =	vmul.f32 $1.442695020e+00, v45;
	v12 =	vld [tilespmem:$0x1FFB0]  }
0x13f: {  	(xrf2) =	vadd.scan.msk.f32 $0xffff, v10;
	(erf) = vpow2.f32 v39;
	v15 =	vpop (erf)  }
0x140: {  	v15 =	vnsel vm0, $0x0, v15;
	(erf) = vpow2.f32 v13;
	v8 =	vmul.f32 v16, v8;
	v16 =	vld [tilespmem:$0x1FFD0]  }
0x141: {  	(xrf2) =	vadd.scan.msk.f32 $0xffff, v15;
	(erf) = vpow2.f32 v34;
	v34 =	vpop (erf)  }
0x142: {  	v62 =	vld [tilespmem:$0x1FF90];
	v50, _, _ =	vpop (xrf2);
	v14 =	vnsel vm0, $0x0, v34  }
0x143: {  	v52, _, _ =	vpop (xrf2);
	v9 =	vperm.xlane v19, v5;
	v19 =	vld [tilespmem:$0x1FFE0];
	(xrf2) =	vadd.scan.msk.f32 $0xffff, v14;
	v12 =	vperm.xlane v12, v5  }
0x144: {  	v11 =	vld [tilespmem:$0x1FFA0]  }
0x145: {  	s21 =	simm.s32 $0x8020;
	v12 =	vsel vm0, v16, v12  }
0x146: {  	v21 =	vperm.xlane v21, v5;
	[tilespmem:s21+$0x10] =	vst v12  }
0x147: {  	v49 =	vperm.xlane v62, v5;
	v16 =	vmul.f32 v35, v22;
	v53 =	vld [tilespmem:$0x1FFF0]  }
0x148: {  	s20 =	simm.s32 $0x90A0;
	v28 =	vperm.xlane v28, v5;
	v13, _, _ =	vpop (xrf2);
	v8 =	vsel vm0, v8, v9;
	v22 =	vperm.xlane v19, v5  }
0x149: {  	v13 =	vbroadcast v13, $0xF;
	v14, _, _ =	vpop (xrf2);
	v11 =	vsel vm0, v11, v49;
	[tilespmem:s20+$0x10] =	vst v8;
	v8 =	vperm.xlane v16, v5  }
0x14a: {  	v19 =	vpop (erf);
	[tilespmem:s21+$0xFFFFFFF0] =	vst v11;
	v11 =	vmul.f32 v42, v26;
	v26 =	vmul.f32 v43, v31  }
0x14b: {  	v9 =	vperm.xlane v32, v5;
	v12 =	vperm.xlane v33, v5;
	v31, _, _ =	vpop (xrf2)  }
0x14c: {  	v8 =	vsel vm0, v11, v8;
	v11 =	vmul.f32 v44, v25;
	v32 =	vsel vm0, v53, v22;
	v22 =	vpop (erf)  }
0x14d: {  	v57, _, _ =	vpop (xrf2);
	v25 =	vperm.xlane v26, v5;
	(erf) = vrcp.f32 v13;
	v16 =	vnsel vm0, $0x0, v22  }
0x14e: {  	s22 =	simm.s32 $0x8060;
	v55 =	vsel vm0, v30, v9;
	v9 =	vmul.f32 v36, v24;
	[tilespmem:s21+$0xFFFFFFE0] =	vst v40;
	v26 =	vpop (erf);
	(xrf2) =	vadd.scan.msk.f32 $0xffff, v16  }
0x14f: {  	v24 =	vsel vm0, v27, v28;
	[tilespmem:s22+$0xFFFFFFE0] =	vst v55;
	v12 =	vsel vm0, v29, v12;
	v13 =	vpop (erf);
	v26 =	vnsel vm0, $0x0, v26  }
0x150: {  	[tilespmem:s22+$0x0] =	vst v24;
	(xrf2) =	vadd.scan.msk.f32 $0xffff, v26;
	v16, v54, _ =	vpop (xrf1)  }
0x151: {  	v56 =	vbroadcast v50, $0xF;
	[tilespmem:s20+$0xFFFFFFE0] =	vst v8;
	v8 =	vsel vm0, v20, v21;
	v30, v20, _ =	vpop (xrf1);
	(xrf0) =	vmax.scan.msk.f32 $0xffff, v16  }
0x152: {  	v14 =	vbroadcast v14, $0xF;
	v11 =	vsel vm0, v11, v25;
	[tilespmem:s22+$0x10] =	vst v8;
	v8 =	vmul.f32 v38, v23;
	v29, v25, _ =	vpop (xrf1)  }
0x153: {  	v9 =	vperm.xlane v9, v5;
	v24 =	vbroadcast v31, $0xF;
	[tilespmem:s22+$0xFFFFFFF0] =	vst v12;
	(xrf0) =	vmax.scan.msk.f32 $0xffff, v30;
	v21, v12, _ =	vpop (xrf1)  }
0x154: {  	v59 =	vnsel vm0, $0x0, v19;
	[tilespmem:s21+$0x0] =	vst v32;
	s21 =	simm.s32 $0x90E0;
	v8 =	vperm.xlane v8, v5;
	v31 =	vperm.xlane v54, v5;
	v23, v58, _ =	vpop (xrf1)  }
0x155: {  	v32 =	vbroadcast v57, $0xF;
	(erf) = vrcp.f32 v14;
	[tilespmem:s21+$0x10] =	vst v11;
	(xrf0) =	vmax.scan.msk.f32 $0xffff, v29;
	v28, v61, _ =	vpop (xrf1)  }
0x156: {  	v11 =	vbroadcast v52, $0xF;
	v27 =	vnsel vm0, $0x0, v13;
	v60 =	vperm.xlane v20, v5;
	(xrf0) =	vmax.scan.msk.f32 $0xffff, v21;
	v62 =	vpop (erf)  }
0x157: {  	v63 =	vperm.xlane v25, v5;
	v20 =	vsel vm0, v12, v31;
	(xrf0) =	vmax.scan.msk.f32 $0xffff, v23;
	(erf) = vrcp.f32 v24;
	v12, _, _ =	vpop (xrf0)  }
0x158: {  	v25 =	vsel vm0, v58, v60;
	v14 =	vmul.f32 v62, v37;
	(erf) = vrcp.f32 v32;
	(xrf0) =	vmax.scan.msk.f32 $0xffff, v28;
	v31, _, _ =	vpop (xrf2)  }
0x159: {  	s24 =	simm.s32 $0x10;
	s25 =	simm.s32 $0x700;
	s23 =	simm.s32 $0x90E0;
	(xrf2) =	vadd.scan.msk.f32 $0xffff, v59;
	v24 =	vsel vm0, v61, v63;
	(erf) = vrcp.f32 v56;
	v32 =	vbroadcast v12, $0xF;
	v33, _, _ =	vpop (xrf0)  }
.LBB2_2:
0x15a: {  	v12 =	vld [tilespmem:s25+$0x90];
	v33 =	vbroadcast v33, $0xF;
	v35, _, _ =	vpop (xrf2);
	v14 =	vperm.xlane v14, v5  }
0x15b: {  	v36 =	vld [tilespmem:s25+$0xB0];
	v16 =	vsub.f32 v16, v32;
	v32 =	vbroadcast v35, $0xF;
	v35, _, _ =	vpop (xrf0);
	(erf) = vrcp.f32 v11  }
0x15c: {  	v11 =	vld [tilespmem:s25+$0xA0];
	v30 =	vsub.f32 v30, v33;
	v39 =	vbroadcast v35, $0xF;
	v35, _, _ =	vpop (xrf0)  }
0x15d: {  	v40 =	vbroadcast v31, $0xF;
	v37 =	vld [tilespmem:s25+$0xD0];
	v38, _, _ =	vpop (xrf0);
	(erf) = vrcp.f32 v32;
	(xrf2) =	vadd.scan.msk.f32 $0xffff, v27  }
0x15e: {  	s24 =	sadd.s32 $0x8, s24;
	v27 =	vbroadcast v35, $0xF;
	v32 =	vld [tilespmem:s25+$0xF0];
	v35 =	vbroadcast v38, $0xF;
	v29 =	vsub.f32 v29, v39;
	v33, _, _ =	vpop (xrf0)  }
0x15f: {  	p0 =	slt.u32 s24, $0xF8;
	v38 =	vld [tilespmem:s25+$0x80];
	(xrf1) =	vsort.dscd.msk.f32 $0xffff, v12, v1;
	v12 =	vbroadcast v33, $0xF;
	(erf) = vrcp.f32 v40;
	v31 =	vpop (erf)  }
0x160: {  	v16 =	vmul.f32 $1.442695020e+00, v16;
	v30 =	vmul.f32 $1.442695020e+00, v30;
	v21 =	vsub.f32 v21, v27;
	v33 =	vld [tilespmem:s25+$0xE0];
	(xrf1) =	vsort.dscd.msk.f32 $0xffff, v36, v3;
	v36 =	vpop (erf)  }
0x161: {  	v40 =	vsub.f32 v23, v35;
	v27 =	vmul.f32 $1.442695020e+00, v29;
	v39 =	vld [tilespmem:s25+$0xFFFFFF70];
	(xrf1) =	vsort.dscd.msk.f32 $0xffff, v11, v2;
	v12 =	vsub.f32 v28, v12;
	v28 =	vpop (erf)  }
0x162: {  	v23 =	vmul.f32 $1.442695020e+00, v21;
	v29 =	vld [tilespmem:s25+$0xC0];
	(xrf1) =	vsort.dscd.msk.f32 $0xffff, v37, v1;
	(erf) = vpow2.f32 v16;
	v35 =	vpop (erf)  }
0x163: {  	v21 =	vmul.f32 $1.442695020e+00, v40;
	v37 =	vld [tilespmem:s25+$0xFFFFFFF0];
	(xrf1) =	vsort.dscd.msk.f32 $0xffff, v32, v3;
	(erf) = vpow2.f32 v30;
	v11, _, _ =	vpop (xrf2)  }
0x164: {  	v16 =	vmul.f32 $1.442695020e+00, v12;
	v30 =	vld [tilespmem:s25+$0x70];
	(xrf1) =	vsort.dscd.msk.f32 $0xffff, v38, v0;
	v12 =	vbroadcast v11, $0xF;
	v32 =	vpop (erf)  }
0x165: {  	v15 =	vmul.f32 v36, v15;
	v40 =	vmul.f32 v31, v10;
	v38 =	vld [tilespmem:s25+$0xFFFFFF30];
	(xrf1) =	vsort.dscd.msk.f32 $0xffff, v33, v2  }
0x166: {  	v28 =	vmul.f32 v28, v34;
	v33 =	vmul.f32 v35, v6;
	v6 =	vmov v19;
	v31 =	vld [tilespmem:s25+$0xFFFFFF50];
	(xrf1) =	vsort.dscd.msk.f32 $0xffff, v39, v3;
	v11 =	vpop (erf)  }
0x167: {  	v19 =	vld [tilespmem:s25+$0xFFFFFF60];
	(xrf1) =	vsort.dscd.msk.f32 $0xffff, v29, v0;
	v26 =	vmul.f32 v11, v26;
	v29 =	vperm.xlane v40, v5;
	v10, _, _ =	vpop (xrf2)  }
0x168: {  	v18 =	vperm.xlane v18, v5;
	v14 =	vsel vm0, v28, v14;
	v34 =	vld [tilespmem:s25+$0xFFFFFFB0];
	(xrf1) =	vsort.dscd.msk.f32 $0xffff, v37, v3;
	v35 =	vpop (erf);
	v11 =	vbroadcast v10, $0xF  }
0x169: {  	(xrf1) =	vsort.dscd.msk.f32 $0xffff, v30, v3;
	v30 =	vmul.f32 v35, v22  }
0x16a: {  	v28 =	vld [tilespmem:s25+$0xFFFFFFD0];
	v22 =	vperm.xlane v26, v5;
	[tilespmem:s21+$0xFFFFFFE0] =	vst v14  }
0x16b: {  	s22 =	sadd.s32 $0x40, s22;
	v18 =	vsel vm0, v17, v18;
	v15 =	vperm.xlane v15, v5;
	v26 =	vld [tilespmem:s25+$0xFFFFFFE0];
	(xrf1) =	vsort.dscd.msk.f32 $0xffff, v38, v3  }
0x16c: {  	v7 =	vmul.f32 v32, v7;
	s21 =	sadd.s32 $0x40, s21;
	v17 =	vld [tilespmem:s25+$0x30];
	(xrf1) =	vsort.dscd.msk.f32 $0xffff, v31, v1;
	v35 =	vsel vm0, v30, v22;
	[tilespmem:s22+$0x10] =	vst v18;
	v14 =	vpop (erf)  }
0x16d: {  	v32 =	vsel vm0, v33, v9;
	v18 =	vld [tilespmem:s25+$0x50];
	(xrf1) =	vsort.dscd.msk.f32 $0xffff, v19, v2;
	v14 =	vnsel vm0, $0x0, v14;
	[tilespmem:s21+$0x10] =	vst v35;
	v10 =	vpop (erf)  }
0x16e: {  	v7 =	vsel vm0, v7, v8;
	v19 =	vld [tilespmem:s25+$0x60];
	(xrf1) =	vsort.dscd.msk.f32 $0xffff, v34, v3;
	v10 =	vnsel vm0, $0x0, v10;
	[tilespmem:s22+$0xFFFFFFF0] =	vst v25;
	v22, v30, _ =	vpop (xrf1)  }
0x16f: {  	v8 =	vmov v15;
	v9 =	vmov v29;
	v25 =	vld [tilespmem:s25+$0xFFFFFF10];
	(xrf1) =	vsort.dscd.msk.f32 $0xffff, v28, v1;
	v28, v31, _ =	vpop (xrf1);
	[tilespmem:s20+$0xFFFFFFF0] =	vst v32  }
0x170: {  	v15 =	vld [tilespmem:s25+$0xFFFFFF20];
	v28 =	vperm.xlane v28, v4;
	v29 =	vperm.xlane v31, v4;
	(xrf1) =	vsort.dscd.msk.f32 $0xffff, v26, v2;
	v26, v31, _ =	vpop (xrf1);
	[tilespmem:s20+$0x0] =	vst v7;
	s20 =	smov.u32 s23;
	s23 =	smov.u32 s21  }
0x171: {  	v22 =	vperm.xlane v22, v4;
	v38 =	vperm.xlane v30, v4;
	v32 =	vld [tilespmem:s25+$0xFFFFFF40];
	(xrf1) =	vsort.dscd.msk.f32 $0xffff, v17, v3;
	v7, v17, _ =	vpop (xrf1);
	[tilespmem:s22+$0xFFFFFFE0] =	vst v20  }
0x172: {  	v20 =	vld [tilespmem:s25+$0xFFFFFF90];
	v26 =	vsel vm0, v26, v28;
	v36 =	vsel vm0, v31, v29;
	v29 =	vperm.xlane v7, v4;
	v7, v31, _ =	vpop (xrf1);
	[tilespmem:s22+$0x0] =	vst v24  }
0x173: {  	v24 =	vld [tilespmem:s25+$0xFFFFFFA0];
	v39 =	vperm.xlane v7, v4;
	v37 =	vperm.xlane v31, v4;
	v34, v35, _ =	vpop (xrf1);
	(xrf1) =	vsort.dscd.msk.f32 $0xffff, v26, v36;
	v7 =	vmov v13  }
0x174: {  	v17 =	vperm.xlane v17, v4;
	v13 =	vld [tilespmem:s25+$0xFFFFFFC0];
	v22 =	vsel vm0, v34, v22;
	v26 =	vsel vm0, v35, v38;
	v28, v30, _ =	vpop (xrf1)  }
0x175: {  	v34 =	vld [tilespmem:s25+$0x10];
	v28 =	vsel vm0, v28, v39;
	v37 =	vsel vm0, v30, v37;
	v31, v33, _ =	vpop (xrf1);
	(xrf1) =	vsort.dscd.msk.f32 $0xffff, v22, v26  }
0x176: {  	v22 =	vperm.xlane v31, v4;
	v26 =	vperm.xlane v33, v4;
	v31 =	vld [tilespmem:s25+$0x20];
	v36, v35, _ =	vpop (xrf1);
	(xrf1) =	vsort.dscd.msk.f32 $0xffff, v28, v37  }
0x177: {  	v28 =	vld [tilespmem:s25+$0x40];
	v29 =	vsel vm0, v36, v29;
	v17 =	vsel vm0, v35, v17;
	v30, v33, _ =	vpop (xrf1);
	(xrf1) =	vsort.dscd.msk.f32 $0xffff, v18, v1;
	(erf) = vpow2.f32 v27  }
0x178: {  	v18 =	vld [tilespmem:s25+$0xFFFFFF80];
	v27 =	vperm.xlane v30, v4;
	v30 =	vperm.xlane v33, v4;
	v33, v35, _ =	vpop (xrf1);
	(xrf1) =	vsort.dscd.msk.f32 $0xffff, v29, v17  }
0x179: {  	v17 =	vld [tilespmem:s25+$0x0];
	v29 =	vperm.xlane v33, v4;
	v33 =	vperm.xlane v35, v4;
	v35, v36, _ =	vpop (xrf1);
	(xrf1) =	vsort.dscd.msk.f32 $0xffff, v19, v2  }
0x17a: {  	v19 =	vld [tilespmem:s25+$0xFFFFFF00];
	v35 =	vperm.xlane v35, v4;
	v36 =	vperm.xlane v36, v4;
	(xrf1) =	vsort.dscd.msk.f32 $0xffff, v25, v1;
	v25, v37, _ =	vpop (xrf1)  }
0x17b: {  	v25 =	vperm.xlane v25, v4;
	v37 =	vperm.xlane v37, v4;
	(xrf1) =	vsort.dscd.msk.f32 $0xffff, v15, v2;
	v15, v38, _ =	vpop (xrf1)  }
0x17c: {  	v22 =	vsel vm0, v15, v22;
	v26 =	vsel vm0, v38, v26;
	(xrf1) =	vsort.dscd.msk.f32 $0xffff, v32, v0;
	v15, v32, _ =	vpop (xrf1)  }
0x17d: {  	v38 =	vperm.xlane v15, v4;
	v32 =	vperm.xlane v32, v4;
	(xrf1) =	vsort.dscd.msk.f32 $0xffff, v20, v1;
	v15, v20, _ =	vpop (xrf1)  }
0x17e: {  	v39 =	vperm.xlane v15, v4;
	v20 =	vperm.xlane v20, v4;
	(xrf1) =	vsort.dscd.msk.f32 $0xffff, v24, v2;
	v40, v24, _ =	vpop (xrf1)  }
0x17f: {  	v27 =	vsel vm0, v40, v27;
	v24 =	vsel vm0, v24, v30;
	(xrf1) =	vsort.dscd.msk.f32 $0xffff, v13, v0;
	v13, v15, _ =	vpop (xrf1)  }
0x180: {  	v13 =	vperm.xlane v13, v4;
	v30 =	vperm.xlane v15, v4;
	(xrf1) =	vsort.dscd.msk.f32 $0xffff, v34, v1;
	v15 =	vpop (erf)  }
0x181: {  	(xrf1) =	vsort.dscd.msk.f32 $0xffff, v31, v2;
	v31, v34, _ =	vpop (xrf1);
	v15 =	vnsel vm0, $0x0, v15  }
0x182: {  	v43 =	vperm.xlane v31, v4;
	v44 =	vperm.xlane v34, v4;
	(xrf1) =	vsort.dscd.msk.f32 $0xffff, v28, v0  }
0x183: {  	(xrf1) =	vsort.dscd.msk.f32 $0xffff, v19, v0;
	v19, v28, _ =	vpop (xrf1)  }
0x184: {  	v19 =	vsel vm0, v19, v43;
	v28 =	vsel vm0, v28, v44;
	(xrf1) =	vsort.dscd.msk.f32 $0xffff, v18, v0;
	v18, v31, _ =	vpop (xrf1)  }
0x185: {  	v18 =	vperm.xlane v18, v4;
	v42 =	vperm.xlane v31, v4;
	v41, v40, _ =	vpop (xrf1);
	(xrf1) =	vsort.dscd.msk.f32 $0xffff, v19, v28  }
0x186: {  	v19 =	vperm.xlane v41, v4;
	v28 =	vperm.xlane v40, v4;
	(xrf1) =	vsort.dscd.msk.f32 $0xffff, v17, v0;
	v17, v34, _ =	vpop (xrf1)  }
0x187: {  	v17 =	vsel vm0, v17, v18;
	v18 =	vsel vm0, v34, v42;
	(xrf1) =	vsort.dscd.msk.f32 $0xffff, v22, v26;
	v22, v26, _ =	vpop (xrf1)  }
0x188: {  	v22 =	vsel vm0, v22, v29;
	v34 =	vsel vm0, v26, v33;
	v29, v31, _ =	vpop (xrf1);
	(xrf1) =	vsort.dscd.msk.f32 $0xffff, v17, v18  }
0x189: {  	v17 =	vperm.xlane v29, v4;
	v18 =	vperm.xlane v31, v4;
	v29, v31, _ =	vpop (xrf1)  }
0x18a: {  	(xrf1) =	vsort.dscd.msk.f32 $0xffff, v27, v24;
	v27 =	vsel vm0, v31, v36  }
0x18b: {  	v33 =	vsel vm0, v29, v35;
	v29, v31, _ =	vpop (xrf1);
	(xrf1) =	vsort.dscd.msk.f32 $0xffff, v22, v34  }
0x18c: {  	v34 =	vsel vm0, v29, v25;
	v31 =	vsel vm0, v31, v37;
	(xrf1) =	vsort.dscd.msk.f32 $0xffff, v33, v27;
	v24, v26, _ =	vpop (xrf1)  }
0x18d: {  	v24 =	vperm.xlane v24, v4;
	v26 =	vperm.xlane v26, v4;
	v27, v29, _ =	vpop (xrf1)  }
0x18e: {  	v33 =	vsel vm0, v27, v38;
	v32 =	vsel vm0, v29, v32;
	(xrf1) =	vsort.dscd.msk.f32 $0xffff, v34, v31;
	v22, v25, _ =	vpop (xrf1)  }
0x18f: {  	v35 =	vsel vm0, v22, v39;
	v34 =	vsel vm0, v25, v20;
	(xrf1) =	vsort.dscd.msk.f32 $0xffff, v33, v32;
	v25, v27, _ =	vpop (xrf1)  }
0x190: {  	v25 =	vperm.xlane v25, v4;
	v27 =	vperm.xlane v27, v4;
	v29, v31, _ =	vpop (xrf1)  }
0x191: {  	v13 =	vsel vm0, v29, v13;
	v29 =	vsel vm0, v31, v30;
	(xrf1) =	vsort.dscd.msk.f32 $0xffff, v35, v34;
	v20, v22, _ =	vpop (xrf1)  }
0x192: {  	v19 =	vsel vm0, v20, v19;
	v20 =	vsel vm0, v22, v28;
	v30, v28, _ =	vpop (xrf1);
	(xrf1) =	vsort.dscd.msk.f32 $0xffff, v13, v29  }
0x193: {  	v29 =	vsel vm0, v30, v17;
	v28 =	vsel vm0, v28, v18;
	v18, v22, _ =	vpop (xrf1);
	(xrf1) =	vsort.dscd.msk.f32 $0xffff, v19, v20  }
0x194: {  	v30 =	vsel vm0, v18, v24;
	v19 =	vsel vm0, v22, v26;
	(xrf1) =	vsort.dscd.msk.f32 $0xffff, v29, v28;
	v13, v17, _ =	vpop (xrf1)  }
0x195: {  	v20, v22, _ =	vpop (xrf1);
	(xrf0) =	vmax.scan.msk.f32 $0xffff, v13  }
0x196: {  	v26 =	vsel vm0, v20, v25;
	v28 =	vsel vm0, v22, v27;
	v24, v25, _ =	vpop (xrf1);
	(xrf1) =	vsort.dscd.msk.f32 $0xffff, v30, v19  }
0x197: {  	v19 =	vperm.xlane v24, v4;
	v24 =	vperm.xlane v25, v4;
	(xrf1) =	vsort.dscd.msk.f32 $0xffff, v26, v28;
	v20, v18, _ =	vpop (xrf1)  }
0x198: {  	v22, v25, _ =	vpop (xrf1);
	(xrf0) =	vmax.scan.msk.f32 $0xffff, v20  }
0x199: {  	v22 =	vperm.xlane v22, v4;
	v25 =	vperm.xlane v25, v4;
	v26, v27, _ =	vpop (xrf1);
	(xrf2) =	vadd.scan.msk.f32 $0xffff, v14  }
0x19a: {  	v26 =	vperm.xlane v26, v4;
	v27 =	vperm.xlane v27, v4;
	v28, v29, _ =	vpop (xrf1)  }
0x19b: {  	v28 =	vperm.xlane v28, v4;
	v29 =	vperm.xlane v29, v4;
	v30, _, _ =	vpop (xrf0)  }
0x19c: {  	v33 =	vbroadcast v30, $0xF;
	v31, v32, _ =	vpop (xrf1)  }
0x19d: {  	v35 =	vsel vm0, v31, v19;
	v34 =	vsel vm0, v32, v24;
	v31, v32, _ =	vpop (xrf1);
	(erf) = vpow2.f32 v23;
	(xrf2) =	vadd.scan.msk.f32 $0xffff, v10  }
0x19e: {  	v23 =	vperm.xlane v31, v4;
	v31 =	vperm.xlane v32, v4;
	v13 =	vsub.f32 v13, v33;
	v30, _, _ =	vpop (xrf0)  }
0x19f: {  	v32 =	vbroadcast v30, $0xF;
	(xrf1) =	vsort.dscd.msk.f32 $0xffff, v35, v34;
	v19, v24, _ =	vpop (xrf1);
	(erf) = vpow2.f32 v21  }
0x1a0: {  	v19 =	vsel vm0, v19, v22;
	v21 =	vsel vm0, v24, v25;
	v13 =	vmul.f32 $1.442695020e+00, v13;
	v22, v24, _ =	vpop (xrf1);
	(xrf2) =	vadd.scan.msk.f32 $0xffff, v15  }
0x1a1: {  	v22 =	vperm.xlane v22, v4;
	v24 =	vperm.xlane v24, v4;
	v20 =	vsub.f32 v20, v32;
	v25, v30, _ =	vpop (xrf1)  }
0x1a2: {  	v32 =	vsel vm0, v25, v26;
	v26 =	vsel vm0, v30, v27;
	v27, v30, _ =	vpop (xrf1);
	(xrf1) =	vsort.dscd.msk.f32 $0xffff, v19, v21;
	(erf) = vpow2.f32 v13  }
0x1a3: {  	v28 =	vsel vm0, v27, v28;
	v27 =	vsel vm0, v30, v29;
	v20 =	vmul.f32 $1.442695020e+00, v20;
	(xrf1) =	vsort.dscd.msk.f32 $0xffff, v32, v26;
	v21, _, _ =	vpop (xrf2)  }
0x1a4: {  	(xrf1) =	vsort.dscd.msk.f32 $0xffff, v28, v27;
	v13, v19, _ =	vpop (xrf1);
	v21 =	vbroadcast v21, $0xF  }
0x1a5: {  	v13 =	vsel vm0, v13, v23;
	v19 =	vsel vm0, v19, v31;
	v23, v25, _ =	vpop (xrf1);
	(erf) = vpow2.f32 v20  }
0x1a6: {  	v20 =	vsel vm0, v23, v22;
	v22 =	vsel vm0, v25, v24;
	(xrf1) =	vsort.dscd.msk.f32 $0xffff, v13, v19;
	v34 =	vpop (erf);
	(erf) = vpow2.f32 v16  }
0x1a7: {  	(xrf1) =	vsort.dscd.msk.f32 $0xffff, v20, v22;
	v13 =	vnsel vm0, $0x0, v34;
	v16, _, _ =	vpop (xrf2)  }
0x1a8: {  	v31 =	vbroadcast v16, $0xF;
	v19 =	vpop (erf)  }
0x1a9: {  	v35 =	vnsel vm0, $0x0, v19;
	(xrf2) =	vadd.scan.msk.f32 $0xffff, v13  }
0x1aa: {  	v13, _, _ =	vpop (xrf2)  }
0x1ab: {  	v22 =	vpop (erf);
	v32 =	vbroadcast v13, $0xF  }
0x1ac: {  	v23 =	vnsel vm0, $0x0, v22  }
0x1ad: {  	v16, v20, _ =	vpop (xrf1);
	(xrf2) =	vadd.scan.msk.f32 $0xffff, v23;
	(erf) = vrcp.f32 v21  }
0x1ae: {  	v20 =	vperm.xlane v20, v5;
	v13 =	vpop (erf)  }
0x1af: {  	v26 =	vnsel vm0, $0x0, v13;
	v13 =	vpop (erf)  }
0x1b0: {  	v30, v21, _ =	vpop (xrf1);
	(xrf2) =	vadd.scan.msk.f32 $0xffff, v26;
	v27 =	vnsel vm0, $0x0, v13  }
0x1b1: {  	v37 =	vperm.xlane v21, v5;
	v29, v21, _ =	vpop (xrf1)  }
0x1b2: {  	v33 =	vperm.xlane v21, v5;
	v21, v23, _ =	vpop (xrf1);
	(xrf0) =	vmax.scan.msk.f32 $0xffff, v16  }
0x1b3: {  	v20 =	vsel vm0, v23, v20;
	(xrf0) =	vmax.scan.msk.f32 $0xffff, v30;
	v25, _, _ =	vpop (xrf2)  }
0x1b4: {  	v23, v28, _ =	vpop (xrf1);
	v36 =	vbroadcast v25, $0xF  }
.Ltmp0:
0x1b5: {  	v25 =	vsel vm0, v28, v37;
	v28, v24, _ =	vpop (xrf1);
	(xrf0) =	vmax.scan.msk.f32 $0xffff, v29;
	(pc) =	sbr.rel @p0 .LBB2_2-.Ltmp0, $4  }
0x1b6: {  	v24 =	vsel vm0, v24, v33;
	(xrf0) =	vmax.scan.msk.f32 $0xffff, v21;
	v33 =	vpop (erf);
	(erf) = vrcp.f32 v31  }
0x1b7: {  	(xrf0) =	vmax.scan.msk.f32 $0xffff, v23;
	v31, _, _ =	vpop (xrf2);
	v14 =	vmul.f32 v33, v14;
	(erf) = vrcp.f32 v32  }
0x1b8: {  	v32, _, _ =	vpop (xrf0);
	(xrf0) =	vmax.scan.msk.f32 $0xffff, v28;
	(erf) = vrcp.f32 v36  }
0x1b9: {  	s25 =	sadd.s32 $0x200, s25;
	v32 =	vbroadcast v32, $0xF;
	v33, _, _ =	vpop (xrf0);
	(xrf2) =	vadd.scan.msk.f32 $0xffff, v35;
	(erf) = vrcp.f32 v12  }
0x1ba: {  	v12, _, _ =	vpop (xrf2);
	v33 =	vbroadcast v33, $0xF  }
0x1bb: {  	(erf) = vrcp.f32 v11;
	v12 =	vbroadcast v12, $0xF;
	v35, _, _ =	vpop (xrf0)  }
0x1bc: {  	v31 =	vbroadcast v31, $0xF;
	v16 =	vsub.f32 v16, v32;
	v11 =	vbroadcast v35, $0xF;
	v52, _, _ =	vpop (xrf0)  }
0x1bd: {  	v53, _, _ =	vpop (xrf0);
	(erf) = vrcp.f32 v12;
	v12 =	vsub.f32 v30, v33;
	v30 =	vbroadcast v52, $0xF  }
0x1be: {  	v16 =	vmul.f32 $1.442695020e+00, v16;
	v32 =	vbroadcast v53, $0xF;
	v11 =	vsub.f32 v29, v11  }
0x1bf: {  	v54, _, _ =	vpop (xrf0);
	(erf) = vrcp.f32 v31;
	v21 =	vsub.f32 v21, v30;
	v12 =	vmul.f32 $1.442695020e+00, v12  }
0x1c0: {  	v29 =	vbroadcast v54, $0xF;
	v11 =	vmul.f32 $1.442695020e+00, v11  }
0x1c1: {  	(erf) = vpow2.f32 v16;
	v16 =	vmul.f32 $1.442695020e+00, v21  }
0x1c2: {  	(erf) = vpow2.f32 v12;
	v21 =	vsub.f32 v23, v32  }
0x1c3: {  	v23 =	vsub.f32 v28, v29;
	v12 =	vpop (erf);
	(erf) = vpow2.f32 v11  }
0x1c4: {  	v21 =	vmul.f32 $1.442695020e+00, v21;
	v11 =	vpop (erf);
	(erf) = vpow2.f32 v16  }
0x1c5: {  	v23 =	vmul.f32 $1.442695020e+00, v23;
	v16 =	vpop (erf)  }
0x1c6: {  	v28 =	vpop (erf)  }
0x1c7: {  	v29 =	vpop (erf)  }
0x1c8: {  	(erf) = vpow2.f32 v21;
	v21 =	vpop (erf)  }
0x1c9: {  	(erf) = vpow2.f32 v23;
	v23 =	vpop (erf)  }
0x1ca: {  	v30 =	vpop (erf)  }
0x1cb: {  	(xrf2) =	vadd.scan.msk.f32 $0xffff, v27;
	v27 =	vnsel vm0, $0x0, v30;
	v30 =	vpop (erf)  }
0x1cc: {  	v30 =	vnsel vm0, $0x0, v30;
	v31 =	vpop (erf);
	(xrf2) =	vadd.scan.msk.f32 $0xffff, v27  }
0x1cd: {  	v31 =	vnsel vm0, $0x0, v31;
	(xrf2) =	vadd.scan.msk.f32 $0xffff, v30;
	v55 =	vpop (erf)  }
0x1ce: {  	(xrf2) =	vadd.scan.msk.f32 $0xffff, v31;
	v56 =	vnsel vm0, $0x0, v55  }
0x1cf: {  	(xrf2) =	vadd.scan.msk.f32 $0xffff, v56;
	_ =	sdelay $0x2  }
0x1d0: {  	v57 =	vpop (erf)  }
0x1d1: {  	v58 =	vnsel vm0, $0x0, v57;
	v36 =	vpop (erf)  }
0x1d2: {  	v59, _, _ =	vpop (xrf2);
	v37 =	vnsel vm0, $0x0, v36;
	(xrf2) =	vadd.scan.msk.f32 $0xffff, v58  }
0x1d3: {  	v60, _, _ =	vpop (xrf2);
	(xrf2) =	vadd.scan.msk.f32 $0xffff, v37  }
0x1d4: {  	v14 =	vperm.xlane v14, v5;
	v18 =	vperm.xlane v18, v5;
	v38, _, _ =	vpop (xrf2)  }
0x1d5: {  	v16 =	vmul.f32 v16, v34;
	v61 =	vbroadcast v38, $0xF;
	v62, _, _ =	vpop (xrf2)  }
0x1d6: {  	v21 =	vmul.f32 v21, v26;
	v26 =	vbroadcast v62, $0xF;
	v63, _, _ =	vpop (xrf2)  }
0x1d7: {  	v38 =	vbroadcast v63, $0xF;
	(erf) = vrcp.f32 v61;
	v39, _, _ =	vpop (xrf2)  }
0x1d8: {  	v34 =	vbroadcast v39, $0xF;
	(erf) = vrcp.f32 v26  }
0x1d9: {  	v35 =	vbroadcast v59, $0xF;
	(erf) = vrcp.f32 v38  }
0x1da: {  	v10 =	vmul.f32 v12, v10;
	(erf) = vrcp.f32 v34  }
0x1db: {  	v22 =	vmul.f32 v23, v22;
	(erf) = vrcp.f32 v35  }
0x1dc: {  	v14 =	vsel vm0, v16, v14;
	v16 =	vperm.xlane v21, v5;
	v26 =	vbroadcast v60, $0xF;
	v40, _, _ =	vpop (xrf2)  }
0x1dd: {  	v6 =	vmul.f32 v28, v6;
	v34 =	vbroadcast v40, $0xF;
	v41, _, _ =	vpop (xrf2)  }
0x1de: {  	v12 =	vsel vm0, v22, v16;
	(erf) = vrcp.f32 v26;
	v26 =	vbroadcast v41, $0xF  }
0x1df: {  	s22 =	sadd.s32 $0x40, s22;
	[tilespmem:s21+$0xFFFFFFE0] =	vst v14;
	v14 =	vsel vm0, v17, v18;
	(erf) = vrcp.f32 v34  }
0x1e0: {  	s26 =	sadd.s32 $0x40, s21;
	v6 =	vsel vm0, v6, v9;
	[tilespmem:s22+$0x10] =	vst v14;
	(erf) = vrcp.f32 v26;
	v17 =	vpop (erf)  }
0x1e1: {  	[tilespmem:s26+$0x10] =	vst v12;
	v12 =	vpop (erf)  }
0x1e2: {  	v7 =	vmul.f32 v29, v7;
	v14 =	vpop (erf)  }
0x1e3: {  	[tilespmem:s20+$0xFFFFFFF0] =	vst v6;
	v9 =	vmul.f32 v17, v27;
	v6 =	vpop (erf)  }
0x1e4: {  	v11 =	vmul.f32 v11, v15;
	v7 =	vsel vm0, v7, v8;
	v8 =	vpop (erf)  }
0x1e5: {  	[tilespmem:s22+$0xFFFFFFF0] =	vst v25;
	v10 =	vperm.xlane v10, v5;
	v8 =	vmul.f32 v8, v19  }
0x1e6: {  	[tilespmem:s20+$0x0] =	vst v7;
	v7 =	vperm.xlane v9, v5;
	v6 =	vmul.f32 v6, v55  }
0x1e7: {  	[tilespmem:s22+$0xFFFFFFE0] =	vst v20;
	v11 =	vperm.xlane v11, v5;
	v12 =	vmul.f32 v12, v30;
	v9 =	vpop (erf)  }
0x1e8: {  	[tilespmem:s22+$0x0] =	vst v24;
	v14 =	vmul.f32 v14, v31;
	v6 =	vsel vm0, v6, v7;
	v7 =	vmul.f32 v9, v13;
	v9 =	vpop (erf)  }
0x1e9: {  	v12 =	vperm.xlane v12, v5;
	[tilespmem:s26+$0xFFFFFFE0] =	vst v6;
	v6 =	vsel vm0, v8, v10;
	v9 =	vmul.f32 v9, v57;
	v8 =	vpop (erf)  }
0x1ea: {  	v10 =	vperm.xlane v14, v5;
	v7 =	vsel vm0, v7, v11;
	[tilespmem:s23+$0xFFFFFFF0] =	vst v6;
	v6 =	vmul.f32 v8, v36  }
0x1eb: {  	[tilespmem:s23+$0x0] =	vst v7;
	v7 =	vsel vm0, v9, v12  }
0x1ec: {  	[tilespmem:s26+$0xFFFFFFF0] =	vst v7;
	v6 =	vsel vm0, v6, v10  }
0x1ed: {  	[tilespmem:s26+$0x0] =	vst v6  }
0x1ee: {  	[hbm4b:s5+s2] =	stream.linear.scatter [tilespmem:s12], [sflag:$0x3], $0x800, $0x38;
	[tilespmem:$0xA100] =	vst v63  }
0x1ef: {  	_ = 	snop  }
0x1f0: {  	[hbm4b:s6+s2] =	stream.linear.scatter [tilespmem:s13], [sflag:$0x3], $0x800, $0x38;
	[tilespmem:$0xA100] =	vst v63  }
0x1f1: {  	_ =	swait.ge [sflag:s14], $0x4000  }
0x1f2: {  	[sflag:s14] =	ssyncset.done $0x0  }
0x1f3: {  	s28 =	simm.s32 $0x4000;
	[sflag:s14] =	ssyncadd.s32 $0xFFFFC000  }
0x1f4: {  	v6 =	vld [tilespmem:s28+$0x190]  }
0x1f5: {  	v7 =	vld [tilespmem:s28+$0x1B0]  }
0x1f6: {  	v8 =	vld [tilespmem:s28+$0x1A0]  }
0x1f7: {  	v9 =	vld [tilespmem:s28+$0x1D0]  }
0x1f8: {  	v10 =	vld [tilespmem:s28+$0x1F0]  }
0x1f9: {  	v11 =	vld [tilespmem:s28+$0x180];
	(xrf1) =	vsort.dscd.msk.f32 $0xffff, v6, v1  }
0x1fa: {  	v6 =	vld [tilespmem:s28+$0x1E0];
	(xrf1) =	vsort.dscd.msk.f32 $0xffff, v7, v3  }
0x1fb: {  	v7 =	vld [tilespmem:s28+$0x70];
	(xrf1) =	vsort.dscd.msk.f32 $0xffff, v8, v2  }
0x1fc: {  	v8 =	vld [tilespmem:s28+$0x1C0];
	(xrf1) =	vsort.dscd.msk.f32 $0xffff, v9, v1  }
0x1fd: {  	v9 =	vld [tilespmem:s28+$0xF0];
	(xrf1) =	vsort.dscd.msk.f32 $0xffff, v10, v3  }
0x1fe: {  	v10 =	vld [tilespmem:s28+$0x170];
	(xrf1) =	vsort.dscd.msk.f32 $0xffff, v11, v0  }
0x1ff: {  	v11 =	vld [tilespmem:s28+$0x30];
	(xrf1) =	vsort.dscd.msk.f32 $0xffff, v6, v2  }
0x200: {  	v6 =	vld [tilespmem:s28+$0x50];
	(xrf1) =	vsort.dscd.msk.f32 $0xffff, v7, v3  }
0x201: {  	v7 =	vld [tilespmem:s28+$0x60];
	(xrf1) =	vsort.dscd.msk.f32 $0xffff, v8, v0  }
0x202: {  	v8 =	vld [tilespmem:s28+$0xB0];
	(xrf1) =	vsort.dscd.msk.f32 $0xffff, v9, v3  }
0x203: {  	v9 =	vld [tilespmem:s28+$0xD0];
	(xrf1) =	vsort.dscd.msk.f32 $0xffff, v10, v3  }
0x204: {  	v10 =	vld [tilespmem:s28+$0xE0];
	(xrf1) =	vsort.dscd.msk.f32 $0xffff, v11, v3  }
0x205: {  	v11 =	vld [tilespmem:s28+$0x130];
	(xrf1) =	vsort.dscd.msk.f32 $0xffff, v6, v1  }
0x206: {  	(xrf1) =	vsort.dscd.msk.f32 $0xffff, v7, v2  }
0x207: {  	(xrf1) =	vsort.dscd.msk.f32 $0xffff, v8, v3;
	v6, v7, _ =	vpop (xrf1)  }
0x208: {  	(xrf1) =	vsort.dscd.msk.f32 $0xffff, v9, v1;
	v8, v9, _ =	vpop (xrf1)  }
0x209: {  	v8 =	vperm.xlane v8, v4;
	v9 =	vperm.xlane v9, v4;
	(xrf1) =	vsort.dscd.msk.f32 $0xffff, v10, v2;
	v10, v12, _ =	vpop (xrf1)  }
0x20a: {  	v7 =	vperm.xlane v7, v4;
	(xrf1) =	vsort.dscd.msk.f32 $0xffff, v11, v3;
	v11, v14, _ =	vpop (xrf1)  }
0x20b: {  	v8 =	vsel vm0, v10, v8;
	v9 =	vsel vm0, v12, v9;
	v10 =	vperm.xlane v11, v4;
	v11, v12, _ =	vpop (xrf1)  }
0x20c: {  	v6 =	vperm.xlane v6, v4;
	v17, v18, _ =	vpop (xrf1)  }
0x20d: {  	v13 =	vld [tilespmem:s28+$0x150];
	v11 =	vperm.xlane v11, v4;
	v12 =	vperm.xlane v12, v4;
	v7 =	vsel vm0, v18, v7  }
0x20e: {  	(xrf1) =	vsort.dscd.msk.f32 $0xffff, v8, v9;
	v9 =	vperm.xlane v14, v4;
	v6 =	vsel vm0, v17, v6;
	v14, v17, _ =	vpop (xrf1)  }
0x20f: {  	v15 =	vld [tilespmem:s28+$0x160];
	v11 =	vsel vm0, v14, v11;
	v12 =	vsel vm0, v17, v12;
	v14, v17, _ =	vpop (xrf1)  }
0x210: {  	v16 =	vld [tilespmem:s28+$0x10];
	(xrf1) =	vsort.dscd.msk.f32 $0xffff, v6, v7;
	v7, v19, _ =	vpop (xrf1)  }
0x211: {  	v8 =	vld [tilespmem:s28+$0x20];
	(xrf1) =	vsort.dscd.msk.f32 $0xffff, v11, v12;
	v9 =	vsel vm0, v19, v9  }
0x212: {  	v18 =	vld [tilespmem:s28+$0x40];
	v7 =	vsel vm0, v7, v10;
	(xrf1) =	vsort.dscd.msk.f32 $0xffff, v13, v1  }
0x213: {  	v6 =	vld [tilespmem:s28+$0x90];
	v12, v13, _ =	vpop (xrf1);
	(xrf1) =	vsort.dscd.msk.f32 $0xffff, v7, v9  }
0x214: {  	v11 =	vld [tilespmem:s28+$0xA0];
	(xrf1) =	vsort.dscd.msk.f32 $0xffff, v15, v2;
	v9, v19, _ =	vpop (xrf1)  }
0x215: {  	v10 =	vld [tilespmem:s28+$0xC0];
	(xrf1) =	vsort.dscd.msk.f32 $0xffff, v16, v1;
	v20, v21, _ =	vpop (xrf1)  }
0x216: {  	v7 =	vld [tilespmem:s28+$0x110];
	(xrf1) =	vsort.dscd.msk.f32 $0xffff, v8, v2;
	v22, v23, _ =	vpop (xrf1)  }
0x217: {  	v15 =	vld [tilespmem:s28+$0x120];
	(xrf1) =	vsort.dscd.msk.f32 $0xffff, v18, v0;
	v24, v25, _ =	vpop (xrf1)  }
0x218: {  	(xrf1) =	vsort.dscd.msk.f32 $0xffff, v6, v1;
	v26, v27, _ =	vpop (xrf1)  }
0x219: {  	(xrf1) =	vsort.dscd.msk.f32 $0xffff, v11, v2;
	v28, v29, _ =	vpop (xrf1)  }
0x21a: {  	v16 =	vld [tilespmem:s28+$0x140];
	v6 =	vperm.xlane v17, v4;
	v11 =	vperm.xlane v13, v4;
	(xrf1) =	vsort.dscd.msk.f32 $0xffff, v10, v0;
	v13, v30, _ =	vpop (xrf1)  }
0x21b: {  	v17 =	vld [tilespmem:s28+$0x0];
	v10 =	vperm.xlane v21, v4;
	v21 =	vperm.xlane v22, v4;
	(xrf1) =	vsort.dscd.msk.f32 $0xffff, v7, v1;
	v22, v31, _ =	vpop (xrf1)  }
0x21c: {  	v8 =	vld [tilespmem:s28+$0x80];
	v7 =	vperm.xlane v23, v4;
	(xrf1) =	vsort.dscd.msk.f32 $0xffff, v15, v2;
	v15, v23, _ =	vpop (xrf1)  }
0x21d: {  	v23 =	vperm.xlane v23, v4  }
0x21e: {  	v14 =	vperm.xlane v14, v4;
	v18 =	vld [tilespmem:s28+$0x100]  }
0x21f: {  	v12 =	vperm.xlane v12, v4;
	(xrf1) =	vsort.dscd.msk.f32 $0xffff, v16, v0;
	v15 =	vperm.xlane v15, v4  }
0x220: {  	v9 =	vperm.xlane v9, v4;
	v14 =	vsel vm0, v24, v14;
	(xrf1) =	vsort.dscd.msk.f32 $0xffff, v17, v0;
	v17, v24, _ =	vpop (xrf1)  }
0x221: {  	(xrf1) =	vsort.dscd.msk.f32 $0xffff, v8, v0;
	v15 =	vsel vm0, v17, v15;
	v17 =	vsel vm0, v24, v23  }
0x222: {  	v19 =	vperm.xlane v19, v4;
	v6 =	vsel vm0, v25, v6;
	(xrf1) =	vsort.dscd.msk.f32 $0xffff, v15, v17;
	v8, v23, _ =	vpop (xrf1)  }
0x223: {  	(xrf1) =	vsort.dscd.msk.f32 $0xffff, v18, v0;
	v8 =	vperm.xlane v8, v4;
	v23 =	vperm.xlane v23, v4;
	v24, v25, _ =	vpop (xrf1)  }
0x224: {  	v20 =	vperm.xlane v20, v4;
	v16 =	vperm.xlane v26, v4;
	(xrf1) =	vsort.dscd.msk.f32 $0xffff, v14, v6;
	v18, v26, _ =	vpop (xrf1)  }
0x225: {  	v12 =	vsel vm0, v13, v12;
	v8 =	vsel vm0, v18, v8;
	v18 =	vsel vm0, v26, v23;
	v6, v14, _ =	vpop (xrf1)  }
0x226: {  	v13, v26, _ =	vpop (xrf1);
	(xrf1) =	vsort.dscd.msk.f32 $0xffff, v8, v18;
	v8 =	vsel vm0, v30, v11;
	v14 =	vsel vm0, v14, v19  }
0x227: {  	v15 =	vperm.xlane v27, v4;
	v11 =	vperm.xlane v22, v4;
	v6 =	vsel vm0, v6, v9;
	v22, v27, _ =	vpop (xrf1)  }
0x228: {  	v17 =	vperm.xlane v28, v4;
	v9, v28, _ =	vpop (xrf1);
	v19 =	vsel vm0, v22, v20  }
0x229: {  	(xrf1) =	vsort.dscd.msk.f32 $0xffff, v12, v8;
	v10 =	vsel vm0, v27, v10;
	v8, v12, _ =	vpop (xrf1)  }
0x22a: {  	v24 =	vperm.xlane v24, v4;
	(xrf1) =	vsort.dscd.msk.f32 $0xffff, v6, v14;
	v9 =	vsel vm0, v9, v21;
	v6, v14, _ =	vpop (xrf1)  }
0x22b: {  	v7 =	vsel vm0, v28, v7;
	v21 =	vperm.xlane v8, v4;
	v8 =	vsel vm0, v14, v15  }
0x22c: {  	v23 =	vperm.xlane v29, v4;
	(xrf1) =	vsort.dscd.msk.f32 $0xffff, v19, v10;
	v6 =	vsel vm0, v6, v16;
	v10, v19, _ =	vpop (xrf1)  }
0x22d: {  	v18 =	vperm.xlane v31, v4;
	v20 =	vperm.xlane v26, v4;
	v22, v26, _ =	vpop (xrf1);
	v10 =	vsel vm0, v10, v17  }
0x22e: {  	v25 =	vperm.xlane v25, v4;
	v13 =	vperm.xlane v13, v4;
	(xrf1) =	vsort.dscd.msk.f32 $0xffff, v9, v7;
	v7, v9, _ =	vpop (xrf1)  }
0x22f: {  	v14 =	vsel vm0, v19, v23;
	(xrf1) =	vsort.dscd.msk.f32 $0xffff, v6, v8;
	v6, v8, _ =	vpop (xrf1);
	v9 =	vsel vm0, v9, v18  }
0x230: {  	v7 =	vsel vm0, v7, v11;
	(xrf1) =	vsort.dscd.msk.f32 $0xffff, v10, v14;
	v10, v11, _ =	vpop (xrf1);
	v8 =	vsel vm0, v8, v25  }
0x231: {  	v6 =	vsel vm0, v6, v24;
	v11 =	vsel vm0, v11, v20  }
0x232: {  	v10 =	vsel vm0, v10, v13  }
0x233: {  	v12 =	vperm.xlane v12, v4;
	(xrf1) =	vsort.dscd.msk.f32 $0xffff, v7, v9;
	v7, v9, _ =	vpop (xrf1)  }
0x234: {  	v14 =	vperm.xlane v26, v4;
	(xrf1) =	vsort.dscd.msk.f32 $0xffff, v6, v8;
	v6, v8, _ =	vpop (xrf1)  }
0x235: {  	v13 =	vperm.xlane v22, v4;
	(xrf1) =	vsort.dscd.msk.f32 $0xffff, v10, v11;
	v7 =	vsel vm0, v7, v21;
	v10, v11, _ =	vpop (xrf1)  }
0x236: {  	(xrf0) =	vmax.scan.msk.f32 $0xffff, v6;
	v11 =	vsel vm0, v11, v14  }
0x237: {  	v9 =	vsel vm0, v9, v12;
	v12, v15, _ =	vpop (xrf1);
	v10 =	vsel vm0, v10, v13  }
0x238: {  	[tilespmem:$0x1FF50] =	vst v8;
	(xrf1) =	vsort.dscd.msk.f32 $0xffff, v7, v9;
	v7, v8, _ =	vpop (xrf1)  }
0x239: {  	(xrf0) =	vmax.scan.msk.f32 $0xffff, v7  }
0x23a: {  	(xrf1) =	vsort.dscd.msk.f32 $0xffff, v10, v11;
	v10, v11, _ =	vpop (xrf1)  }
0x23b: {  	v13, v14, _ =	vpop (xrf1)  }
0x23c: {  	v18, _, _ =	vpop (xrf0)  }
0x23d: {  	v16, v17, _ =	vpop (xrf1)  }
0x23e: {  	v20, v21, _ =	vpop (xrf1)  }
0x23f: {  	v12 =	vperm.xlane v12, v4;
	v18 =	vbroadcast v18, $0xF;
	v19, _, _ =	vpop (xrf0)  }
0x240: {  	v15 =	vperm.xlane v15, v4;
	v10 =	vperm.xlane v10, v4;
	v22, v23, _ =	vpop (xrf1)  }
0x241: {  	v11 =	vperm.xlane v11, v4;
	v6 =	vsub.f32 v6, v18;
	v19 =	vbroadcast v19, $0xF  }
0x242: {  	v12 =	vsel vm0, v20, v12;
	v15 =	vsel vm0, v21, v15;
	v18 =	vperm.xlane v22, v4;
	v20, v22, _ =	vpop (xrf1)  }
0x243: {  	v14 =	vperm.xlane v14, v4;
	v7 =	vsub.f32 v7, v19;
	v19 =	vperm.xlane v23, v4;
	v21, v23, _ =	vpop (xrf1)  }
0x244: {  	v13 =	vperm.xlane v13, v4;
	v16 =	vperm.xlane v16, v4  }
0x245: {  	(xrf1) =	vsort.dscd.msk.f32 $0xffff, v12, v15;
	v6 =	vmul.f32 $1.442695020e+00, v6;
	v10 =	vsel vm0, v20, v10;
	v20 =	vperm.xlane v21, v4;
	v15, v21, _ =	vpop (xrf1)  }
0x246: {  	v17 =	vperm.xlane v17, v4;
	v11 =	vsel vm0, v22, v11;
	v7 =	vmul.f32 $1.442695020e+00, v7  }
0x247: {  	(erf) = vpow2.f32 v6;
	(xrf1) =	vsort.dscd.msk.f32 $0xffff, v10, v11;
	v6 =	vsel vm0, v15, v13;
	v13 =	vsel vm0, v21, v14;
	v14, v15, _ =	vpop (xrf1)  }
0x248: {  	(erf) = vpow2.f32 v7;
	(xrf1) =	vsort.dscd.msk.f32 $0xffff, v6, v13;
	v7 =	vsel vm0, v14, v16;
	v10 =	vsel vm0, v15, v17  }
0x249: {  	(xrf1) =	vsort.dscd.msk.f32 $0xffff, v7, v10  }
0x24a: {  	v12 =	vperm.xlane v23, v4;
	v6, v11, _ =	vpop (xrf1)  }
0x24b: {  	v6 =	vsel vm0, v6, v18;
	v7 =	vsel vm0, v11, v19;
	v10, v11, _ =	vpop (xrf1)  }
0x24c: {  	(xrf1) =	vsort.dscd.msk.f32 $0xffff, v6, v7;
	v10 =	vsel vm0, v10, v20;
	v11 =	vsel vm0, v11, v12  }
0x24d: {  	(xrf1) =	vsort.dscd.msk.f32 $0xffff, v10, v11;
	_ =	sdelay $0x2  }
0x24e: {  	v6 =	vpop (erf)  }
0x24f: {  	[tilespmem:$0x1FF40] =	vst v6;
	v6 =	vnsel vm0, $0x0, v6;
	_ =	sdelay $0x1  }
0x250: {  	v16, v18, _ =	vpop (xrf1)  }
0x251: {  	v7 =	vpop (erf)  }
0x252: {  	[tilespmem:$0x1FF30] =	vst v8;
	(xrf2) =	vadd.scan.msk.f32 $0xffff, v6;
	v17 =	vnsel vm0, $0x0, v7;
	v24, v6, _ =	vpop (xrf1)  }
0x253: {  	(xrf2) =	vadd.scan.msk.f32 $0xffff, v17;
	[tilespmem:$0x1FF10] =	vst v6;
	v25, v6, _ =	vpop (xrf1)  }
0x254: {  	s29 =	simm.s32 $0x4200;
	[tilespmem:$0x1FF60] =	vst v6;
	v22, v7, _ =	vpop (xrf1)  }
0x255: {  	v6 =	vld [tilespmem:s29+$0x190];
	[tilespmem:$0x1FF00] =	vst v7  }
0x256: {  	v19 =	vld [tilespmem:s29+$0x1B0]  }
0x257: {  	v21, v7, _ =	vpop (xrf1)  }
0x258: {  	[tilespmem:$0x1FF20] =	vst v7;
	v7, v8, _ =	vpop (xrf1)  }
0x259: {  	v20 =	vld [tilespmem:s29+$0x1A0];
	[tilespmem:$0x1FF70] =	vst v8  }
0x25a: {  	(xrf1) =	vsort.dscd.msk.f32 $0xffff, v6, v1;
	v23 =	vld [tilespmem:s29+$0x1D0]  }
0x25b: {  	v26 =	vld [tilespmem:s29+$0x1F0];
	(xrf1) =	vsort.dscd.msk.f32 $0xffff, v19, v3  }
0x25c: {  	(xrf0) =	vmax.scan.msk.f32 $0xffff, v16;
	v27, _, _ =	vpop (xrf2);
	v28 =	vld [tilespmem:s29+$0x180]  }
0x25d: {  	(xrf0) =	vmax.scan.msk.f32 $0xffff, v24;
	v6, _, _ =	vpop (xrf2);
	v29 =	vld [tilespmem:s29+$0x1E0]  }
0x25e: {  	v6 =	vbroadcast v6, $0xF;
	v19 =	vld [tilespmem:s29+$0x70];
	(xrf1) =	vsort.dscd.msk.f32 $0xffff, v20, v2  }
0x25f: {  	v20 =	vld [tilespmem:s29+$0x1C0];
	(xrf1) =	vsort.dscd.msk.f32 $0xffff, v23, v1  }
0x260: {  	(erf) = vrcp.f32 v6;
	v6 =	vld [tilespmem:s29+$0xF0];
	(xrf1) =	vsort.dscd.msk.f32 $0xffff, v26, v3  }
0x261: {  	v26 =	vld [tilespmem:s29+$0x170];
	(xrf1) =	vsort.dscd.msk.f32 $0xffff, v28, v0  }
0x262: {  	v28 =	vld [tilespmem:s29+$0x30];
	(xrf1) =	vsort.dscd.msk.f32 $0xffff, v29, v2  }
0x263: {  	v30 =	vld [tilespmem:s29+$0x50];
	(xrf1) =	vsort.dscd.msk.f32 $0xffff, v19, v3  }
0x264: {  	v27 =	vbroadcast v27, $0xF;
	v42 =	vld [tilespmem:s29+$0x60];
	v29, _, _ =	vpop (xrf0);
	(xrf1) =	vsort.dscd.msk.f32 $0xffff, v20, v0  }
0x265: {  	v44 =	vld [tilespmem:s29+$0xB0];
	v29 =	vbroadcast v29, $0xF;
	(xrf1) =	vsort.dscd.msk.f32 $0xffff, v6, v3  }
0x266: {  	v45 =	vld [tilespmem:s29+$0xD0];
	(xrf1) =	vsort.dscd.msk.f32 $0xffff, v26, v3  }
0x267: {  	v26 =	vld [tilespmem:s29+$0xE0];
	(xrf1) =	vsort.dscd.msk.f32 $0xffff, v28, v3  }
0x268: {  	(erf) = vrcp.f32 v27;
	v28 =	vld [tilespmem:s29+$0x130];
	(xrf1) =	vsort.dscd.msk.f32 $0xffff, v30, v1;
	v27, v30, _ =	vpop (xrf1)  }
0x269: {  	v16 =	vsub.f32 v16, v29;
	(xrf1) =	vsort.dscd.msk.f32 $0xffff, v42, v2;
	v29, v46, _ =	vpop (xrf1)  }
0x26a: {  	(xrf1) =	vsort.dscd.msk.f32 $0xffff, v44, v3;
	v32 =	vperm.xlane v46, v4  }
0x26b: {  	(xrf1) =	vsort.dscd.msk.f32 $0xffff, v45, v1  }
0x26c: {  	v29 =	vperm.xlane v29, v4;
	(xrf1) =	vsort.dscd.msk.f32 $0xffff, v26, v2;
	v26, v47, _ =	vpop (xrf1)  }
0x26d: {  	(xrf1) =	vsort.dscd.msk.f32 $0xffff, v28, v3;
	v28, v48, _ =	vpop (xrf1)  }
0x26e: {  	(xrf0) =	vmax.scan.msk.f32 $0xffff, v25;
	v30 =	vperm.xlane v30, v4;
	v26 =	vsel vm0, v26, v29;
	v29 =	vsel vm0, v47, v32;
	v32, v34, _ =	vpop (xrf1)  }
0x26f: {  	v51, v50, _ =	vpop (xrf1)  }
0x270: {  	v31, _, _ =	vpop (xrf0);
	v27 =	vperm.xlane v27, v4;
	(xrf1) =	vsort.dscd.msk.f32 $0xffff, v26, v29;
	v29 =	vsel vm0, v50, v30  }
0x271: {  	v28 =	vperm.xlane v28, v4;
	v53, v52, _ =	vpop (xrf1)  }
0x272: {  	v49 =	vld [tilespmem:s29+$0x150];
	v32 =	vperm.xlane v32, v4;
	v34 =	vperm.xlane v34, v4;
	v27 =	vsel vm0, v51, v27;
	v55, v56, _ =	vpop (xrf1)  }
0x273: {  	v30 =	vperm.xlane v48, v4;
	(xrf1) =	vsort.dscd.msk.f32 $0xffff, v27, v29;
	v29, v39, _ =	vpop (xrf1)  }
0x274: {  	v43, _, _ =	vpop (xrf0);
	v26 =	vld [tilespmem:s29+$0x160];
	v32 =	vsel vm0, v53, v32;
	v34 =	vsel vm0, v52, v34;
	v28 =	vsel vm0, v29, v28  }
0x275: {  	v54 =	vld [tilespmem:s29+$0x10];
	v29 =	vsel vm0, v39, v30;
	v30 =	vbroadcast v31, $0xF;
	v31 =	vbroadcast v43, $0xF  }
0x276: {  	v27 =	vld [tilespmem:s29+$0x20];
	(xrf1) =	vsort.dscd.msk.f32 $0xffff, v32, v34  }
0x277: {  	v58 =	vld [tilespmem:s29+$0x40];
	(xrf1) =	vsort.dscd.msk.f32 $0xffff, v49, v1  }
0x278: {  	v59 =	vld [tilespmem:s29+$0x90];
	v61, v60, _ =	vpop (xrf1);
	(xrf1) =	vsort.dscd.msk.f32 $0xffff, v28, v29  }
0x279: {  	v28 =	vld [tilespmem:s29+$0xA0];
	(xrf1) =	vsort.dscd.msk.f32 $0xffff, v26, v2;
	v29, v62, _ =	vpop (xrf1)  }
0x27a: {  	v24 =	vsub.f32 v24, v30;
	v25 =	vsub.f32 v25, v31;
	v26 =	vld [tilespmem:s29+$0xC0];
	(xrf1) =	vsort.dscd.msk.f32 $0xffff, v54, v1;
	v30, v31, _ =	vpop (xrf1)  }
0x27b: {  	v63 =	vld [tilespmem:s29+$0x110];
	(xrf1) =	vsort.dscd.msk.f32 $0xffff, v27, v2;
	v40, v41, _ =	vpop (xrf1)  }
0x27c: {  	v37 =	vperm.xlane v56, v4;
	v27 =	vld [tilespmem:s29+$0x120];
	(xrf1) =	vsort.dscd.msk.f32 $0xffff, v58, v0;
	v42, v43, _ =	vpop (xrf1)  }
0x27d: {  	v52 =	vld [tilespmem:s29+$0x140];
	(xrf1) =	vsort.dscd.msk.f32 $0xffff, v59, v1;
	v44, v45, _ =	vpop (xrf1)  }
0x27e: {  	v57 =	vmul.f32 $1.442695020e+00, v16;
	v53 =	vld [tilespmem:s29+$0x0];
	v35 =	vperm.xlane v55, v4;
	v46, v47, _ =	vpop (xrf1);
	(xrf1) =	vsort.dscd.msk.f32 $0xffff, v28, v2  }
0x27f: {  	v28 =	vld [tilespmem:s29+$0x80];
	v48, v49, _ =	vpop (xrf1);
	(xrf1) =	vsort.dscd.msk.f32 $0xffff, v26, v0  }
0x280: {  	(erf) = vpow2.f32 v57;
	v26 =	vsel vm0, v42, v35;
	v35 =	vsel vm0, v43, v37;
	v37, v42, _ =	vpop (xrf1);
	(xrf1) =	vsort.dscd.msk.f32 $0xffff, v63, v1  }
0x281: {  	v54 =	vld [tilespmem:s29+$0x100];
	v43 =	vperm.xlane v44, v4;
	v44 =	vperm.xlane v45, v4;
	(xrf1) =	vsort.dscd.msk.f32 $0xffff, v27, v2;
	v27, v55, _ =	vpop (xrf1)  }
0x282: {  	v27 =	vperm.xlane v27, v4;
	v45 =	vperm.xlane v55, v4;
	(xrf1) =	vsort.dscd.msk.f32 $0xffff, v52, v0  }
0x283: {  	v36 =	vperm.xlane v61, v4;
	v39 =	vperm.xlane v60, v4;
	v57, v56, _ =	vpop (xrf1);
	(xrf1) =	vsort.dscd.msk.f32 $0xffff, v53, v0  }
0x284: {  	v27 =	vsel vm0, v57, v27;
	v58 =	vsel vm0, v56, v45;
	(xrf1) =	vsort.dscd.msk.f32 $0xffff, v28, v0;
	v28, v59, _ =	vpop (xrf1)  }
0x285: {  	v29 =	vperm.xlane v29, v4;
	v32 =	vperm.xlane v62, v4;
	v60, v51, _ =	vpop (xrf1);
	(xrf1) =	vsort.dscd.msk.f32 $0xffff, v27, v58  }
0x286: {  	v28 =	vperm.xlane v28, v4;
	v45 =	vperm.xlane v59, v4;
	(xrf1) =	vsort.dscd.msk.f32 $0xffff, v54, v0;
	v62, v63, _ =	vpop (xrf1)  }
0x287: {  	v30 =	vperm.xlane v30, v4;
	v31 =	vperm.xlane v31, v4;
	(xrf1) =	vsort.dscd.msk.f32 $0xffff, v26, v35;
	v26, v35, _ =	vpop (xrf1)  }
0x288: {  	v61 =	vsel vm0, v49, v39;
	v28 =	vsel vm0, v62, v28;
	v45 =	vsel vm0, v63, v45;
	v49, v52, _ =	vpop (xrf1)  }
0x289: {  	v27 =	vsel vm0, v48, v36;
	(xrf1) =	vsort.dscd.msk.f32 $0xffff, v28, v45;
	v26 =	vsel vm0, v26, v29;
	v29, v53, _ =	vpop (xrf1)  }
0x28a: {  	(xrf1) =	vsort.dscd.msk.f32 $0xffff, v27, v61;
	v27 =	vsel vm0, v29, v30;
	v29 =	vsel vm0, v53, v31  }
0x28b: {  	(xrf0) =	vmax.scan.msk.f32 $0xffff, v22;
	v41 =	vperm.xlane v41, v4  }
0x28c: {  	(xrf0) =	vmax.scan.msk.f32 $0xffff, v21;
	v40 =	vperm.xlane v40, v4;
	v28 =	vsel vm0, v35, v32;
	v30, v31, _ =	vpop (xrf1)  }
0x28d: {  	(xrf1) =	vsort.dscd.msk.f32 $0xffff, v26, v28;
	v31 =	vsel vm0, v31, v41  }
0x28e: {  	(xrf1) =	vsort.dscd.msk.f32 $0xffff, v27, v29;
	v30 =	vsel vm0, v30, v40;
	v27, v29, _ =	vpop (xrf1)  }
0x28f: {  	v56, v55, _ =	vpop (xrf1)  }
0x290: {  	v34 =	vperm.xlane v46, v4;
	v46 =	vperm.xlane v47, v4;
	v35 =	vsel vm0, v55, v44  }
0x291: {  	(xrf1) =	vsort.dscd.msk.f32 $0xffff, v30, v31;
	v33 =	vsel vm0, v56, v43;
	v30, v31, _ =	vpop (xrf1)  }
0x292: {  	v23, _, _ =	vpop (xrf0);
	v31 =	vsel vm0, v31, v46  }
0x293: {  	v20, _, _ =	vpop (xrf0);
	v30 =	vsel vm0, v30, v34  }
0x294: {  	v37 =	vperm.xlane v37, v4;
	(xrf1) =	vsort.dscd.msk.f32 $0xffff, v33, v35;
	v33, v35, _ =	vpop (xrf1)  }
0x295: {  	v26 =	vperm.xlane v60, v4;
	v28 =	vperm.xlane v51, v4;
	v59, v58, _ =	vpop (xrf1)  }
0x296: {  	v48 =	vperm.xlane v42, v4;
	v54 =	vperm.xlane v49, v4;
	(xrf1) =	vsort.dscd.msk.f32 $0xffff, v30, v31;
	v30, v31, _ =	vpop (xrf1)  }
0x297: {  	v57 =	vperm.xlane v52, v4;
	v26 =	vsel vm0, v30, v26;
	v28 =	vsel vm0, v31, v28;
	v30, v31, _ =	vpop (xrf1)  }
0x298: {  	(xrf0) =	vmax.scan.msk.f32 $0xffff, v7;
	v61 =	vbroadcast v20, $0xF;
	v29 =	vperm.xlane v29, v4;
	v20 =	vsel vm0, v30, v54  }
0x299: {  	v34 =	vsel vm0, v59, v37;
	v60 =	vsel vm0, v58, v48;
	v30 =	vsel vm0, v31, v57  }
0x29a: {  	v19 =	vpop (erf);
	v23 =	vbroadcast v23, $0xF;
	(xrf1) =	vsort.dscd.msk.f32 $0xffff, v34, v60  }
0x29b: {  	v27 =	vperm.xlane v27, v4;
	v31, v62, _ =	vpop (xrf1);
	(xrf1) =	vsort.dscd.msk.f32 $0xffff, v26, v28  }
0x29c: {  	v22 =	vsub.f32 v22, v23;
	v24 =	vmul.f32 $1.442695020e+00, v24;
	v26 =	vperm.xlane v33, v4;
	(xrf1) =	vsort.dscd.msk.f32 $0xffff, v20, v30;
	v30, v20, _ =	vpop (xrf1)  }
0x29d: {  	v28 =	vperm.xlane v35, v4;
	v23 =	vsel vm0, v31, v27;
	v27 =	vsel vm0, v62, v29;
	v29, v31, _ =	vpop (xrf1)  }
0x29e: {  	v6, _, _ =	vpop (xrf0);
	(xrf0) =	vmax.scan.msk.f32 $0xffff, v30;
	v26 =	vsel vm0, v29, v26  }
0x29f: {  	v16 =	vpop (erf);
	v25 =	vmul.f32 $1.442695020e+00, v25;
	v28 =	vsel vm0, v31, v28  }
0x2a0: {  	(xrf1) =	vsort.dscd.msk.f32 $0xffff, v23, v27;
	v29, v31, _ =	vpop (xrf1)  }
0x2a1: {  	v23 =	vsub.f32 v21, v61;
	(xrf1) =	vsort.dscd.msk.f32 $0xffff, v26, v28;
	v26, v21, _ =	vpop (xrf1)  }
0x2a2: {  	(erf) = vpow2.f32 v24;
	v27 =	vmul.f32 $1.442695020e+00, v22;
	v22, v24, _ =	vpop (xrf1)  }
0x2a3: {  	(erf) = vpow2.f32 v25;
	(xrf0) =	vmax.scan.msk.f32 $0xffff, v26;
	v25, v28, _ =	vpop (xrf1)  }
0x2a4: {  	v43, _, _ =	vpop (xrf0)  }
0x2a5: {  	v31 =	vperm.xlane v31, v4;
	v41, v63, _ =	vpop (xrf1);
	v35 =	vbroadcast v43, $0xF  }
0x2a6: {  	v45, v44, _ =	vpop (xrf1)  }
0x2a7: {  	v50 =	vpop (erf);
	v23 =	vmul.f32 $1.442695020e+00, v23;
	v30 =	vsub.f32 v30, v35;
	v31 =	vsel vm0, v44, v31  }
0x2a8: {  	(erf) = vpow2.f32 v27;
	v29 =	vperm.xlane v29, v4;
	v38, v39, _ =	vpop (xrf1)  }
0x2a9: {  	v42 =	vperm.xlane v22, v4;
	v24 =	vperm.xlane v24, v4;
	v27, _, _ =	vpop (xrf0)  }
0x2aa: {  	v25 =	vperm.xlane v25, v4;
	v29 =	vsel vm0, v45, v29;
	v49, v48, _ =	vpop (xrf1);
	v27 =	vbroadcast v27, $0xF  }
0x2ab: {  	v22 =	vnsel vm0, $0x0, v50;
	v28 =	vperm.xlane v28, v4;
	(xrf1) =	vsort.dscd.msk.f32 $0xffff, v29, v31;
	v29 =	vmul.f32 $1.442695020e+00, v30;
	v30, v31, _ =	vpop (xrf1)  }
0x2ac: {  	v26 =	vsub.f32 v26, v27;
	v27 =	vperm.xlane v30, v4;
	v30 =	vperm.xlane v31, v4;
	v31, v50, _ =	vpop (xrf1)  }
0x2ad: {  	(erf) = vpow2.f32 v23;
	v33 =	vperm.xlane v63, v4;
	v28 =	vsel vm0, v50, v28  }
0x2ae: {  	v23 =	vsel vm0, v49, v42;
	v24 =	vsel vm0, v48, v24;
	v25 =	vsel vm0, v31, v25;
	v31, v51, _ =	vpop (xrf1)  }
0x2af: {  	v32 =	vperm.xlane v41, v4;
	(xrf1) =	vsort.dscd.msk.f32 $0xffff, v23, v24;
	v23 =	vmul.f32 $1.442695020e+00, v26;
	v26 =	vsel vm0, v51, v33  }
0x2b0: {  	v46 =	vperm.xlane v38, v4;
	v47 =	vperm.xlane v39, v4  }
0x2b1: {  	v24 =	vsel vm0, v31, v32;
	(xrf1) =	vsort.dscd.msk.f32 $0xffff, v25, v28;
	v25, v28, _ =	vpop (xrf1)  }
0x2b2: {  	(erf) = vpow2.f32 v29;
	(xrf1) =	vsort.dscd.msk.f32 $0xffff, v24, v26;
	v24 =	vsel vm0, v25, v46;
	v25 =	vsel vm0, v28, v47;
	v26, v28, _ =	vpop (xrf1)  }
0x2b3: {  	(erf) = vpow2.f32 v23;
	v23 =	vsel vm0, v26, v27;
	v27 =	vbroadcast v6, $0xF;
	_ =	sdelay $0x1  }
0x2b4: {  	v7 =	vsub.f32 v7, v27;
	_ =	sdelay $0x1  }
0x2b5: {  	v26 =	vsel vm0, v28, v30;
	(xrf1) =	vsort.dscd.msk.f32 $0xffff, v24, v25;
	v7 =	vmul.f32 $1.442695020e+00, v7  }
0x2b6: {  	s30 =	simm.s32 $0x4400;
	(xrf1) =	vsort.dscd.msk.f32 $0xffff, v23, v26;
	v23 =	vpop (erf)  }
0x2b7: {  	v25 =	vpop (erf);
	(erf) = vpow2.f32 v7;
	v7 =	vld [tilespmem:s30+$0x190]  }
0x2b8: {  	v52 =	vld [tilespmem:s30+$0x1B0];
	(xrf2) =	vadd.scan.msk.f32 $0xffff, v22;
	v38, v32, _ =	vpop (xrf1)  }
0x2b9: {  	v24 =	vnsel vm0, $0x0, v23;
	(xrf0) =	vmax.scan.msk.f32 $0xffff, v38  }
0x2ba: {  	v23 =	vnsel vm0, $0x0, v25;
	(xrf2) =	vadd.scan.msk.f32 $0xffff, v24  }
0x2bb: {  	v53 =	vld [tilespmem:s30+$0x1A0];
	v26 =	vpop (erf);
	(xrf2) =	vadd.scan.msk.f32 $0xffff, v23  }
0x2bc: {  	v54 =	vld [tilespmem:s30+$0x1D0];
	v6 =	vpop (erf);
	(xrf1) =	vsort.dscd.msk.f32 $0xffff, v7, v1  }
0x2bd: {  	v55 =	vld [tilespmem:s30+$0x1F0];
	v28 =	vnsel vm0, $0x0, v26;
	v25 =	vpop (erf);
	(xrf1) =	vsort.dscd.msk.f32 $0xffff, v52, v3  }
0x2be: {  	v56 =	vld [tilespmem:s30+$0x180];
	(xrf2) =	vadd.scan.msk.f32 $0xffff, v28;
	v27 =	vnsel vm0, $0x0, v25  }
0x2bf: {  	v57 =	vld [tilespmem:s30+$0x1E0];
	(xrf2) =	vadd.scan.msk.f32 $0xffff, v27  }
0x2c0: {  	v58 =	vld [tilespmem:s30+$0x70];
	(xrf1) =	vsort.dscd.msk.f32 $0xffff, v53, v2  }
0x2c1: {  	v59 =	vld [tilespmem:s30+$0x1C0];
	(xrf1) =	vsort.dscd.msk.f32 $0xffff, v54, v1  }
0x2c2: {  	v60 =	vld [tilespmem:s30+$0xF0];
	v29, _, _ =	vpop (xrf2);
	(xrf1) =	vsort.dscd.msk.f32 $0xffff, v55, v3  }
0x2c3: {  	v61 =	vld [tilespmem:s30+$0x170];
	v28 =	vpop (erf);
	v27 =	vbroadcast v29, $0xF;
	(xrf1) =	vsort.dscd.msk.f32 $0xffff, v56, v0  }
0x2c4: {  	v62 =	vld [tilespmem:s30+$0x30];
	v43, v33, _ =	vpop (xrf1);
	(xrf1) =	vsort.dscd.msk.f32 $0xffff, v57, v2  }
0x2c5: {  	v31 =	vnsel vm0, $0x0, v28;
	v40, v28, _ =	vpop (xrf1);
	v52 =	vld [tilespmem:s30+$0x50];
	(xrf1) =	vsort.dscd.msk.f32 $0xffff, v58, v3  }
0x2c6: {  	v39, v30, _ =	vpop (xrf1);
	v54 =	vld [tilespmem:s30+$0x60];
	(xrf1) =	vsort.dscd.msk.f32 $0xffff, v59, v0  }
0x2c7: {  	v37, v29, _ =	vpop (xrf1);
	v56 =	vld [tilespmem:s30+$0xB0];
	(xrf1) =	vsort.dscd.msk.f32 $0xffff, v60, v3  }
0x2c8: {  	(erf) = vrcp.f32 v27;
	v34, v27, _ =	vpop (xrf1);
	v57 =	vld [tilespmem:s30+$0xD0];
	(xrf1) =	vsort.dscd.msk.f32 $0xffff, v61, v3  }
0x2c9: {  	v63 =	vld [tilespmem:s30+$0xE0];
	v49, _, _ =	vpop (xrf2);
	(xrf1) =	vsort.dscd.msk.f32 $0xffff, v62, v3  }
0x2ca: {  	v60 =	vbroadcast v49, $0xF;
	(xrf1) =	vsort.dscd.msk.f32 $0xffff, v52, v1;
	v44, v52, _ =	vpop (xrf1)  }
0x2cb: {  	(xrf1) =	vsort.dscd.msk.f32 $0xffff, v54, v2;
	v61, v62, _ =	vpop (xrf1)  }
0x2cc: {  	v48, _, _ =	vpop (xrf0);
	v49 =	vld [tilespmem:s30+$0x130];
	(xrf1) =	vsort.dscd.msk.f32 $0xffff, v56, v3;
	v56 =	vperm.xlane v62, v4  }
0x2cd: {  	v7 =	vpop (erf);
	(xrf1) =	vsort.dscd.msk.f32 $0xffff, v57, v1  }
0x2ce: {  	(erf) = vrcp.f32 v60;
	v54 =	vperm.xlane v61, v4;
	(xrf1) =	vsort.dscd.msk.f32 $0xffff, v63, v2;
	v60, v63, _ =	vpop (xrf1)  }
0x2cf: {  	v61, v58, _ =	vpop (xrf1)  }
0x2d0: {  	(xrf2) =	vadd.scan.msk.f32 $0xffff, v31;
	v44 =	vperm.xlane v44, v4;
	v50 =	vsel vm0, v60, v54;
	v54 =	vsel vm0, v63, v56;
	v56, v57, _ =	vpop (xrf1)  }
0x2d1: {  	v52 =	vperm.xlane v52, v4;
	(xrf1) =	vsort.dscd.msk.f32 $0xffff, v49, v3;
	v49 =	vperm.xlane v61, v4;
	v60, v61, _ =	vpop (xrf1)  }
0x2d2: {  	v36, _, _ =	vpop (xrf2);
	(xrf1) =	vsort.dscd.msk.f32 $0xffff, v50, v54;
	v56 =	vperm.xlane v56, v4;
	v57 =	vperm.xlane v57, v4  }
0x2d3: {  	v59 =	vld [tilespmem:s30+$0x150];
	v54 =	vperm.xlane v58, v4;
	v44 =	vsel vm0, v60, v44;
	v52 =	vsel vm0, v61, v52;
	v58, v60, _ =	vpop (xrf1)  }
0x2d4: {  	v42, _, _ =	vpop (xrf2);
	(xrf1) =	vsort.dscd.msk.f32 $0xffff, v44, v52;
	v56 =	vsel vm0, v58, v56;
	v57 =	vsel vm0, v60, v57  }
0x2d5: {  	v50 =	vld [tilespmem:s30+$0x160];
	v58, v60, _ =	vpop (xrf1);
	(xrf1) =	vsort.dscd.msk.f32 $0xffff, v56, v57;
	v56 =	vbroadcast v36, $0xF  }
0x2d6: {  	v61 =	vld [tilespmem:s30+$0x10];
	v52, v62, _ =	vpop (xrf1)  }
0x2d7: {  	v51, _, _ =	vpop (xrf2);
	v44 =	vld [tilespmem:s30+$0x20];
	v49 =	vsel vm0, v52, v49;
	v52 =	vsel vm0, v62, v54  }
0x2d8: {  	v35 =	vpop (erf);
	v57 =	vld [tilespmem:s30+$0x40];
	(xrf1) =	vsort.dscd.msk.f32 $0xffff, v59, v1  }
0x2d9: {  	v54 =	vld [tilespmem:s30+$0x90];
	v59, v62, _ =	vpop (xrf1);
	(xrf1) =	vsort.dscd.msk.f32 $0xffff, v49, v52  }
0x2da: {  	(erf) = vrcp.f32 v56;
	v49 =	vld [tilespmem:s30+$0xA0];
	v52, v56, _ =	vpop (xrf1);
	(xrf1) =	vsort.dscd.msk.f32 $0xffff, v50, v2  }
0x2db: {  	v42 =	vbroadcast v42, $0xF;
	v50 =	vld [tilespmem:s30+$0xC0];
	v63, v13, _ =	vpop (xrf1);
	(xrf1) =	vsort.dscd.msk.f32 $0xffff, v61, v1  }
0x2dc: {  	v55, _, _ =	vpop (xrf2);
	v61 =	vld [tilespmem:s30+$0x110];
	(xrf1) =	vsort.dscd.msk.f32 $0xffff, v44, v2  }
0x2dd: {  	v36 =	vpop (erf);
	(erf) = vrcp.f32 v42;
	v42 =	vld [tilespmem:s30+$0x120];
	(xrf1) =	vsort.dscd.msk.f32 $0xffff, v57, v0  }
0x2de: {  	v48 =	vbroadcast v48, $0xF;
	v55 =	vbroadcast v55, $0xF;
	v14, v15, _ =	vpop (xrf1);
	(xrf1) =	vsort.dscd.msk.f32 $0xffff, v54, v1  }
0x2df: {  	v51 =	vbroadcast v51, $0xF;
	v44, v10, _ =	vpop (xrf1);
	(xrf1) =	vsort.dscd.msk.f32 $0xffff, v49, v2  }
0x2e0: {  	v38 =	vsub.f32 v38, v48;
	(erf) = vrcp.f32 v55;
	v55 =	vld [tilespmem:s30+$0x140];
	v57, v11, _ =	vpop (xrf1);
	(xrf1) =	vsort.dscd.msk.f32 $0xffff, v50, v0  }
0x2e1: {  	v54 =	vld [tilespmem:s30+$0x0];
	v49, v12, _ =	vpop (xrf1);
	(xrf1) =	vsort.dscd.msk.f32 $0xffff, v61, v1  }
0x2e2: {  	v48 =	vld [tilespmem:s30+$0x80];
	v50, v9, _ =	vpop (xrf1);
	(xrf1) =	vsort.dscd.msk.f32 $0xffff, v42, v2;
	v42 =	vmul.f32 $1.442695020e+00, v38  }
0x2e3: {  	(erf) = vrcp.f32 v51;
	v51, v61, _ =	vpop (xrf1)  }
0x2e4: {  	v38, v8, _ =	vpop (xrf1)  }
0x2e5: {  	(xrf1) =	vsort.dscd.msk.f32 $0xffff, v55, v0;
	v55 =	vperm.xlane v38, v4;
	v8 =	vperm.xlane v8, v4;
	v38 =	vpop (erf)  }
0x2e6: {  	(erf) = vpow2.f32 v42;
	(xrf1) =	vsort.dscd.msk.f32 $0xffff, v54, v0;
	v42, v54, _ =	vpop (xrf1)  }
0x2e7: {  	(xrf1) =	vsort.dscd.msk.f32 $0xffff, v48, v0;
	v42 =	vsel vm0, v42, v55;
	v8 =	vsel vm0, v54, v8  }
0x2e8: {  	(xrf1) =	vsort.dscd.msk.f32 $0xffff, v42, v8;
	v8 =	vperm.xlane v58, v4;
	v58 =	vperm.xlane v60, v4  }
0x2e9: {  	v60 =	vperm.xlane v62, v4  }
0x2ea: {  	v59 =	vperm.xlane v59, v4;
	v48 =	vld [tilespmem:s30+$0x100];
	_ =	sdelay $0x1  }
0x2eb: {  	(xrf0) =	vmax.scan.msk.f32 $0xffff, v43;
	v54, v55, _ =	vpop (xrf1);
	v10 =	vsel vm0, v10, v58  }
0x2ec: {  	v55 =	vperm.xlane v55, v4;
	v8 =	vsel vm0, v44, v8;
	v44 =	vperm.xlane v54, v4;
	v54, v58, _ =	vpop (xrf1)  }
0x2ed: {  	(xrf0) =	vmax.scan.msk.f32 $0xffff, v40;
	v50 =	vsel vm0, v50, v59;
	v9 =	vsel vm0, v9, v60;
	v59, v60, _ =	vpop (xrf1)  }
0x2ee: {  	v56 =	vperm.xlane v56, v4;
	(xrf1) =	vsort.dscd.msk.f32 $0xffff, v48, v0;
	v55 =	vsel vm0, v60, v55  }
0x2ef: {  	v52 =	vperm.xlane v52, v4;
	(xrf1) =	vsort.dscd.msk.f32 $0xffff, v8, v10;
	v8, v10, _ =	vpop (xrf1)  }
0x2f0: {  	(xrf0) =	vmax.scan.msk.f32 $0xffff, v39;
	v10 =	vsel vm0, v10, v56  }
0x2f1: {  	v53, _, _ =	vpop (xrf0);
	(xrf0) =	vmax.scan.msk.f32 $0xffff, v37;
	v62 =	vsel vm0, v59, v44;
	v8 =	vsel vm0, v8, v52  }
0x2f2: {  	v13 =	vperm.xlane v13, v4;
	v15 =	vperm.xlane v15, v4;
	(xrf1) =	vsort.dscd.msk.f32 $0xffff, v62, v55;
	v48, v55, _ =	vpop (xrf1)  }
0x2f3: {  	v63 =	vperm.xlane v63, v4;
	v14 =	vperm.xlane v14, v4;
	(xrf1) =	vsort.dscd.msk.f32 $0xffff, v50, v9;
	v9, v50, _ =	vpop (xrf1)  }
0x2f4: {  	(xrf1) =	vsort.dscd.msk.f32 $0xffff, v8, v10;
	v13 =	vsel vm0, v50, v13;
	v8, v10, _ =	vpop (xrf1)  }
0x2f5: {  	(xrf0) =	vmax.scan.msk.f32 $0xffff, v34;
	v47, _, _ =	vpop (xrf0);
	v9 =	vsel vm0, v9, v63;
	v10 =	vsel vm0, v10, v15  }
0x2f6: {  	v46, _, _ =	vpop (xrf0);
	v8 =	vsel vm0, v8, v14  }
0x2f7: {  	v11 =	vperm.xlane v11, v4;
	v14, v15, _ =	vpop (xrf1)  }
0x2f8: {  	v57 =	vperm.xlane v57, v4;
	v12 =	vperm.xlane v12, v4;
	(xrf1) =	vsort.dscd.msk.f32 $0xffff, v9, v13;
	v9, v13, _ =	vpop (xrf1)  }
0x2f9: {  	v49 =	vperm.xlane v49, v4;
	(xrf1) =	vsort.dscd.msk.f32 $0xffff, v8, v10;
	v11 =	vsel vm0, v13, v11;
	v8, v10, _ =	vpop (xrf1)  }
0x2fa: {  	v45, _, _ =	vpop (xrf0);
	v9 =	vsel vm0, v9, v57;
	v10 =	vsel vm0, v10, v12  }
0x2fb: {  	v41, _, _ =	vpop (xrf0);
	v8 =	vsel vm0, v8, v49  }
0x2fc: {  	v59 =	vperm.xlane v51, v4;
	v62 =	vperm.xlane v61, v4;
	v12, v60, _ =	vpop (xrf1)  }
0x2fd: {  	v63 =	vperm.xlane v54, v4;
	v54 =	vperm.xlane v58, v4;
	v57 =	vld [tilespmem:$0x1FF00];
	(xrf1) =	vsort.dscd.msk.f32 $0xffff, v9, v11;
	v9, v11, _ =	vpop (xrf1)  }
0x2fe: {  	v53 =	vbroadcast v53, $0xF;
	(xrf1) =	vsort.dscd.msk.f32 $0xffff, v8, v10;
	v8, v10, _ =	vpop (xrf1);
	v11 =	vsel vm0, v11, v62  }
0x2ff: {  	v18 =	vperm.xlane v18, v5;
	v42 =	vpop (erf);
	v9 =	vsel vm0, v9, v59;
	v10 =	vsel vm0, v10, v54  }
0x300: {  	v53 =	vsub.f32 v43, v53;
	v43 =	vpop (erf);
	v13 =	vbroadcast v47, $0xF;
	v8 =	vsel vm0, v8, v63  }
0x301: {  	v44 =	vpop (erf);
	v48 =	vperm.xlane v48, v4;
	v56 =	vperm.xlane v55, v4  }
0x302: {  	v13 =	vsub.f32 v40, v13;
	v40 =	vsel vm0, v57, v18;
	(xrf1) =	vsort.dscd.msk.f32 $0xffff, v9, v11;
	v9, v11, _ =	vpop (xrf1)  }
0x303: {  	v18 =	vbroadcast v46, $0xF;
	(xrf1) =	vsort.dscd.msk.f32 $0xffff, v8, v10;
	v8, v10, _ =	vpop (xrf1);
	v9 =	vsel vm0, v9, v48;
	v11 =	vsel vm0, v11, v56  }
0x304: {  	v51 =	vmul.f32 v19, v17;
	v15 =	vperm.xlane v15, v4;
	v58, v17, _ =	vpop (xrf1);
	(xrf1) =	vsort.dscd.msk.f32 $0xffff, v9, v11  }
0x305: {  	v53 =	vmul.f32 $1.442695020e+00, v53;
	v52 =	vpop (erf);
	v14 =	vperm.xlane v14, v4;
	(xrf0) =	vmax.scan.msk.f32 $0xffff, v58  }
0x306: {  	v49 =	vperm.xlane v60, v4;
	v13 =	vmul.f32 $1.442695020e+00, v13;
	v19, v59, _ =	vpop (xrf1)  }
0x307: {  	(erf) = vpow2.f32 v53;
	v12 =	vperm.xlane v12, v4;
	v8 =	vsel vm0, v8, v14;
	v9, v11, _ =	vpop (xrf1)  }
0x308: {  	(erf) = vpow2.f32 v13;
	v39 =	vsub.f32 v39, v18;
	v13 =	vsel vm0, v59, v49;
	v50, v18, _ =	vpop (xrf1)  }
0x309: {  	v45 =	vbroadcast v45, $0xF;
	v10 =	vsel vm0, v10, v15;
	v12 =	vsel vm0, v19, v12;
	v14, v15, _ =	vpop (xrf1)  }
0x30a: {  	(xrf1) =	vsort.dscd.msk.f32 $0xffff, v8, v10;
	v8, v60, _ =	vpop (xrf1)  }
0x30b: {  	v37 =	vsub.f32 v37, v45;
	v11 =	vperm.xlane v11, v4;
	(xrf1) =	vsort.dscd.msk.f32 $0xffff, v12, v13;
	v62, _, _ =	vpop (xrf0)  }
0x30c: {  	v14 =	vperm.xlane v14, v4;
	v12, v13, _ =	vpop (xrf1);
	v45 =	vbroadcast v62, $0xF  }
0x30d: {  	v10 =	vnsel vm0, $0x0, v6;
	v19 =	vbroadcast v41, $0xF;
	v55, v63, _ =	vpop (xrf1)  }
0x30e: {  	v9 =	vperm.xlane v9, v4;
	v15 =	vperm.xlane v15, v4;
	v11 =	vsel vm0, v63, v11  }
0x30f: {  	(xrf2) =	vadd.scan.msk.f32 $0xffff, v10;
	v10 =	vmul.f32 $1.442695020e+00, v37;
	v34 =	vsub.f32 v34, v19;
	v19 =	vnsel vm0, $0x0, v52;
	v37, v52, _ =	vpop (xrf1)  }
0x310: {  	(xrf0) =	vmax.scan.msk.f32 $0xffff, v50;
	v9 =	vsel vm0, v55, v9;
	v57 =	vsub.f32 v58, v45;
	v45, v46, _ =	vpop (xrf1)  }
0x311: {  	v8 =	vperm.xlane v8, v4;
	(xrf1) =	vsort.dscd.msk.f32 $0xffff, v9, v11;
	v9 =	vsel vm0, v45, v14;
	v11, v14, _ =	vpop (xrf1)  }
0x312: {  	v60 =	vperm.xlane v60, v4;
	v12 =	vperm.xlane v12, v4;
	v59 =	vsel vm0, v46, v15;
	v15, v46, _ =	vpop (xrf1)  }
0x313: {  	v39 =	vmul.f32 $1.442695020e+00, v39;
	(xrf1) =	vsort.dscd.msk.f32 $0xffff, v9, v59;
	v9 =	vperm.xlane v13, v4;
	v63, v62, _ =	vpop (xrf1)  }
0x314: {  	v8 =	vsel vm0, v15, v8;
	v13 =	vsel vm0, v46, v60;
	v12 =	vsel vm0, v63, v12  }
0x315: {  	(erf) = vpow2.f32 v39;
	(xrf1) =	vsort.dscd.msk.f32 $0xffff, v8, v13;
	v8 =	vsel vm0, v62, v9  }
0x316: {  	v61 =	vnsel vm0, $0x0, v7;
	v47 =	vpop (erf);
	(erf) = vpow2.f32 v10  }
0x317: {  	(xrf2) =	vadd.scan.msk.f32 $0xffff, v61;
	v37 =	vperm.xlane v37, v4;
	v56, _, _ =	vpop (xrf0);
	v9 =	vperm.xlane v52, v4  }
0x318: {  	v10 =	vnsel vm0, $0x0, v47;
	v11 =	vperm.xlane v11, v4;
	v14 =	vperm.xlane v14, v4;
	(xrf1) =	vsort.dscd.msk.f32 $0xffff, v12, v8;
	v8, v12, _ =	vpop (xrf1)  }
0x319: {  	v58 =	vbroadcast v56, $0xF;
	v8 =	vsel vm0, v8, v37;
	v9 =	vsel vm0, v12, v9;
	v12, v47, _ =	vpop (xrf1)  }
0x31a: {  	(xrf1) =	vsort.dscd.msk.f32 $0xffff, v8, v9;
	v8 =	vsel vm0, v12, v11;
	v9 =	vsel vm0, v47, v14  }
0x31b: {  	v41 =	vsub.f32 v50, v58;
	(xrf1) =	vsort.dscd.msk.f32 $0xffff, v8, v9;
	v8 =	vld [tilespmem:$0x1FF40]  }
0x31c: {  	v34 =	vmul.f32 $1.442695020e+00, v34;
	v39 =	vmul.f32 $1.442695020e+00, v57  }
0x31d: {  	(xrf2) =	vadd.scan.msk.f32 $0xffff, v19;
	v15 =	vpop (erf);
	v13 =	vmul.f32 $1.442695020e+00, v41  }
0x31e: {  	(xrf2) =	vadd.scan.msk.f32 $0xffff, v10;
	(erf) = vpow2.f32 v39;
	v15 =	vnsel vm0, $0x0, v15;
	v12 =	vld [tilespmem:$0x1FF30]  }
0x31f: {  	(xrf2) =	vadd.scan.msk.f32 $0xffff, v15;
	(erf) = vpow2.f32 v13  }
0x320: {  	(erf) = vpow2.f32 v34;
	v34 =	vpop (erf);
	v8 =	vmul.f32 v16, v8;
	v16 =	vld [tilespmem:$0x1FF50]  }
0x321: {  	v46, _, _ =	vpop (xrf2);
	v14 =	vnsel vm0, $0x0, v34  }
0x322: {  	v61 =	vld [tilespmem:$0x1FF10];
	v49, _, _ =	vpop (xrf2);
	(xrf2) =	vadd.scan.msk.f32 $0xffff, v14  }
0x323: {  	v12 =	vperm.xlane v12, v5  }
0x324: {  	v11 =	vld [tilespmem:$0x1FF20]  }
0x325: {  	v21 =	vperm.xlane v21, v5;
	v12 =	vsel vm0, v16, v12;
	v16 =	vld [tilespmem:$0x1FF60]  }
0x326: {  	v28 =	vperm.xlane v28, v5;
	v9 =	vperm.xlane v51, v5  }
0x327: {  	v22 =	vmul.f32 v35, v22;
	v48 =	vperm.xlane v61, v5;
	v13, _, _ =	vpop (xrf2)  }
0x328: {  	s31 =	simm.s32 $0x8830;
	v26 =	vmul.f32 v42, v26;
	v14, _, _ =	vpop (xrf2);
	v8 =	vsel vm0, v8, v9;
	v9 =	vperm.xlane v32, v5  }
0x329: {  	s20 =	simm.s32 $0x98B0;
	v52 =	vmul.f32 v43, v31;
	v13 =	vbroadcast v13, $0xF;
	v11 =	vsel vm0, v11, v48;
	v53, _, _ =	vpop (xrf2);
	[tilespmem:s31+$0x0] =	vst v12  }
0x32a: {  	v55 =	vsel vm0, v30, v9;
	v9 =	vmul.f32 v36, v24;
	v51 =	vld [tilespmem:$0x1FF70];
	[tilespmem:s20+$0x0] =	vst v8;
	v50 =	vperm.xlane v16, v5;
	v16 =	vpop (erf)  }
0x32b: {  	v8 =	vperm.xlane v22, v5;
	[tilespmem:s31+$0xFFFFFFE0] =	vst v11;
	v11 =	vmul.f32 v44, v25;
	v22 =	vpop (erf)  }
0x32c: {  	v57, _, _ =	vpop (xrf2);
	v25 =	vperm.xlane v52, v5;
	(erf) = vrcp.f32 v13;
	v31 =	vnsel vm0, $0x0, v22  }
0x32d: {  	v12 =	vperm.xlane v33, v5;
	[tilespmem:s31+$0xFFFFFFD0] =	vst v40;
	v8 =	vsel vm0, v26, v8;
	v26 =	vpop (erf);
	(xrf2) =	vadd.scan.msk.f32 $0xffff, v31  }
0x32e: {  	s21 =	simm.s32 $0x8870;
	[tilespmem:s20+$0xFFFFFFD0] =	vst v8;
	v8 =	vsel vm0, v20, v21;
	v21 =	vsel vm0, v27, v28;
	v13 =	vpop (erf);
	v26 =	vnsel vm0, $0x0, v26  }
0x32f: {  	v24 =	vmul.f32 v38, v23;
	[tilespmem:s21+$0xFFFFFFD0] =	vst v55;
	v12 =	vsel vm0, v29, v12;
	(xrf2) =	vadd.scan.msk.f32 $0xffff, v26;
	v31, v54, _ =	vpop (xrf1)  }
0x330: {  	v56 =	vbroadcast v46, $0xF;
	[tilespmem:s21+$0xFFFFFFE0] =	vst v12;
	v30, v20, _ =	vpop (xrf1);
	(xrf0) =	vmax.scan.msk.f32 $0xffff, v31  }
0x331: {  	v62 =	vbroadcast v57, $0xF;
	v11 =	vsel vm0, v11, v25;
	v12 =	vbroadcast v14, $0xF;
	[tilespmem:s21+$0x0] =	vst v8;
	v29, v25, _ =	vpop (xrf1)  }
0x332: {  	s22 =	simm.s32 $0x98F0;
	v14 =	vbroadcast v53, $0xF;
	v8 =	vperm.xlane v9, v5;
	[tilespmem:s21+$0xFFFFFFF0] =	vst v21;
	(xrf0) =	vmax.scan.msk.f32 $0xffff, v30;
	v23, v21, _ =	vpop (xrf1)  }
0x333: {  	v9 =	vperm.xlane v24, v5;
	v59 =	vnsel vm0, $0x0, v16;
	[tilespmem:s22+$0x0] =	vst v11;
	v11 =	vbroadcast v49, $0xF;
	v24, v58, _ =	vpop (xrf1)  }
0x334: {  	v32 =	vsel vm0, v51, v50;
	(erf) = vrcp.f32 v12;
	v35 =	vperm.xlane v54, v5;
	(xrf0) =	vmax.scan.msk.f32 $0xffff, v29;
	v28, v61, _ =	vpop (xrf1)  }
0x335: {  	[tilespmem:s31+$0xFFFFFFF0] =	vst v32;
	v60 =	vperm.xlane v20, v5;
	v12 =	vperm.xlane v25, v5;
	(xrf0) =	vmax.scan.msk.f32 $0xffff, v23;
	v63 =	vpop (erf)  }
0x336: {  	v27 =	vnsel vm0, $0x0, v13;
	(xrf0) =	vmax.scan.msk.f32 $0xffff, v24;
	(erf) = vrcp.f32 v14;
	v14 =	vmul.f32 v63, v19;
	v19, _, _ =	vpop (xrf0)  }
0x337: {  	v20 =	vsel vm0, v21, v35;
	v21 =	vsel vm0, v58, v60;
	(erf) = vrcp.f32 v62;
	(xrf0) =	vmax.scan.msk.f32 $0xffff, v28;
	v32, _, _ =	vpop (xrf2)  }
0x338: {  	s24 =	simm.s32 $0x110;
	s25 =	simm.s32 $0x4600;
	s23 =	simm.s32 $0x98F0;
	(xrf2) =	vadd.scan.msk.f32 $0xffff, v59;
	v25 =	vsel vm0, v61, v12;
	(erf) = vrcp.f32 v56;
	v19 =	vbroadcast v19, $0xF;
	v33, _, _ =	vpop (xrf0)  }
.LBB2_4:
0x339: {  	v12 =	vld [tilespmem:s25+$0x190];
	v33 =	vbroadcast v33, $0xF;
	v35, _, _ =	vpop (xrf2);
	v14 =	vperm.xlane v14, v5  }
0x33a: {  	v36 =	vld [tilespmem:s25+$0x1B0];
	v19 =	vsub.f32 v31, v19;
	v31 =	vbroadcast v35, $0xF;
	v35, _, _ =	vpop (xrf0);
	(erf) = vrcp.f32 v11  }
0x33b: {  	v11 =	vld [tilespmem:s25+$0x1A0];
	v30 =	vsub.f32 v30, v33;
	v39 =	vbroadcast v35, $0xF;
	v35, _, _ =	vpop (xrf0)  }
0x33c: {  	v40 =	vbroadcast v32, $0xF;
	v37 =	vld [tilespmem:s25+$0x1D0];
	v38, _, _ =	vpop (xrf0);
	(erf) = vrcp.f32 v31;
	(xrf2) =	vadd.scan.msk.f32 $0xffff, v27  }
0x33d: {  	s24 =	sadd.s32 $0x8, s24;
	v27 =	vbroadcast v35, $0xF;
	v31 =	vld [tilespmem:s25+$0x1F0];
	v35 =	vbroadcast v38, $0xF;
	v29 =	vsub.f32 v29, v39;
	v33, _, _ =	vpop (xrf0)  }
0x33e: {  	p0 =	slt.u32 s24, $0x1F8;
	v38 =	vld [tilespmem:s25+$0x180];
	(xrf1) =	vsort.dscd.msk.f32 $0xffff, v12, v1;
	v12 =	vbroadcast v33, $0xF;
	(erf) = vrcp.f32 v40;
	v32 =	vpop (erf)  }
0x33f: {  	v19 =	vmul.f32 $1.442695020e+00, v19;
	v30 =	vmul.f32 $1.442695020e+00, v30;
	v23 =	vsub.f32 v23, v27;
	v33 =	vld [tilespmem:s25+$0x1E0];
	(xrf1) =	vsort.dscd.msk.f32 $0xffff, v36, v3;
	v36 =	vpop (erf)  }
0x340: {  	v40 =	vsub.f32 v24, v35;
	v27 =	vmul.f32 $1.442695020e+00, v29;
	v39 =	vld [tilespmem:s25+$0x70];
	(xrf1) =	vsort.dscd.msk.f32 $0xffff, v11, v2;
	v12 =	vsub.f32 v28, v12;
	v28 =	vpop (erf)  }
0x341: {  	v24 =	vmul.f32 $1.442695020e+00, v23;
	v29 =	vld [tilespmem:s25+$0x1C0];
	(xrf1) =	vsort.dscd.msk.f32 $0xffff, v37, v1;
	(erf) = vpow2.f32 v19;
	v35 =	vpop (erf)  }
0x342: {  	v23 =	vmul.f32 $1.442695020e+00, v40;
	v37 =	vld [tilespmem:s25+$0xF0];
	(xrf1) =	vsort.dscd.msk.f32 $0xffff, v31, v3;
	(erf) = vpow2.f32 v30;
	v11, _, _ =	vpop (xrf2)  }
0x343: {  	v19 =	vmul.f32 $1.442695020e+00, v12;
	v30 =	vld [tilespmem:s25+$0x170];
	(xrf1) =	vsort.dscd.msk.f32 $0xffff, v38, v0;
	v12 =	vbroadcast v11, $0xF;
	v31 =	vpop (erf)  }
0x344: {  	v15 =	vmul.f32 v36, v15;
	v40 =	vmul.f32 v32, v10;
	v38 =	vld [tilespmem:s25+$0x30];
	(xrf1) =	vsort.dscd.msk.f32 $0xffff, v33, v2  }
0x345: {  	v28 =	vmul.f32 v28, v34;
	v33 =	vmul.f32 v35, v6;
	v6 =	vmov v16;
	v32 =	vld [tilespmem:s25+$0x50];
	(xrf1) =	vsort.dscd.msk.f32 $0xffff, v39, v3;
	v11 =	vpop (erf)  }
0x346: {  	v16 =	vld [tilespmem:s25+$0x60];
	(xrf1) =	vsort.dscd.msk.f32 $0xffff, v29, v0;
	v26 =	vmul.f32 v11, v26;
	v29 =	vperm.xlane v40, v5;
	v10, _, _ =	vpop (xrf2)  }
0x347: {  	v18 =	vperm.xlane v18, v5;
	v14 =	vsel vm0, v28, v14;
	v34 =	vld [tilespmem:s25+$0xB0];
	(xrf1) =	vsort.dscd.msk.f32 $0xffff, v37, v3;
	v35 =	vpop (erf);
	v11 =	vbroadcast v10, $0xF  }
0x348: {  	v28 =	vld [tilespmem:s25+$0xD0];
	(xrf1) =	vsort.dscd.msk.f32 $0xffff, v30, v3;
	v30 =	vmul.f32 v35, v22;
	v22 =	vperm.xlane v26, v5;
	[tilespmem:s22+$0xFFFFFFD0] =	vst v14  }
0x349: {  	s21 =	sadd.s32 $0x40, s21;
	v18 =	vsel vm0, v17, v18;
	v15 =	vperm.xlane v15, v5;
	v26 =	vld [tilespmem:s25+$0xE0];
	(xrf1) =	vsort.dscd.msk.f32 $0xffff, v38, v3  }
0x34a: {  	v7 =	vmul.f32 v31, v7;
	s22 =	sadd.s32 $0x40, s22;
	v17 =	vld [tilespmem:s25+$0x130];
	(xrf1) =	vsort.dscd.msk.f32 $0xffff, v32, v1;
	v22 =	vsel vm0, v30, v22;
	[tilespmem:s21+$0x0] =	vst v18;
	v14 =	vpop (erf)  }
0x34b: {  	v18 =	vld [tilespmem:s25+$0x150];
	(xrf1) =	vsort.dscd.msk.f32 $0xffff, v16, v2;
	v14 =	vnsel vm0, $0x0, v14;
	[tilespmem:s22+$0x0] =	vst v22;
	v10 =	vpop (erf);
	v16 =	vsel vm0, v33, v8  }
0x34c: {  	v7 =	vsel vm0, v7, v9;
	v22 =	vld [tilespmem:s25+$0x160];
	(xrf1) =	vsort.dscd.msk.f32 $0xffff, v34, v3;
	v30, v31, _ =	vpop (xrf1);
	v10 =	vnsel vm0, $0x0, v10;
	[tilespmem:s21+$0xFFFFFFF0] =	vst v25  }
0x34d: {  	v9 =	vmov v15;
	v8 =	vmov v29;
	v25 =	vld [tilespmem:s25+$0x10];
	(xrf1) =	vsort.dscd.msk.f32 $0xffff, v28, v1;
	v28, v32, _ =	vpop (xrf1);
	[tilespmem:s20+$0xFFFFFFF0] =	vst v7  }
0x34e: {  	v15 =	vld [tilespmem:s25+$0x20];
	v37 =	vperm.xlane v28, v4;
	v38 =	vperm.xlane v32, v4;
	(xrf1) =	vsort.dscd.msk.f32 $0xffff, v26, v2;
	v26, v29, _ =	vpop (xrf1);
	[tilespmem:s20+$0xFFFFFFE0] =	vst v16;
	s20 =	smov.u32 s23;
	s23 =	smov.u32 s22  }
0x34f: {  	v30 =	vperm.xlane v30, v4;
	v31 =	vperm.xlane v31, v4;
	v16 =	vld [tilespmem:s25+$0x40];
	(xrf1) =	vsort.dscd.msk.f32 $0xffff, v17, v3;
	v17, v32, _ =	vpop (xrf1);
	[tilespmem:s21+$0xFFFFFFD0] =	vst v20  }
0x350: {  	v20 =	vld [tilespmem:s25+$0x90];
	v35 =	vsel vm0, v26, v37;
	v26 =	vsel vm0, v29, v38;
	v17 =	vperm.xlane v17, v4;
	v28, v29, _ =	vpop (xrf1);
	[tilespmem:s21+$0xFFFFFFE0] =	vst v21  }
0x351: {  	v7 =	vmov v13;
	v21 =	vld [tilespmem:s25+$0xA0];
	v28 =	vperm.xlane v28, v4;
	v29 =	vperm.xlane v29, v4;
	v36, v34, _ =	vpop (xrf1);
	(xrf1) =	vsort.dscd.msk.f32 $0xffff, v35, v26  }
0x352: {  	v37 =	vperm.xlane v32, v4;
	v13 =	vld [tilespmem:s25+$0xC0];
	v26 =	vsel vm0, v36, v30;
	v30 =	vsel vm0, v34, v31;
	v32, v33, _ =	vpop (xrf1)  }
0x353: {  	v34 =	vld [tilespmem:s25+$0x110];
	v28 =	vsel vm0, v32, v28;
	v29 =	vsel vm0, v33, v29;
	v32, v33, _ =	vpop (xrf1);
	(xrf1) =	vsort.dscd.msk.f32 $0xffff, v26, v30  }
0x354: {  	v26 =	vperm.xlane v32, v4;
	v30 =	vperm.xlane v33, v4;
	v32 =	vld [tilespmem:s25+$0x120];
	v36, v35, _ =	vpop (xrf1);
	(xrf1) =	vsort.dscd.msk.f32 $0xffff, v28, v29  }
0x355: {  	v28 =	vld [tilespmem:s25+$0x140];
	v17 =	vsel vm0, v36, v17;
	v29 =	vsel vm0, v35, v37;
	v31, v33, _ =	vpop (xrf1);
	(xrf1) =	vsort.dscd.msk.f32 $0xffff, v18, v1;
	(erf) = vpow2.f32 v27  }
0x356: {  	v18 =	vld [tilespmem:s25+$0x80];
	v27 =	vperm.xlane v31, v4;
	v31 =	vperm.xlane v33, v4;
	v33, v35, _ =	vpop (xrf1);
	(xrf1) =	vsort.dscd.msk.f32 $0xffff, v17, v29  }
0x357: {  	v17 =	vld [tilespmem:s25+$0x100];
	v29 =	vperm.xlane v33, v4;
	v33 =	vperm.xlane v35, v4;
	v35, v36, _ =	vpop (xrf1);
	(xrf1) =	vsort.dscd.msk.f32 $0xffff, v22, v2  }
0x358: {  	v22 =	vld [tilespmem:s25+$0x0];
	v35 =	vperm.xlane v35, v4;
	v36 =	vperm.xlane v36, v4;
	(xrf1) =	vsort.dscd.msk.f32 $0xffff, v25, v1;
	v25, v37, _ =	vpop (xrf1)  }
0x359: {  	v25 =	vperm.xlane v25, v4;
	v37 =	vperm.xlane v37, v4;
	(xrf1) =	vsort.dscd.msk.f32 $0xffff, v15, v2;
	v15, v38, _ =	vpop (xrf1)  }
0x35a: {  	v26 =	vsel vm0, v15, v26;
	v30 =	vsel vm0, v38, v30;
	(xrf1) =	vsort.dscd.msk.f32 $0xffff, v16, v0;
	v15, v16, _ =	vpop (xrf1)  }
0x35b: {  	v38 =	vperm.xlane v15, v4;
	v16 =	vperm.xlane v16, v4;
	(xrf1) =	vsort.dscd.msk.f32 $0xffff, v20, v1;
	v15, v20, _ =	vpop (xrf1)  }
0x35c: {  	v39 =	vperm.xlane v15, v4;
	v20 =	vperm.xlane v20, v4;
	(xrf1) =	vsort.dscd.msk.f32 $0xffff, v21, v2;
	v40, v21, _ =	vpop (xrf1)  }
0x35d: {  	v27 =	vsel vm0, v40, v27;
	v21 =	vsel vm0, v21, v31;
	(xrf1) =	vsort.dscd.msk.f32 $0xffff, v13, v0;
	v13, v15, _ =	vpop (xrf1)  }
0x35e: {  	v13 =	vperm.xlane v13, v4;
	v31 =	vperm.xlane v15, v4;
	(xrf1) =	vsort.dscd.msk.f32 $0xffff, v34, v1;
	v15 =	vpop (erf)  }
0x35f: {  	(xrf1) =	vsort.dscd.msk.f32 $0xffff, v32, v2;
	v32, v34, _ =	vpop (xrf1);
	v15 =	vnsel vm0, $0x0, v15  }
0x360: {  	v43 =	vperm.xlane v32, v4;
	v44 =	vperm.xlane v34, v4;
	(xrf1) =	vsort.dscd.msk.f32 $0xffff, v28, v0  }
0x361: {  	(xrf1) =	vsort.dscd.msk.f32 $0xffff, v22, v0;
	v22, v28, _ =	vpop (xrf1)  }
0x362: {  	v22 =	vsel vm0, v22, v43;
	v28 =	vsel vm0, v28, v44;
	(xrf1) =	vsort.dscd.msk.f32 $0xffff, v18, v0;
	v18, v32, _ =	vpop (xrf1)  }
0x363: {  	v18 =	vperm.xlane v18, v4;
	v42 =	vperm.xlane v32, v4;
	v41, v40, _ =	vpop (xrf1);
	(xrf1) =	vsort.dscd.msk.f32 $0xffff, v22, v28  }
0x364: {  	v22 =	vperm.xlane v41, v4;
	v28 =	vperm.xlane v40, v4;
	(xrf1) =	vsort.dscd.msk.f32 $0xffff, v17, v0;
	v17, v34, _ =	vpop (xrf1)  }
0x365: {  	v17 =	vsel vm0, v17, v18;
	v18 =	vsel vm0, v34, v42;
	(xrf1) =	vsort.dscd.msk.f32 $0xffff, v26, v30;
	v26, v30, _ =	vpop (xrf1)  }
0x366: {  	v26 =	vsel vm0, v26, v29;
	v29 =	vsel vm0, v30, v33;
	v30, v32, _ =	vpop (xrf1);
	(xrf1) =	vsort.dscd.msk.f32 $0xffff, v17, v18  }
0x367: {  	v17 =	vperm.xlane v30, v4;
	v18 =	vperm.xlane v32, v4;
	v30, v32, _ =	vpop (xrf1);
	(xrf1) =	vsort.dscd.msk.f32 $0xffff, v27, v21  }
0x368: {  	v34 =	vsel vm0, v30, v35;
	v33 =	vsel vm0, v32, v36;
	v30, v32, _ =	vpop (xrf1);
	(xrf1) =	vsort.dscd.msk.f32 $0xffff, v26, v29  }
0x369: {  	v35 =	vsel vm0, v30, v25;
	v32 =	vsel vm0, v32, v37;
	(xrf1) =	vsort.dscd.msk.f32 $0xffff, v34, v33;
	v21, v27, _ =	vpop (xrf1)  }
0x36a: {  	v21 =	vperm.xlane v21, v4;
	v27 =	vperm.xlane v27, v4;
	v29, v30, _ =	vpop (xrf1)  }
0x36b: {  	v33 =	vsel vm0, v29, v38;
	v34 =	vsel vm0, v30, v16;
	(xrf1) =	vsort.dscd.msk.f32 $0xffff, v35, v32;
	v25, v26, _ =	vpop (xrf1)  }
0x36c: {  	v35 =	vsel vm0, v25, v39;
	v32 =	vsel vm0, v26, v20;
	(xrf1) =	vsort.dscd.msk.f32 $0xffff, v33, v34;
	v16, v26, _ =	vpop (xrf1)  }
0x36d: {  	v16 =	vperm.xlane v16, v4;
	v26 =	vperm.xlane v26, v4;
	v29, v30, _ =	vpop (xrf1)  }
0x36e: {  	v13 =	vsel vm0, v29, v13;
	v29 =	vsel vm0, v30, v31;
	(xrf1) =	vsort.dscd.msk.f32 $0xffff, v35, v32;
	v20, v25, _ =	vpop (xrf1)  }
0x36f: {  	v20 =	vsel vm0, v20, v22;
	v31 =	vsel vm0, v25, v28;
	v30, v28, _ =	vpop (xrf1);
	(xrf1) =	vsort.dscd.msk.f32 $0xffff, v13, v29  }
0x370: {  	v30 =	vsel vm0, v30, v17;
	v28 =	vsel vm0, v28, v18;
	v18, v25, _ =	vpop (xrf1);
	(xrf1) =	vsort.dscd.msk.f32 $0xffff, v20, v31  }
0x371: {  	v29 =	vsel vm0, v18, v21;
	v20 =	vsel vm0, v25, v27;
	(xrf1) =	vsort.dscd.msk.f32 $0xffff, v30, v28;
	v13, v17, _ =	vpop (xrf1)  }
0x372: {  	v21, v22, _ =	vpop (xrf1)  }
0x373: {  	(xrf0) =	vmax.scan.msk.f32 $0xffff, v13;
	v27 =	vsel vm0, v21, v16  }
0x374: {  	v26 =	vsel vm0, v22, v26;
	v22, v25, _ =	vpop (xrf1);
	(xrf1) =	vsort.dscd.msk.f32 $0xffff, v29, v20  }
0x375: {  	v20 =	vperm.xlane v22, v4;
	v22 =	vperm.xlane v25, v4;
	(xrf1) =	vsort.dscd.msk.f32 $0xffff, v27, v26;
	v16, v18, _ =	vpop (xrf1)  }
0x376: {  	v21, v25, _ =	vpop (xrf1);
	(xrf0) =	vmax.scan.msk.f32 $0xffff, v16  }
0x377: {  	v21 =	vperm.xlane v21, v4;
	v25 =	vperm.xlane v25, v4;
	(xrf2) =	vadd.scan.msk.f32 $0xffff, v14;
	v26, v27, _ =	vpop (xrf1)  }
0x378: {  	v26 =	vperm.xlane v26, v4;
	v27 =	vperm.xlane v27, v4;
	v28, v29, _ =	vpop (xrf1)  }
0x379: {  	v28 =	vperm.xlane v28, v4;
	v29 =	vperm.xlane v29, v4;
	v30, _, _ =	vpop (xrf0)  }
0x37a: {  	v33 =	vbroadcast v30, $0xF;
	v31, v32, _ =	vpop (xrf1)  }
0x37b: {  	v35 =	vsel vm0, v31, v20;
	v34 =	vsel vm0, v32, v22;
	v31, v32, _ =	vpop (xrf1);
	(erf) = vpow2.f32 v24;
	(xrf2) =	vadd.scan.msk.f32 $0xffff, v10  }
0x37c: {  	v24 =	vperm.xlane v31, v4;
	v31 =	vperm.xlane v32, v4;
	v13 =	vsub.f32 v13, v33;
	v30, _, _ =	vpop (xrf0)  }
0x37d: {  	v32 =	vbroadcast v30, $0xF;
	(xrf1) =	vsort.dscd.msk.f32 $0xffff, v35, v34;
	v20, v22, _ =	vpop (xrf1);
	(erf) = vpow2.f32 v23  }
0x37e: {  	v20 =	vsel vm0, v20, v21;
	v21 =	vsel vm0, v22, v25;
	v13 =	vmul.f32 $1.442695020e+00, v13;
	v22, v23, _ =	vpop (xrf1);
	(xrf2) =	vadd.scan.msk.f32 $0xffff, v15  }
0x37f: {  	v22 =	vperm.xlane v22, v4;
	v23 =	vperm.xlane v23, v4;
	v16 =	vsub.f32 v16, v32;
	v25, v30, _ =	vpop (xrf1)  }
0x380: {  	v32 =	vsel vm0, v25, v26;
	v26 =	vsel vm0, v30, v27;
	v27, v30, _ =	vpop (xrf1);
	(xrf1) =	vsort.dscd.msk.f32 $0xffff, v20, v21;
	(erf) = vpow2.f32 v13  }
0x381: {  	v28 =	vsel vm0, v27, v28;
	v27 =	vsel vm0, v30, v29;
	v16 =	vmul.f32 $1.442695020e+00, v16;
	(xrf1) =	vsort.dscd.msk.f32 $0xffff, v32, v26;
	v21, _, _ =	vpop (xrf2)  }
0x382: {  	(xrf1) =	vsort.dscd.msk.f32 $0xffff, v28, v27;
	v13, v20, _ =	vpop (xrf1);
	v21 =	vbroadcast v21, $0xF  }
0x383: {  	v13 =	vsel vm0, v13, v24;
	v20 =	vsel vm0, v20, v31;
	v24, v25, _ =	vpop (xrf1);
	(erf) = vpow2.f32 v16  }
0x384: {  	v24 =	vsel vm0, v24, v22;
	v22 =	vsel vm0, v25, v23;
	(xrf1) =	vsort.dscd.msk.f32 $0xffff, v13, v20;
	v34 =	vpop (erf);
	(erf) = vpow2.f32 v19  }
0x385: {  	(xrf1) =	vsort.dscd.msk.f32 $0xffff, v24, v22;
	v13 =	vnsel vm0, $0x0, v34;
	v16, _, _ =	vpop (xrf2)  }
0x386: {  	v19 =	vbroadcast v16, $0xF;
	v16 =	vpop (erf)  }
0x387: {  	v35 =	vnsel vm0, $0x0, v16;
	(xrf2) =	vadd.scan.msk.f32 $0xffff, v13  }
0x388: {  	v13, _, _ =	vpop (xrf2)  }
0x389: {  	v22 =	vpop (erf);
	v33 =	vbroadcast v13, $0xF  }
0x38a: {  	v23 =	vnsel vm0, $0x0, v22  }
0x38b: {  	v31, v20, _ =	vpop (xrf1);
	(xrf2) =	vadd.scan.msk.f32 $0xffff, v23;
	(erf) = vrcp.f32 v21  }
0x38c: {  	v20 =	vperm.xlane v20, v5;
	v13 =	vpop (erf)  }
0x38d: {  	v26 =	vnsel vm0, $0x0, v13;
	v13 =	vpop (erf)  }
0x38e: {  	v30, v21, _ =	vpop (xrf1);
	(xrf2) =	vadd.scan.msk.f32 $0xffff, v26;
	v27 =	vnsel vm0, $0x0, v13  }
0x38f: {  	v21 =	vperm.xlane v21, v5;
	v29, v23, _ =	vpop (xrf1)  }
0x390: {  	v25 =	vperm.xlane v23, v5;
	v23, v24, _ =	vpop (xrf1);
	(xrf0) =	vmax.scan.msk.f32 $0xffff, v31  }
0x391: {  	v20 =	vsel vm0, v24, v20;
	(xrf0) =	vmax.scan.msk.f32 $0xffff, v30;
	v28, _, _ =	vpop (xrf2)  }
0x392: {  	v24, v32, _ =	vpop (xrf1);
	v36 =	vbroadcast v28, $0xF  }
.Ltmp1:
0x393: {  	v21 =	vsel vm0, v32, v21;
	v28, v32, _ =	vpop (xrf1);
	(xrf0) =	vmax.scan.msk.f32 $0xffff, v29;
	(pc) =	sbr.rel @p0 .LBB2_4-.Ltmp1, $4  }
0x394: {  	v25 =	vsel vm0, v32, v25;
	(xrf0) =	vmax.scan.msk.f32 $0xffff, v23;
	v37 =	vpop (erf);
	(erf) = vrcp.f32 v19  }
0x395: {  	(xrf0) =	vmax.scan.msk.f32 $0xffff, v24;
	v32, _, _ =	vpop (xrf2);
	v14 =	vmul.f32 v37, v14;
	(erf) = vrcp.f32 v33  }
0x396: {  	v19, _, _ =	vpop (xrf0);
	(xrf0) =	vmax.scan.msk.f32 $0xffff, v28;
	(erf) = vrcp.f32 v36  }
0x397: {  	s25 =	sadd.s32 $0x200, s25;
	v19 =	vbroadcast v19, $0xF;
	v33, _, _ =	vpop (xrf0);
	(xrf2) =	vadd.scan.msk.f32 $0xffff, v35;
	(erf) = vrcp.f32 v12  }
0x398: {  	v12, _, _ =	vpop (xrf2)  }
0x399: {  	v33 =	vbroadcast v33, $0xF;
	v12 =	vbroadcast v12, $0xF;
	v35, _, _ =	vpop (xrf0)  }
0x39a: {  	(erf) = vrcp.f32 v11;
	v19 =	vsub.f32 v31, v19;
	v41 =	vbroadcast v35, $0xF  }
0x39b: {  	v43 =	vbroadcast v32, $0xF;
	v42, _, _ =	vpop (xrf0);
	v45 =	vsub.f32 v30, v33;
	(erf) = vrcp.f32 v12  }
0x39c: {  	v44, _, _ =	vpop (xrf0);
	v46 =	vbroadcast v42, $0xF;
	v19 =	vmul.f32 $1.442695020e+00, v19;
	v11 =	vsub.f32 v29, v41  }
0x39d: {  	v32 =	vbroadcast v44, $0xF;
	v12 =	vmul.f32 $1.442695020e+00, v45  }
0x39e: {  	v47, _, _ =	vpop (xrf0);
	(erf) = vrcp.f32 v43;
	v23 =	vsub.f32 v23, v46;
	v11 =	vmul.f32 $1.442695020e+00, v11  }
0x39f: {  	v48 =	vbroadcast v47, $0xF;
	(erf) = vpow2.f32 v19  }
0x3a0: {  	(erf) = vpow2.f32 v12;
	v49 =	vmul.f32 $1.442695020e+00, v23  }
0x3a1: {  	v50 =	vsub.f32 v24, v32;
	v12 =	vpop (erf);
	(erf) = vpow2.f32 v11  }
0x3a2: {  	v51 =	vsub.f32 v28, v48;
	v11 =	vpop (erf);
	(erf) = vpow2.f32 v49  }
0x3a3: {  	v23 =	vmul.f32 $1.442695020e+00, v50;
	v52 =	vpop (erf)  }
0x3a4: {  	v24 =	vmul.f32 $1.442695020e+00, v51;
	v28 =	vpop (erf)  }
0x3a5: {  	v29 =	vpop (erf);
	(erf) = vpow2.f32 v23  }
0x3a6: {  	v53 =	vpop (erf);
	(erf) = vpow2.f32 v24  }
0x3a7: {  	v54 =	vpop (erf)  }
0x3a8: {  	v55 =	vpop (erf)  }
0x3a9: {  	(xrf2) =	vadd.scan.msk.f32 $0xffff, v27;
	v56 =	vnsel vm0, $0x0, v55;
	v57 =	vpop (erf)  }
0x3aa: {  	v30 =	vnsel vm0, $0x0, v57;
	v58 =	vpop (erf);
	(xrf2) =	vadd.scan.msk.f32 $0xffff, v56  }
0x3ab: {  	v31 =	vnsel vm0, $0x0, v58;
	(xrf2) =	vadd.scan.msk.f32 $0xffff, v30;
	v59 =	vpop (erf)  }
0x3ac: {  	(xrf2) =	vadd.scan.msk.f32 $0xffff, v31;
	v60 =	vnsel vm0, $0x0, v59  }
0x3ad: {  	(xrf2) =	vadd.scan.msk.f32 $0xffff, v60  }
0x3ae: {  	v33 =	vpop (erf)  }
0x3af: {  	v61 =	vnsel vm0, $0x0, v33;
	v36 =	vpop (erf)  }
0x3b0: {  	v37 =	vnsel vm0, $0x0, v36;
	(xrf2) =	vadd.scan.msk.f32 $0xffff, v61  }
0x3b1: {  	(xrf2) =	vadd.scan.msk.f32 $0xffff, v37  }
0x3b2: {  	v62, _, _ =	vpop (xrf2)  }
0x3b3: {  	v63, _, _ =	vpop (xrf2)  }
0x3b4: {  	v38, _, _ =	vpop (xrf2)  }
0x3b5: {  	v45 =	vbroadcast v62, $0xF;
	v39, _, _ =	vpop (xrf2);
	v40 =	vbroadcast v38, $0xF  }
0x3b6: {  	v46 =	vbroadcast v63, $0xF;
	v41, _, _ =	vpop (xrf2);
	v42 =	vbroadcast v39, $0xF  }
0x3b7: {  	v38 =	vbroadcast v41, $0xF;
	(erf) = vrcp.f32 v40;
	v43, _, _ =	vpop (xrf2)  }
0x3b8: {  	(erf) = vrcp.f32 v42;
	v44 =	vbroadcast v43, $0xF  }
0x3b9: {  	v19 =	vmul.f32 v52, v34;
	(erf) = vrcp.f32 v38  }
0x3ba: {  	v23 =	vmul.f32 v53, v26;
	(erf) = vrcp.f32 v44;
	v47, _, _ =	vpop (xrf2)  }
0x3bb: {  	(erf) = vrcp.f32 v45;
	v26 =	vbroadcast v47, $0xF;
	v48, _, _ =	vpop (xrf2)  }
0x3bc: {  	(erf) = vrcp.f32 v46;
	v34 =	vbroadcast v48, $0xF  }
0x3bd: {  	v14 =	vperm.xlane v14, v5;
	(erf) = vrcp.f32 v26  }
0x3be: {  	v18 =	vperm.xlane v18, v5;
	s21 =	sadd.s32 $0x40, s21;
	(erf) = vrcp.f32 v34  }
0x3bf: {  	[tilespmem:s21+$0xFFFFFFF0] =	vst v25;
	v10 =	vmul.f32 v12, v10;
	v7 =	vmul.f32 v29, v7  }
0x3c0: {  	[tilespmem:s21+$0xFFFFFFD0] =	vst v20;
	v11 =	vmul.f32 v11, v15;
	v6 =	vmul.f32 v28, v6;
	v51 =	vpop (erf)  }
0x3c1: {  	[tilespmem:s21+$0xFFFFFFE0] =	vst v21;
	v52 =	vsel vm0, v17, v18;
	v49 =	vmul.f32 v54, v22;
	v7 =	vsel vm0, v7, v9;
	v54 =	vpop (erf)  }
0x3c2: {  	v10 =	vperm.xlane v10, v5;
	[tilespmem:s21+$0x0] =	vst v52;
	v6 =	vsel vm0, v6, v8;
	v56 =	vmul.f32 v51, v56;
	v55 =	vpop (erf)  }
0x3c3: {  	v11 =	vperm.xlane v11, v5;
	[tilespmem:s20+$0xFFFFFFE0] =	vst v6;
	v50 =	vperm.xlane v23, v5;
	v57 =	vpop (erf)  }
0x3c4: {  	v14 =	vsel vm0, v19, v14;
	[tilespmem:s20+$0xFFFFFFF0] =	vst v7;
	v6 =	vperm.xlane v56, v5;
	v7 =	vpop (erf);
	v59 =	vmul.f32 v57, v59  }
0x3c5: {  	s31 =	sadd.s32 $0x40, s22;
	[tilespmem:s22+$0xFFFFFFD0] =	vst v14;
	v53 =	vsel vm0, v49, v50;
	v14 =	vmul.f32 v54, v30;
	v58 =	vpop (erf);
	v7 =	vmul.f32 v7, v16  }
0x3c6: {  	[tilespmem:s31+$0x0] =	vst v53;
	v12 =	vmul.f32 v55, v31;
	v8 =	vmul.f32 v58, v13;
	v60 =	vpop (erf);
	v6 =	vsel vm0, v59, v6  }
0x3c7: {  	v62 =	vperm.xlane v14, v5;
	v61 =	vpop (erf);
	[tilespmem:s31+$0xFFFFFFD0] =	vst v6;
	v7 =	vsel vm0, v7, v10;
	v63 =	vmul.f32 v60, v33  }
0x3c8: {  	v6 =	vperm.xlane v12, v5;
	v8 =	vsel vm0, v8, v11;
	v9 =	vmul.f32 v61, v36;
	[tilespmem:s23+$0xFFFFFFE0] =	vst v7  }
0x3c9: {  	[tilespmem:s23+$0xFFFFFFF0] =	vst v8;
	v7 =	vsel vm0, v63, v62  }
0x3ca: {  	v6 =	vsel vm0, v9, v6;
	[tilespmem:s31+$0xFFFFFFE0] =	vst v7  }
0x3cb: {  	[tilespmem:s31+$0xFFFFFFF0] =	vst v6  }
0x3cc: {  	_ =	swait.ge [sflag:s15], $0x800  }
0x3cd: {  	[sflag:s15] =	ssyncset.done $0x0  }
0x3ce: {  	[sflag:s15] =	ssyncadd.s32 $0xFFFFF800  }
0x3cf: {  	_ =	swait.ge [sflag:s15], $0x800  }
0x3d0: {  	[sflag:s15] =	ssyncset.done $0x0  }
0x3d1: {  	[sflag:s15] =	ssyncadd.s32 $0xFFFFF800  }
0x3d2: {  	[hbm4b:s7+s2] =	stream.linear.scatter [tilespmem:s16], [sflag:$0x4], $0x800, $0x38;
	[tilespmem:$0xA100] =	vst v63  }
0x3d3: {  	s19 =	sadd.s32 $0x1, s19;
	_ =	swait.ge [sflag:s17], $0x800  }
0x3d4: {  	p0 =	sne.s32 s19, s9;
	[sflag:s17] =	ssyncset.done $0x0  }
.Ltmp2:
0x3d5: {  	[sflag:s17] =	ssyncadd.s32 $0xFFFFF800;
	(pc) =	sbr.rel @p0 .LBB2_1-.Ltmp2, $4  }
0x3d6: {  	[hbm4b:s8+s2] =	stream.linear.scatter [tilespmem:s18], [sflag:$0x4], $0x800, $0x38;
	[tilespmem:$0xA100] =	vst v63  }
0x3d7: {  	_ =	swait.ge [sflag:s17], $0x800  }
0x3d8: {  	[sflag:s17] =	ssyncset.done $0x0  }
0x3d9: {  	[sflag:s17] =	ssyncadd.s32 $0xFFFFF800  }
0x3da: {  	_ =	sfence.sel $0x180000  }
0x3db: {  	[bflag:$0x0] =	sbarrier.arrive $0xFFFF  }
0x3dc: {  	p0 =	sne.s32 s0, $0x0;
	_ =	strace $0x90000047  }
0x3dd: {  	s0 =	sadd.s32 @!p0 $0x100000, s1;
	[bflag:$0x2] =	sbarrier.arrive $0xFFFF  }
0x3de: {  	[sflag:s0] =	ssyncadd.tile.s32 @!p0 $0x1;
	_ =	shalt  }
.Lfunc_end2:
_tile_overlayer_lowered:
.L_overlay_start_2:
0x3df: {  	(tag) =	ssettag $0x2  }
0x3e0: {  	s0 =	rddreg [dreg:$0x0];
	s2 =	stileid.u32  }
0x3e1: {  	s1 =	rddreg [dreg:$0x1];
	p0 =	sne.s32 s2, $0x0  }
0x3e2: {  	s3 =	rddreg [dreg:$0x2];
	[bflag:$0x3] =	sbarrier.arrive $0xFFFF;
	s2 =	simm.s32 @!p0 $0x1C04  }
0x3e3: {  	[timem:s3], [sflag:s2] =	dma.local @!p0 [hbm:s0], s1  }
0x3e4: {  	s0 =	simm.s32 @!p0 $0x4  }
0x3e5: {  	_ =	swait.ge @!p0 [sflag:s0], s1  }
0x3e6: {  	s1 =	ssub.s32 @!p0 $0x0, s1;
	[sflag:s0] =	ssyncset.done @!p0 $0x0  }
0x3e7: {  	[sflag:s0] =	ssyncadd.s32 @!p0 s1  }
0x3e8: {  	[bflag:$0x3] =	sbarrier.arrive $0xFFFF  }
0x3e9: {  	_ =	shalt  }

</sc_bundles>
